<compile_context>
chip_gen: v7x
topology: tpu7x:2x2x1
jax: 0.10.2.dev20260603
libtpu: 0.0.44.dev20260713+nightly
codegen_flags: <defaults>
</compile_context>

<pallas_src>
import functools

import jax
import jax.numpy as jnp
from jax import lax
from jax.experimental import pallas as pl
from jax.experimental.pallas import tpu as pltpu
from jax.experimental.pallas import tpu_sc as plsc

_N = 10000
_E = 320000
_G = 64
_D = 128
_NC = 2
_NS = 16
_NW = _NC * _NS
_NP = 10240
_NPW = _NP // _NW
_NCH = 80
_NNC = _NPW // _NCH
_RPS = _NP // _NS
_HN = _NP // _NC
_EP = 327680
_ECH2 = 128
_ENC2 = _EP // _NS // _ECH2
_CAP = (_ENC2 + 2) * _ECH2
_ACC = _HN + 1024
_AZS = _ACC // _NS
_XPS = _HN // _NS
_PADV = _NP - 1

_sc_mesh = plsc.VectorSubcoreMesh(core_axis_name="c", subcore_axis_name="s")


@functools.partial(
    pl.kernel,
    out_type=(
        jax.ShapeDtypeStruct((_NC, _NP), jnp.float32),
        jax.ShapeDtypeStruct((_NP, _D), jnp.float32),
        jax.ShapeDtypeStruct((_NP, _D), jnp.float32),
        jax.ShapeDtypeStruct((_NC, _NS, _CAP), jnp.int32),
        jax.ShapeDtypeStruct((_NC, _NS, _CAP), jnp.int32),
        jax.ShapeDtypeStruct((_NC, _NS, 16), jnp.int32),
    ),
    mesh=_sc_mesh,
    compiler_params=pltpu.CompilerParams(needs_layout_passes=False),
    scratch_types=[
        pltpu.VMEM((_ENC2, _ECH2), jnp.int32),
        pltpu.VMEM((_ENC2, _ECH2), jnp.int32),
        pltpu.VMEM((_CAP,), jnp.int32),
        pltpu.VMEM((_CAP,), jnp.int32),
        pltpu.VMEM((16,), jnp.int32),
        pltpu.VMEM((_NNC, _NCH), jnp.int32),
        pltpu.VMEM((_NCH, _D), jnp.float32),
        pltpu.VMEM((_ECH2,), jnp.float32),
        pltpu.VMEM_SHARED((_NP,), jnp.float32),
        pltpu.SemaphoreType.DMA,
    ],
)
def _sc_prologue(spad, dpad, nidp, zp, emb, ztab, ones_h, zer1,
                 degs, xa, xb, slist, dlist, cnts,
                 sv, dv, slv, dlv, cntv, gidx, grows, ones_v, deg_sh, sem):
    c = lax.axis_index("c")
    s = lax.axis_index("s")
    w = c * _NS + s
    pltpu.sync_copy(zer1, deg_sh.at[pl.ds(s * _RPS, _RPS)])
    pltpu.sync_copy(ones_h, ones_v)
    pltpu.sync_copy(spad.at[s], sv)
    pltpu.sync_copy(dpad.at[s], dv)
    plsc.subcore_barrier()

    @pl.loop(0, _ENC2)
    def _deg(j):
        @pl.when(c == 0)
        def _():
            pltpu.sync_copy(ones_v, deg_sh.at[sv.at[j]], add=True)

        @pl.when(c == 1)
        def _():
            pltpu.sync_copy(ones_v, deg_sh.at[dv.at[j]], add=True)

    base = c * _HN
    lane15 = jnp.full((16,), 15, jnp.int32)

    @pl.loop(0, _ENC2, init_carry=jnp.zeros((16,), jnp.int32))
    def _cmp(j, offv):
        for k in range(_ECH2 // 16):
            d16 = dv[j, pl.ds(k * 16, 16)]
            s16 = sv[j, pl.ds(k * 16, 16)]
            dloc = d16 - base
            m = jnp.logical_and(dloc >= 0, dloc < _HN)
            cum = plsc.cumsum(m.astype(jnp.int32))
            pos = offv + cum - 1
            plsc.store_scatter(slv, [pos], s16, mask=m)
            plsc.store_scatter(dlv, [pos], dloc, mask=m)
            offv = offv + cum[lane15]
        return offv

    offv = _cmp
    fl = lax.iota(jnp.int32, 16)
    zfill = jnp.zeros((16,), jnp.int32)
    dfill = _HN + s * 64 + fl

    @pl.loop(0, 16)
    def _fill(t):
        pos = offv + t * 16 + fl
        plsc.store_scatter(slv, [pos], zfill)
        plsc.store_scatter(dlv, [pos], dfill)

    cntv[...] = jnp.maximum(((offv + 255) // 256) * 2, 2)
    pltpu.sync_copy(cntv, cnts.at[c, s])
    pltpu.sync_copy(slv, slist.at[c, s])
    pltpu.sync_copy(dlv, dlist.at[c, s])

    pltpu.sync_copy(nidp.at[w], gidx)

    @pl.loop(0, _NNC)
    def _ga(j):
        pltpu.async_copy(emb.at[gidx.at[j]], grows, sem).wait()
        pltpu.sync_copy(grows, xa.at[pl.ds(w * _NPW + j * _NCH, _NCH)])

    pltpu.sync_copy(zp.at[w], gidx)

    @pl.loop(0, _NNC)
    def _gb(j):
        pltpu.async_copy(ztab.at[gidx.at[j]], grows, sem).wait()
        pltpu.sync_copy(grows, xb.at[pl.ds(w * _NPW + j * _NCH, _NCH)])

    plsc.subcore_barrier()
    pltpu.sync_copy(deg_sh.at[pl.ds(s * _RPS, _RPS)],
                    degs.at[c, pl.ds(s * _RPS, _RPS)])


_NBUF = 2


@functools.partial(
    pl.kernel,
    out_type=jax.ShapeDtypeStruct((_NC, _HN, _D), jnp.float32),
    mesh=_sc_mesh,
    compiler_params=pltpu.CompilerParams(needs_layout_passes=False),
    scratch_types=[
        pltpu.VMEM((_ENC2 + 2, _ECH2), jnp.int32),
        pltpu.VMEM((_ENC2 + 2, _ECH2), jnp.int32),
        pltpu.VMEM((16,), jnp.int32),
        [pltpu.VMEM((_ECH2, _D), jnp.float32)] * _NBUF,
        pltpu.VMEM_SHARED((_ACC, _D), jnp.float32),
        [pltpu.SemaphoreType.DMA] * _NBUF,
        [pltpu.SemaphoreType.DMA] * _NBUF,
    ],
)
def _sc_prop(h, slist, dlist, cnts, zer128, accp,
             sidx, didx, cntv, rows, acc_sh, sg, ss):
    c = lax.axis_index("c")
    s = lax.axis_index("s")

    @pl.loop(0, _AZS // 64)
    def _zero(k):
        pltpu.sync_copy(zer128, acc_sh.at[pl.ds(s * _AZS + k * 64, 64)])

    pltpu.sync_copy(slist.at[c, s], sidx)
    pltpu.sync_copy(dlist.at[c, s], didx)
    pltpu.sync_copy(cnts.at[c, s], cntv)
    nchv = cntv[...]
    plsc.subcore_barrier()

    def _wait_gather(b):
        pltpu.make_async_copy(h.at[sidx.at[0]], rows[b], sg[b]).wait()

    def _wait_scatter(b):
        pltpu.make_async_copy(rows[b], acc_sh.at[didx.at[0]], ss[b]).wait()

    def _lt(j):
        return jnp.any(jnp.broadcast_to(j, (16,)) < nchv)

    pltpu.async_copy(h.at[sidx.at[0]], rows[0], sg[0])

    @pl.loop(0, _ENC2, step=2)
    def _edges(j0):
        @pl.when(_lt(j0))
        def _active():
            @pl.when(j0 > 0)
            def _():
                _wait_scatter(1)

            pltpu.async_copy(h.at[sidx.at[j0 + 1]], rows[1], sg[1])
            _wait_gather(0)
            pltpu.async_copy(rows[0], acc_sh.at[didx.at[j0]], ss[0], add=True)

            @pl.when(_lt(j0 + 2))
            def _():
                _wait_scatter(0)
                pltpu.async_copy(h.at[sidx.at[j0 + 2]], rows[0], sg[0])

            _wait_gather(1)
            pltpu.async_copy(rows[1], acc_sh.at[didx.at[j0 + 1]], ss[1],
                             add=True)

    _wait_scatter(0)
    _wait_scatter(1)
    plsc.subcore_barrier()
    pltpu.sync_copy(acc_sh.at[pl.ds(s * _XPS, _XPS)],
                    accp.at[c, pl.ds(s * _XPS, _XPS)])


def _norms(degs):
    ns = lax.rsqrt(jnp.maximum(degs[0][:, None], 1.0))
    nd = lax.rsqrt(jnp.maximum(degs[1][:, None], 1.0))
    return ns, nd


def _tc_h0_body(xa_ref, xb_ref, pa_ref, pb_ref, degs_ref, h0_ref):
    ns, _ = _norms(degs_ref[...])
    xa = xa_ref[...]
    xb = xb_ref[...]
    ea = jnp.where(pa_ref[...][:, None] == 1, xa[:, 64:], xa[:, :64])
    eb = jnp.where(pb_ref[...][:, None] == 1, xb[:, 64:], xb[:, :64])
    h0_ref[...] = jnp.concatenate([ea, eb], axis=1) * ns


def _tc_layer_body(accp_ref, degs_ref, w_ref, b_ref, h_ref):
    ns, nd = _norms(degs_ref[...])
    agg = jnp.concatenate([accp_ref[0], accp_ref[1]], axis=0) * nd
    o = jnp.dot(agg, w_ref[...], preferred_element_type=jnp.float32) + b_ref[...]
    h_ref[...] = jnp.maximum(o, 0.0) * ns


def _tc_final_body(accp_ref, degs_ref, gid_ref, w3_ref, b3_ref,
                   l1w_ref, l1b_ref, l2w_ref, l2b_ref, out_ref):
    _, nd = _norms(degs_ref[...])
    agg = jnp.concatenate([accp_ref[0], accp_ref[1]], axis=0) * nd
    gio = lax.broadcasted_iota(jnp.int32, (_G, _NP), 0)
    onehot = (gid_ref[...][None, :] == gio).astype(jnp.float32)
    pooled_agg = jnp.dot(onehot, agg, preferred_element_type=jnp.float32)
    counts = jnp.sum(onehot, axis=1, keepdims=True)
    pooled = (jnp.dot(pooled_agg, w3_ref[...], preferred_element_type=jnp.float32)
              + counts * b3_ref[...][None, :])
    hh = jnp.maximum(
        jnp.dot(pooled, l1w_ref[...], preferred_element_type=jnp.float32)
        + l1b_ref[...][None, :], 0.0)
    out_ref[...] = (jnp.dot(hh, l2w_ref[...], preferred_element_type=jnp.float32)
                    + l2b_ref[...][None, :])


def _tc_h0(xa, xb, pa, pb, degs):
    return pl.pallas_call(
        _tc_h0_body,
        out_shape=jax.ShapeDtypeStruct((_NP, _D), jnp.float32),
    )(xa, xb, pa, pb, degs)


def _tc_layer(accp, degs, w, b):
    return pl.pallas_call(
        _tc_layer_body,
        out_shape=jax.ShapeDtypeStruct((_NP, _D), jnp.float32),
    )(accp, degs, w, b)


def _tc_final(accp, degs, gid, w3, b3, l1w, l1b, l2w, l2b):
    return pl.pallas_call(
        _tc_final_body,
        out_shape=jax.ShapeDtypeStruct((_G, 200), jnp.float32),
    )(accp, degs, gid, w3, b3, l1w, l1b, l2w, l2b)


def kernel(edge_index, nid, z, graph_ids, init_embed, z_table,
           W1, b1, W2, b2, W3, b3, l1W, l1b, l2W, l2b):
    ei32 = edge_index.astype(jnp.int32)
    spad = jnp.pad(ei32[0], (0, _EP - _E),
                   constant_values=_PADV).reshape(_NS, _ENC2, _ECH2)
    junk = _N + (jnp.arange(_EP - _E, dtype=jnp.int32) % (_NP - _N))
    dpad = jnp.concatenate([ei32[1], junk]).reshape(_NS, _ENC2, _ECH2)
    nid32 = nid.astype(jnp.int32)
    z32 = z.astype(jnp.int32)
    emb2 = init_embed.reshape(-1, _D)
    ztab2 = z_table.reshape(-1, _D)
    nidp = jnp.pad(nid32 // 2, (0, _NP - _N)).reshape(_NW, _NNC, _NCH)
    zp = jnp.pad(z32 // 2, (0, _NP - _N)).reshape(_NW, _NNC, _NCH)
    pa = jnp.pad(nid32 % 2, (0, _NP - _N))
    pb = jnp.pad(z32 % 2, (0, _NP - _N))
    ones_h = jnp.ones((_ECH2,), jnp.float32)
    zer1 = jnp.zeros((_RPS,), jnp.float32)
    zer128 = jnp.zeros((64, _D), jnp.float32)

    degs, xa, xb, slist, dlist, cnts = _sc_prologue(
        spad, dpad, nidp, zp, emb2, ztab2, ones_h, zer1)
    slist_r = slist.reshape(_NC, _NS, _ENC2 + 2, _ECH2)
    dlist_r = dlist.reshape(_NC, _NS, _ENC2 + 2, _ECH2)
    h0 = _tc_h0(xa, xb, pa, pb, degs)
    accp1 = _sc_prop(h0, slist_r, dlist_r, cnts, zer128)
    h1 = _tc_layer(accp1, degs, W1, b1)
    accp2 = _sc_prop(h1, slist_r, dlist_r, cnts, zer128)
    h2 = _tc_layer(accp2, degs, W2, b2)
    accp3 = _sc_prop(h2, slist_r, dlist_r, cnts, zer128)
    gidp = jnp.pad(graph_ids.astype(jnp.int32), (0, _NP - _N),
                   constant_values=_G)
    return _tc_final(accp3, degs, gidp, W3, b3, l1W, l1b, l2W, l2b)

# --- scband reference (transcript-rebuilt; emitter-appended) ---
"""Pipeline reference for scband-seal-gcn-14370960573130 (READ-ONLY COPY).

The authoritative reference and input builder live on the scoring server;
editing this copy changes nothing except your own understanding.
"""

import jax, jax.numpy as jnp
import numpy as np

NUM_NODES = 10000
NUM_EDGES = 320000
NUM_GRAPHS = 64
NUM_ENT = 100000
NUM_REL = 200
INIT_DIM = 64
GCN_DIM = 128
EMBED_DIM = 128
MAX_Z = 1000


def setup_inputs(seed: int = 0) -> dict:
    key = jax.random.key(seed)
    ks = jax.random.split(key, 20)
    edge_index = jax.random.randint(ks[0], (2, NUM_EDGES), 0, NUM_NODES)
    nid = jax.random.randint(ks[1], (NUM_NODES,), 0, NUM_ENT)
    z = jax.random.randint(ks[2], (NUM_NODES,), 0, MAX_Z)
    graph_ids = jnp.sort(jax.random.randint(ks[3], (NUM_NODES,), 0, NUM_GRAPHS))
    # learned params
    init_embed = jax.random.normal(ks[4], (NUM_ENT, INIT_DIM), dtype=jnp.float32) * 0.05
    z_table = jax.random.normal(ks[5], (MAX_Z, INIT_DIM), dtype=jnp.float32) * 0.05
    d_in = 2 * INIT_DIM  # concat of entity emb and z emb
    W1 = jax.random.normal(ks[6], (d_in, GCN_DIM), dtype=jnp.float32) * (1.0 / np.sqrt(d_in))
    b1 = jnp.zeros((GCN_DIM,), dtype=jnp.float32)
    W2 = jax.random.normal(ks[7], (GCN_DIM, GCN_DIM), dtype=jnp.float32) * (1.0 / np.sqrt(GCN_DIM))
    b2 = jnp.zeros((GCN_DIM,), dtype=jnp.float32)
    W3 = jax.random.normal(ks[8], (GCN_DIM, GCN_DIM), dtype=jnp.float32) * (1.0 / np.sqrt(GCN_DIM))
    b3 = jnp.zeros((GCN_DIM,), dtype=jnp.float32)
    l1W = jax.random.normal(ks[9], (EMBED_DIM, EMBED_DIM), dtype=jnp.float32) * (1.0 / np.sqrt(EMBED_DIM))
    l1b = jnp.zeros((EMBED_DIM,), dtype=jnp.float32)
    l2W = jax.random.normal(ks[10], (EMBED_DIM, NUM_REL), dtype=jnp.float32) * (1.0 / np.sqrt(EMBED_DIM))
    l2b = jnp.zeros((NUM_REL,), dtype=jnp.float32)
    return {
        'edge_index': edge_index, 'nid': nid, 'z': z, 'graph_ids': graph_ids,
        'init_embed': init_embed, 'z_table': z_table,
        'W1': W1, 'b1': b1, 'W2': W2, 'b2': b2, 'W3': W3, 'b3': b3,
        'l1W': l1W, 'l1b': l1b, 'l2W': l2W, 'l2b': l2b,
    }


def _graph_conv(x, W, b, src, dst, n):
    # DGL GraphConv with norm='both', allow_zero_in_degree=True
    ones = jnp.ones((src.shape[0],), dtype=x.dtype)
    deg_out = jax.ops.segment_sum(ones, src, num_segments=n)
    deg_in = jax.ops.segment_sum(ones, dst, num_segments=n)
    norm_src = jnp.clip(deg_out, 1.0, None) ** -0.5
    norm_dst = jnp.clip(deg_in, 1.0, None) ** -0.5
    h = x * norm_src[:, None]
    msg = jnp.take(h, src, axis=0)
    agg = jax.ops.segment_sum(msg, dst, num_segments=n)
    agg = agg * norm_dst[:, None]
    return agg @ W + b


def reference(edge_index, nid, z, graph_ids, init_embed, z_table,
              W1, b1, W2, b2, W3, b3, l1W, l1b, l2W, l2b):
    src = edge_index[0]
    dst = edge_index[1]
    x = jnp.take(init_embed, nid, axis=0)
    z_emb = jnp.take(z_table, z, axis=0)
    x = jnp.concatenate([x, z_emb], axis=1)
    # layers[:-1] with relu (dropout identity at eval)
    x = jax.nn.relu(_graph_conv(x, W1, b1, src, dst, NUM_NODES))
    x = jax.nn.relu(_graph_conv(x, W2, b2, src, dst, NUM_NODES))
    # last layer, no relu
    x = _graph_conv(x, W3, b3, src, dst, NUM_NODES)
    # SumPooling over batched subgraphs
    pooled = jax.ops.segment_sum(x, graph_ids, num_segments=NUM_GRAPHS)
    h = jax.nn.relu(pooled @ l1W + l1b)
    out = h @ l2W + l2b
    return out

if __name__ == "__main__":
    import jax
    _d = setup_inputs()
    print(jax.jit(kernel)(*tuple(_d.values())))

</pallas_src>

<mosaic_0001>
#map = affine_map<(d0, d1) -> (0, 0)>
#map1 = affine_map<(d0, d1) -> (0, 0, 0, 0)>
#map2 = affine_map<(d0, d1) -> (0, 0, 0)>
module attributes {stable_mosaic.version = 14 : i64} {
  func.func @_sc_prop(%arg0: i32, %arg1: i32, %arg2: memref<10240x128xf32, #tpu.memory_space<hbm>>, %arg3: memref<2x16x162x128xi32, #tpu.memory_space<hbm>>, %arg4: memref<2x16x162x128xi32, #tpu.memory_space<hbm>>, %arg5: memref<2x16x16xi32, #tpu.memory_space<hbm>>, %arg6: memref<64x128xf32, #tpu.memory_space<hbm>>, %arg7: memref<2x5120x128xf32, #tpu.memory_space<hbm>>, %arg8: memref<162x128xi32, #tpu.memory_space<vmem>>, %arg9: memref<162x128xi32, #tpu.memory_space<vmem>>, %arg10: memref<16xi32, #tpu.memory_space<vmem>>, %arg11: memref<128x128xf32, #tpu.memory_space<vmem>>, %arg12: memref<128x128xf32, #tpu.memory_space<vmem>>, %arg13: memref<6144x128xf32, #tpu.memory_space<vmem_shared>>, %arg14: memref<!tpu.dma_semaphore, #tpu.memory_space<semaphore_mem>>, %arg15: memref<!tpu.dma_semaphore, #tpu.memory_space<semaphore_mem>>, %arg16: memref<!tpu.dma_semaphore, #tpu.memory_space<semaphore_mem>>, %arg17: memref<!tpu.dma_semaphore, #tpu.memory_space<semaphore_mem>>) attributes {dimension_semantics = [#tpu.dimension_semantics<core_parallel>, #tpu.dimension_semantics<subcore_parallel>], iteration_bounds = array<i64: 2, 16>, scalar_prefetch = 0 : i64, scratch_operands = 10 : i64, tpu.core_type = #tpu.core_type<sc_vector_subcore>, window_params = [{transform_indices = #map}, {transform_indices = #map1}, {transform_indices = #map1}, {transform_indices = #map2}, {transform_indices = #map}, {transform_indices = #map2}]} {
    %scan3A = arith.constant 0 : i32
    %scan3A_0 = arith.constant 6 : i32
    %scan3A_1 = arith.addi %scan3A, %scan3A_0 : i32
    %scan3A_2 = arith.constant 1 : i32
    scf.for %scan3A_33 = %scan3A to %scan3A_1 step %scan3A_2  : i32 {
      %mul3A_34 = arith.constant 1 : i32
      %mul3A_35 = arith.muli %scan3A_33, %mul3A_34 : i32
      %add3A = arith.constant 0 : i32
      %add3A_36 = arith.addi %add3A, %mul3A_35 : i32
      %mul3A_37 = arith.constant 384 : i32
      %mul3A_38 = arith.muli %arg1, %mul3A_37 : i32
      %mul3A_39 = arith.constant 64 : i32
      %mul3A_40 = arith.muli %add3A_36, %mul3A_39 : i32
      %add3A_41 = arith.addi %mul3A_38, %mul3A_40 : i32
      "tpu.region"() ({
        %run_scoped3A = tpu.sem_alloc : memref<!tpu.dma_semaphore, #tpu.memory_space<semaphore_mem>>
        %dma_start3A_42 = arith.constant 0 : i32
        %dma_start3A_43 = tpu.memref_slice %arg13[%add3A_41, %dma_start3A_42] : memref<6144x128xf32, #tpu.memory_space<vmem_shared>> -> memref<64x128xf32, #tpu.memory_space<vmem_shared>>
        tpu.enqueue_dma source(%arg6 : memref<64x128xf32, #tpu.memory_space<hbm>>) target(%dma_start3A_43 : memref<64x128xf32, #tpu.memory_space<vmem_shared>>) target_semaphore(%run_scoped3A : memref<!tpu.dma_semaphore, #tpu.memory_space<semaphore_mem>>)
        %dma_wait3A_44 = arith.constant 0 : i32
        %dma_wait3A_45 = tpu.memref_slice %arg13[%add3A_41, %dma_wait3A_44] : memref<6144x128xf32, #tpu.memory_space<vmem_shared>> -> memref<64x128xf32, #tpu.memory_space<vmem_shared>>
        tpu.wait_dma2 semaphore(%run_scoped3A : memref<!tpu.dma_semaphore, #tpu.memory_space<semaphore_mem>>) src(%arg6 : memref<64x128xf32, #tpu.memory_space<hbm>>) dst(%dma_wait3A_45 : memref<64x128xf32, #tpu.memory_space<vmem_shared>>)
        tpu.yield
      }) : () -> ()
    }
    %scan3A_3 = arith.constant 6 : i32
    "tpu.region"() ({
      %run_scoped3A = tpu.sem_alloc : memref<!tpu.dma_semaphore, #tpu.memory_space<semaphore_mem>>
      %dma_start3A_33 = arith.constant 0 : i32
      %dma_start3A_34 = arith.constant 0 : i32
      %dma_start3A_35 = tpu.memref_slice %arg3[%arg0, %arg1, %dma_start3A_33, %dma_start3A_34] : memref<2x16x162x128xi32, #tpu.memory_space<hbm>> -> memref<1x1x162x128xi32, #tpu.memory_space<hbm>>
      %dma_start3A_36 = tpu.memref_squeeze %dma_start3A_35 : memref<1x1x162x128xi32, #tpu.memory_space<hbm>> -> memref<162x128xi32, #tpu.memory_space<hbm>>
      %dma_start3A_37 = arith.constant 0 : i32
      %dma_start3A_38 = arith.constant 0 : i32
      %dma_start3A_39 = tpu.memref_slice %arg3[%arg0, %arg1, %dma_start3A_37, %dma_start3A_38] : memref<2x16x162x128xi32, #tpu.memory_space<hbm>> -> memref<1x1x162x128xi32, #tpu.memory_space<hbm>>
      %dma_start3A_40 = tpu.memref_squeeze %dma_start3A_39 : memref<1x1x162x128xi32, #tpu.memory_space<hbm>> -> memref<162x128xi32, #tpu.memory_space<hbm>>
      tpu.enqueue_dma source(%dma_start3A_40 : memref<162x128xi32, #tpu.memory_space<hbm>>) target(%arg8 : memref<162x128xi32, #tpu.memory_space<vmem>>) target_semaphore(%run_scoped3A : memref<!tpu.dma_semaphore, #tpu.memory_space<semaphore_mem>>)
      %dma_wait3A_41 = arith.constant 0 : i32
      %dma_wait3A_42 = arith.constant 0 : i32
      %dma_wait3A_43 = tpu.memref_slice %arg3[%arg0, %arg1, %dma_wait3A_41, %dma_wait3A_42] : memref<2x16x162x128xi32, #tpu.memory_space<hbm>> -> memref<1x1x162x128xi32, #tpu.memory_space<hbm>>
      %dma_wait3A_44 = tpu.memref_squeeze %dma_wait3A_43 : memref<1x1x162x128xi32, #tpu.memory_space<hbm>> -> memref<162x128xi32, #tpu.memory_space<hbm>>
      %dma_wait3A_45 = arith.constant 0 : i32
      %dma_wait3A_46 = arith.constant 0 : i32
      %dma_wait3A_47 = tpu.memref_slice %arg3[%arg0, %arg1, %dma_wait3A_45, %dma_wait3A_46] : memref<2x16x162x128xi32, #tpu.memory_space<hbm>> -> memref<1x1x162x128xi32, #tpu.memory_space<hbm>>
      %dma_wait3A_48 = tpu.memref_squeeze %dma_wait3A_47 : memref<1x1x162x128xi32, #tpu.memory_space<hbm>> -> memref<162x128xi32, #tpu.memory_space<hbm>>
      tpu.wait_dma2 semaphore(%run_scoped3A : memref<!tpu.dma_semaphore, #tpu.memory_space<semaphore_mem>>) src(%dma_wait3A_48 : memref<162x128xi32, #tpu.memory_space<hbm>>) dst(%arg8 : memref<162x128xi32, #tpu.memory_space<vmem>>)
      tpu.yield
    }) : () -> ()
    "tpu.region"() ({
      %run_scoped3A = tpu.sem_alloc : memref<!tpu.dma_semaphore, #tpu.memory_space<semaphore_mem>>
      %dma_start3A_33 = arith.constant 0 : i32
      %dma_start3A_34 = arith.constant 0 : i32
      %dma_start3A_35 = tpu.memref_slice %arg4[%arg0, %arg1, %dma_start3A_33, %dma_start3A_34] : memref<2x16x162x128xi32, #tpu.memory_space<hbm>> -> memref<1x1x162x128xi32, #tpu.memory_space<hbm>>
      %dma_start3A_36 = tpu.memref_squeeze %dma_start3A_35 : memref<1x1x162x128xi32, #tpu.memory_space<hbm>> -> memref<162x128xi32, #tpu.memory_space<hbm>>
      %dma_start3A_37 = arith.constant 0 : i32
      %dma_start3A_38 = arith.constant 0 : i32
      %dma_start3A_39 = tpu.memref_slice %arg4[%arg0, %arg1, %dma_start3A_37, %dma_start3A_38] : memref<2x16x162x128xi32, #tpu.memory_space<hbm>> -> memref<1x1x162x128xi32, #tpu.memory_space<hbm>>
      %dma_start3A_40 = tpu.memref_squeeze %dma_start3A_39 : memref<1x1x162x128xi32, #tpu.memory_space<hbm>> -> memref<162x128xi32, #tpu.memory_space<hbm>>
      tpu.enqueue_dma source(%dma_start3A_40 : memref<162x128xi32, #tpu.memory_space<hbm>>) target(%arg9 : memref<162x128xi32, #tpu.memory_space<vmem>>) target_semaphore(%run_scoped3A : memref<!tpu.dma_semaphore, #tpu.memory_space<semaphore_mem>>)
      %dma_wait3A_41 = arith.constant 0 : i32
      %dma_wait3A_42 = arith.constant 0 : i32
      %dma_wait3A_43 = tpu.memref_slice %arg4[%arg0, %arg1, %dma_wait3A_41, %dma_wait3A_42] : memref<2x16x162x128xi32, #tpu.memory_space<hbm>> -> memref<1x1x162x128xi32, #tpu.memory_space<hbm>>
      %dma_wait3A_44 = tpu.memref_squeeze %dma_wait3A_43 : memref<1x1x162x128xi32, #tpu.memory_space<hbm>> -> memref<162x128xi32, #tpu.memory_space<hbm>>
      %dma_wait3A_45 = arith.constant 0 : i32
      %dma_wait3A_46 = arith.constant 0 : i32
      %dma_wait3A_47 = tpu.memref_slice %arg4[%arg0, %arg1, %dma_wait3A_45, %dma_wait3A_46] : memref<2x16x162x128xi32, #tpu.memory_space<hbm>> -> memref<1x1x162x128xi32, #tpu.memory_space<hbm>>
      %dma_wait3A_48 = tpu.memref_squeeze %dma_wait3A_47 : memref<1x1x162x128xi32, #tpu.memory_space<hbm>> -> memref<162x128xi32, #tpu.memory_space<hbm>>
      tpu.wait_dma2 semaphore(%run_scoped3A : memref<!tpu.dma_semaphore, #tpu.memory_space<semaphore_mem>>) src(%dma_wait3A_48 : memref<162x128xi32, #tpu.memory_space<hbm>>) dst(%arg9 : memref<162x128xi32, #tpu.memory_space<vmem>>)
      tpu.yield
    }) : () -> ()
    "tpu.region"() ({
      %run_scoped3A = tpu.sem_alloc : memref<!tpu.dma_semaphore, #tpu.memory_space<semaphore_mem>>
      %dma_start3A_33 = arith.constant 0 : i32
      %dma_start3A_34 = tpu.memref_slice %arg5[%arg0, %arg1, %dma_start3A_33] : memref<2x16x16xi32, #tpu.memory_space<hbm>> -> memref<1x1x16xi32, #tpu.memory_space<hbm>>
      %dma_start3A_35 = tpu.memref_squeeze %dma_start3A_34 : memref<1x1x16xi32, #tpu.memory_space<hbm>> -> memref<16xi32, #tpu.memory_space<hbm>>
      %dma_start3A_36 = arith.constant 0 : i32
      %dma_start3A_37 = tpu.memref_slice %arg5[%arg0, %arg1, %dma_start3A_36] : memref<2x16x16xi32, #tpu.memory_space<hbm>> -> memref<1x1x16xi32, #tpu.memory_space<hbm>>
      %dma_start3A_38 = tpu.memref_squeeze %dma_start3A_37 : memref<1x1x16xi32, #tpu.memory_space<hbm>> -> memref<16xi32, #tpu.memory_space<hbm>>
      tpu.enqueue_dma source(%dma_start3A_38 : memref<16xi32, #tpu.memory_space<hbm>>) target(%arg10 : memref<16xi32, #tpu.memory_space<vmem>>) target_semaphore(%run_scoped3A : memref<!tpu.dma_semaphore, #tpu.memory_space<semaphore_mem>>)
      %dma_wait3A_39 = arith.constant 0 : i32
      %dma_wait3A_40 = tpu.memref_slice %arg5[%arg0, %arg1, %dma_wait3A_39] : memref<2x16x16xi32, #tpu.memory_space<hbm>> -> memref<1x1x16xi32, #tpu.memory_space<hbm>>
      %dma_wait3A_41 = tpu.memref_squeeze %dma_wait3A_40 : memref<1x1x16xi32, #tpu.memory_space<hbm>> -> memref<16xi32, #tpu.memory_space<hbm>>
      %dma_wait3A_42 = arith.constant 0 : i32
      %dma_wait3A_43 = tpu.memref_slice %arg5[%arg0, %arg1, %dma_wait3A_42] : memref<2x16x16xi32, #tpu.memory_space<hbm>> -> memref<1x1x16xi32, #tpu.memory_space<hbm>>
      %dma_wait3A_44 = tpu.memref_squeeze %dma_wait3A_43 : memref<1x1x16xi32, #tpu.memory_space<hbm>> -> memref<16xi32, #tpu.memory_space<hbm>>
      tpu.wait_dma2 semaphore(%run_scoped3A : memref<!tpu.dma_semaphore, #tpu.memory_space<semaphore_mem>>) src(%dma_wait3A_44 : memref<16xi32, #tpu.memory_space<hbm>>) dst(%arg10 : memref<16xi32, #tpu.memory_space<vmem>>)
      tpu.yield
    }) : () -> ()
    %get3A = arith.constant 0 : index
    %get3A_4 = tpu.vector_load %arg10[%get3A] {strides = array<i32>} : memref<16xi32, #tpu.memory_space<vmem>>, vector<16xi32>,
    %barrier3A = arith.constant 0 : index
    tpu.barrier barrier_id(%barrier3A)
    %dma_start3A = arith.constant 0 : i32
    %dma_start3A_5 = arith.constant 0 : i32
    %dma_start3A_6 = tpu.memref_slice %arg8[%dma_start3A, %dma_start3A_5] : memref<162x128xi32, #tpu.memory_space<vmem>> -> memref<1x128xi32, #tpu.memory_space<vmem>>
    %dma_start3A_7 = tpu.memref_squeeze %dma_start3A_6 : memref<1x128xi32, #tpu.memory_space<vmem>> -> memref<128xi32, #tpu.memory_space<vmem>>
    %dma_start3A_8 = arith.constant 0 : i32
    %dma_start3A_9 = arith.constant 0 : i32
    %dma_start3A_10 = tpu.memref_slice %arg2[%dma_start3A_8, %dma_start3A_9] : memref<10240x128xf32, #tpu.memory_space<hbm>> -> memref<10240x128xf32, #tpu.memory_space<hbm>>
    tpu.enqueue_indirect_dma source(%dma_start3A_10 : memref<10240x128xf32, #tpu.memory_space<hbm>>) target(%arg11 : memref<128x128xf32, #tpu.memory_space<vmem>>) offsets(%dma_start3A_7 : memref<128xi32, #tpu.memory_space<vmem>>) semaphore(%arg14 : memref<!tpu.dma_semaphore, #tpu.memory_space<semaphore_mem>>)
    %scan3A_11 = arith.constant 0 : i32
    %scan3A_12 = arith.constant 80 : i32
    %scan3A_13 = arith.addi %scan3A_11, %scan3A_12 : i32
    %scan3A_14 = arith.constant 1 : i32
    scf.for %scan3A_33 = %scan3A_11 to %scan3A_13 step %scan3A_14  : i32 {
      %mul3A_34 = arith.constant 2 : i32
      %mul3A_35 = arith.muli %scan3A_33, %mul3A_34 : i32
      %add3A = arith.constant 0 : i32
      %add3A_36 = arith.addi %add3A, %mul3A_35 : i32
      %broadcast_in_dim3A = vector.broadcast %add3A_36 : i32 to vector<16xi32>
      %lt3A = arith.cmpi slt, %broadcast_in_dim3A, %get3A_4 : vector<16xi32>
      %reduce_or3A = arith.constant 1.000000e+00 : f32
      %reduce_or3A_37 = arith.constant 0.000000e+00 : f32
      %reduce_or3A_38 = vector.broadcast %reduce_or3A : f32 to vector<16xf32>
      %reduce_or3A_39 = vector.broadcast %reduce_or3A_37 : f32 to vector<16xf32>
      %reduce_or3A_40 = arith.select %lt3A, %reduce_or3A_38, %reduce_or3A_39 : vector<16xi1>, vector<16xf32>
      %reduce_or3A_41 = arith.constant true
      %reduce_or3A_42 = vector.broadcast %reduce_or3A_41 : i1 to vector<16xi1>
      %reduce_or3A_43 = tpu.scan <max>, %reduce_or3A_40 masked %reduce_or3A_42 : vector<16xf32>, vector<16xi1> -> vector<16xf32>
      %reduce_or3A_44 = vector.extract %reduce_or3A_43[15] : f32 from vector<16xf32>
      %reduce_or3A_45 = arith.constant 0.000000e+00 : f32
      %reduce_or3A_46 = arith.cmpf ogt, %reduce_or3A_44, %reduce_or3A_45 : f32
      %convert_element_type3A = arith.extui %reduce_or3A_46 : i1 to i32
      %cond3A = arith.constant 0 : i32
      %cond3A_47 = arith.cmpi ne, %convert_element_type3A, %cond3A : i32
      scf.if %cond3A_47 {
        %gt3A = arith.constant 0 : i32
        %gt3A_48 = arith.cmpi sgt, %add3A_36, %gt3A : i32
        %convert_element_type3A_49 = arith.extui %gt3A_48 : i1 to i32
        %cond3A_50 = arith.constant 0 : i32
        %cond3A_51 = arith.cmpi ne, %convert_element_type3A_49, %cond3A_50 : i32
        scf.if %cond3A_51 {
          %dma_wait3A_106 = arith.constant 0 : i32
          %dma_wait3A_107 = arith.constant 0 : i32
          %dma_wait3A_108 = tpu.memref_slice %arg9[%dma_wait3A_106, %dma_wait3A_107] : memref<162x128xi32, #tpu.memory_space<vmem>> -> memref<1x128xi32, #tpu.memory_space<vmem>>
          %dma_wait3A_109 = tpu.memref_squeeze %dma_wait3A_108 : memref<1x128xi32, #tpu.memory_space<vmem>> -> memref<128xi32, #tpu.memory_space<vmem>>
          %dma_wait3A_110 = arith.constant 0 : i32
          %dma_wait3A_111 = arith.constant 0 : i32
          %dma_wait3A_112 = tpu.memref_slice %arg13[%dma_wait3A_110, %dma_wait3A_111] : memref<6144x128xf32, #tpu.memory_space<vmem_shared>> -> memref<6144x128xf32, #tpu.memory_space<vmem_shared>>
          tpu.wait_indirect_dma semaphore(%arg17 : memref<!tpu.dma_semaphore, #tpu.memory_space<semaphore_mem>>) src(%arg12 : memref<128x128xf32, #tpu.memory_space<vmem>>) dst(%dma_wait3A_112 : memref<6144x128xf32, #tpu.memory_space<vmem_shared>>)
        } else {
        }
        %add3A_52 = arith.constant 1 : i32
        %add3A_53 = arith.addi %add3A_36, %add3A_52 : i32
        %dma_start3A_54 = arith.constant 0 : i32
        %dma_start3A_55 = tpu.memref_slice %arg8[%add3A_53, %dma_start3A_54] : memref<162x128xi32, #tpu.memory_space<vmem>> -> memref<1x128xi32, #tpu.memory_space<vmem>>
        %dma_start3A_56 = tpu.memref_squeeze %dma_start3A_55 : memref<1x128xi32, #tpu.memory_space<vmem>> -> memref<128xi32, #tpu.memory_space<vmem>>
        %dma_start3A_57 = arith.constant 0 : i32
        %dma_start3A_58 = arith.constant 0 : i32
        %dma_start3A_59 = tpu.memref_slice %arg2[%dma_start3A_57, %dma_start3A_58] : memref<10240x128xf32, #tpu.memory_space<hbm>> -> memref<10240x128xf32, #tpu.memory_space<hbm>>
        tpu.enqueue_indirect_dma source(%dma_start3A_59 : memref<10240x128xf32, #tpu.memory_space<hbm>>) target(%arg12 : memref<128x128xf32, #tpu.memory_space<vmem>>) offsets(%dma_start3A_56 : memref<128xi32, #tpu.memory_space<vmem>>) semaphore(%arg15 : memref<!tpu.dma_semaphore, #tpu.memory_space<semaphore_mem>>)
        %dma_wait3A_60 = arith.constant 0 : i32
        %dma_wait3A_61 = arith.constant 0 : i32
        %dma_wait3A_62 = tpu.memref_slice %arg8[%dma_wait3A_60, %dma_wait3A_61] : memref<162x128xi32, #tpu.memory_space<vmem>> -> memref<1x128xi32, #tpu.memory_space<vmem>>
        %dma_wait3A_63 = tpu.memref_squeeze %dma_wait3A_62 : memref<1x128xi32, #tpu.memory_space<vmem>> -> memref<128xi32, #tpu.memory_space<vmem>>
        %dma_wait3A_64 = arith.constant 0 : i32
        %dma_wait3A_65 = arith.constant 0 : i32
        %dma_wait3A_66 = tpu.memref_slice %arg2[%dma_wait3A_64, %dma_wait3A_65] : memref<10240x128xf32, #tpu.memory_space<hbm>> -> memref<10240x128xf32, #tpu.memory_space<hbm>>
        tpu.wait_indirect_dma semaphore(%arg14 : memref<!tpu.dma_semaphore, #tpu.memory_space<semaphore_mem>>) src(%dma_wait3A_66 : memref<10240x128xf32, #tpu.memory_space<hbm>>) dst(%arg11 : memref<128x128xf32, #tpu.memory_space<vmem>>)
        %dma_start3A_67 = arith.constant 0 : i32
        %dma_start3A_68 = tpu.memref_slice %arg9[%add3A_36, %dma_start3A_67] : memref<162x128xi32, #tpu.memory_space<vmem>> -> memref<1x128xi32, #tpu.memory_space<vmem>>
        %dma_start3A_69 = tpu.memref_squeeze %dma_start3A_68 : memref<1x128xi32, #tpu.memory_space<vmem>> -> memref<128xi32, #tpu.memory_space<vmem>>
        %dma_start3A_70 = arith.constant 0 : i32
        %dma_start3A_71 = arith.constant 0 : i32
        %dma_start3A_72 = tpu.memref_slice %arg13[%dma_start3A_70, %dma_start3A_71] : memref<6144x128xf32, #tpu.memory_space<vmem_shared>> -> memref<6144x128xf32, #tpu.memory_space<vmem_shared>>
        tpu.enqueue_indirect_dma source(%arg11 : memref<128x128xf32, #tpu.memory_space<vmem>>) target(%dma_start3A_72 : memref<6144x128xf32, #tpu.memory_space<vmem_shared>>) offsets(%dma_start3A_69 : memref<128xi32, #tpu.memory_space<vmem>>) semaphore(%arg16 : memref<!tpu.dma_semaphore, #tpu.memory_space<semaphore_mem>>) {add = true}
        %add3A_73 = arith.constant 2 : i32
        %add3A_74 = arith.addi %add3A_36, %add3A_73 : i32
        %broadcast_in_dim3A_75 = vector.broadcast %add3A_74 : i32 to vector<16xi32>
        %lt3A_76 = arith.cmpi slt, %broadcast_in_dim3A_75, %get3A_4 : vector<16xi32>
        %reduce_or3A_77 = arith.constant 1.000000e+00 : f32
        %reduce_or3A_78 = arith.constant 0.000000e+00 : f32
        %reduce_or3A_79 = vector.broadcast %reduce_or3A_77 : f32 to vector<16xf32>
        %reduce_or3A_80 = vector.broadcast %reduce_or3A_78 : f32 to vector<16xf32>
        %reduce_or3A_81 = arith.select %lt3A_76, %reduce_or3A_79, %reduce_or3A_80 : vector<16xi1>, vector<16xf32>
        %reduce_or3A_82 = arith.constant true
        %reduce_or3A_83 = vector.broadcast %reduce_or3A_82 : i1 to vector<16xi1>
        %reduce_or3A_84 = tpu.scan <max>, %reduce_or3A_81 masked %reduce_or3A_83 : vector<16xf32>, vector<16xi1> -> vector<16xf32>
        %reduce_or3A_85 = vector.extract %reduce_or3A_84[15] : f32 from vector<16xf32>
        %reduce_or3A_86 = arith.constant 0.000000e+00 : f32
        %reduce_or3A_87 = arith.cmpf ogt, %reduce_or3A_85, %reduce_or3A_86 : f32
        %convert_element_type3A_88 = arith.extui %reduce_or3A_87 : i1 to i32
        %cond3A_89 = arith.constant 0 : i32
        %cond3A_90 = arith.cmpi ne, %convert_element_type3A_88, %cond3A_89 : i32
        scf.if %cond3A_90 {
          %dma_wait3A_106 = arith.constant 0 : i32
          %dma_wait3A_107 = arith.constant 0 : i32
          %dma_wait3A_108 = tpu.memref_slice %arg9[%dma_wait3A_106, %dma_wait3A_107] : memref<162x128xi32, #tpu.memory_space<vmem>> -> memref<1x128xi32, #tpu.memory_space<vmem>>
          %dma_wait3A_109 = tpu.memref_squeeze %dma_wait3A_108 : memref<1x128xi32, #tpu.memory_space<vmem>> -> memref<128xi32, #tpu.memory_space<vmem>>
          %dma_wait3A_110 = arith.constant 0 : i32
          %dma_wait3A_111 = arith.constant 0 : i32
          %dma_wait3A_112 = tpu.memref_slice %arg13[%dma_wait3A_110, %dma_wait3A_111] : memref<6144x128xf32, #tpu.memory_space<vmem_shared>> -> memref<6144x128xf32, #tpu.memory_space<vmem_shared>>
          tpu.wait_indirect_dma semaphore(%arg16 : memref<!tpu.dma_semaphore, #tpu.memory_space<semaphore_mem>>) src(%arg11 : memref<128x128xf32, #tpu.memory_space<vmem>>) dst(%dma_wait3A_112 : memref<6144x128xf32, #tpu.memory_space<vmem_shared>>)
          %add3A_113 = arith.constant 2 : i32
          %add3A_114 = arith.addi %add3A_36, %add3A_113 : i32
          %dma_start3A_115 = arith.constant 0 : i32
          %dma_start3A_116 = tpu.memref_slice %arg8[%add3A_114, %dma_start3A_115] : memref<162x128xi32, #tpu.memory_space<vmem>> -> memref<1x128xi32, #tpu.memory_space<vmem>>
          %dma_start3A_117 = tpu.memref_squeeze %dma_start3A_116 : memref<1x128xi32, #tpu.memory_space<vmem>> -> memref<128xi32, #tpu.memory_space<vmem>>
          %dma_start3A_118 = arith.constant 0 : i32
          %dma_start3A_119 = arith.constant 0 : i32
          %dma_start3A_120 = tpu.memref_slice %arg2[%dma_start3A_118, %dma_start3A_119] : memref<10240x128xf32, #tpu.memory_space<hbm>> -> memref<10240x128xf32, #tpu.memory_space<hbm>>
          tpu.enqueue_indirect_dma source(%dma_start3A_120 : memref<10240x128xf32, #tpu.memory_space<hbm>>) target(%arg11 : memref<128x128xf32, #tpu.memory_space<vmem>>) offsets(%dma_start3A_117 : memref<128xi32, #tpu.memory_space<vmem>>) semaphore(%arg14 : memref<!tpu.dma_semaphore, #tpu.memory_space<semaphore_mem>>)
        } else {
        }
        %dma_wait3A_91 = arith.constant 0 : i32
        %dma_wait3A_92 = arith.constant 0 : i32
        %dma_wait3A_93 = tpu.memref_slice %arg8[%dma_wait3A_91, %dma_wait3A_92] : memref<162x128xi32, #tpu.memory_space<vmem>> -> memref<1x128xi32, #tpu.memory_space<vmem>>
        %dma_wait3A_94 = tpu.memref_squeeze %dma_wait3A_93 : memref<1x128xi32, #tpu.memory_space<vmem>> -> memref<128xi32, #tpu.memory_space<vmem>>
        %dma_wait3A_95 = arith.constant 0 : i32
        %dma_wait3A_96 = arith.constant 0 : i32
        %dma_wait3A_97 = tpu.memref_slice %arg2[%dma_wait3A_95, %dma_wait3A_96] : memref<10240x128xf32, #tpu.memory_space<hbm>> -> memref<10240x128xf32, #tpu.memory_space<hbm>>
        tpu.wait_indirect_dma semaphore(%arg15 : memref<!tpu.dma_semaphore, #tpu.memory_space<semaphore_mem>>) src(%dma_wait3A_97 : memref<10240x128xf32, #tpu.memory_space<hbm>>) dst(%arg12 : memref<128x128xf32, #tpu.memory_space<vmem>>)
        %add3A_98 = arith.constant 1 : i32
        %add3A_99 = arith.addi %add3A_36, %add3A_98 : i32
        %dma_start3A_100 = arith.constant 0 : i32
        %dma_start3A_101 = tpu.memref_slice %arg9[%add3A_99, %dma_start3A_100] : memref<162x128xi32, #tpu.memory_space<vmem>> -> memref<1x128xi32, #tpu.memory_space<vmem>>
        %dma_start3A_102 = tpu.memref_squeeze %dma_start3A_101 : memref<1x128xi32, #tpu.memory_space<vmem>> -> memref<128xi32, #tpu.memory_space<vmem>>
        %dma_start3A_103 = arith.constant 0 : i32
        %dma_start3A_104 = arith.constant 0 : i32
        %dma_start3A_105 = tpu.memref_slice %arg13[%dma_start3A_103, %dma_start3A_104] : memref<6144x128xf32, #tpu.memory_space<vmem_shared>> -> memref<6144x128xf32, #tpu.memory_space<vmem_shared>>
        tpu.enqueue_indirect_dma source(%arg12 : memref<128x128xf32, #tpu.memory_space<vmem>>) target(%dma_start3A_105 : memref<6144x128xf32, #tpu.memory_space<vmem_shared>>) offsets(%dma_start3A_102 : memref<128xi32, #tpu.memory_space<vmem>>) semaphore(%arg17 : memref<!tpu.dma_semaphore, #tpu.memory_space<semaphore_mem>>) {add = true}
      } else {
      }
    }
    %scan3A_15 = arith.constant 80 : i32
    %dma_wait3A = arith.constant 0 : i32
    %dma_wait3A_16 = arith.constant 0 : i32
    %dma_wait3A_17 = tpu.memref_slice %arg9[%dma_wait3A, %dma_wait3A_16] : memref<162x128xi32, #tpu.memory_space<vmem>> -> memref<1x128xi32, #tpu.memory_space<vmem>>
    %dma_wait3A_18 = tpu.memref_squeeze %dma_wait3A_17 : memref<1x128xi32, #tpu.memory_space<vmem>> -> memref<128xi32, #tpu.memory_space<vmem>>
    %dma_wait3A_19 = arith.constant 0 : i32
    %dma_wait3A_20 = arith.constant 0 : i32
    %dma_wait3A_21 = tpu.memref_slice %arg13[%dma_wait3A_19, %dma_wait3A_20] : memref<6144x128xf32, #tpu.memory_space<vmem_shared>> -> memref<6144x128xf32, #tpu.memory_space<vmem_shared>>
    tpu.wait_indirect_dma semaphore(%arg16 : memref<!tpu.dma_semaphore, #tpu.memory_space<semaphore_mem>>) src(%arg11 : memref<128x128xf32, #tpu.memory_space<vmem>>) dst(%dma_wait3A_21 : memref<6144x128xf32, #tpu.memory_space<vmem_shared>>)
    %dma_wait3A_22 = arith.constant 0 : i32
    %dma_wait3A_23 = arith.constant 0 : i32
    %dma_wait3A_24 = tpu.memref_slice %arg9[%dma_wait3A_22, %dma_wait3A_23] : memref<162x128xi32, #tpu.memory_space<vmem>> -> memref<1x128xi32, #tpu.memory_space<vmem>>
    %dma_wait3A_25 = tpu.memref_squeeze %dma_wait3A_24 : memref<1x128xi32, #tpu.memory_space<vmem>> -> memref<128xi32, #tpu.memory_space<vmem>>
    %dma_wait3A_26 = arith.constant 0 : i32
    %dma_wait3A_27 = arith.constant 0 : i32
    %dma_wait3A_28 = tpu.memref_slice %arg13[%dma_wait3A_26, %dma_wait3A_27] : memref<6144x128xf32, #tpu.memory_space<vmem_shared>> -> memref<6144x128xf32, #tpu.memory_space<vmem_shared>>
    tpu.wait_indirect_dma semaphore(%arg17 : memref<!tpu.dma_semaphore, #tpu.memory_space<semaphore_mem>>) src(%arg12 : memref<128x128xf32, #tpu.memory_space<vmem>>) dst(%dma_wait3A_28 : memref<6144x128xf32, #tpu.memory_space<vmem_shared>>)
    %barrier3A_29 = arith.constant 0 : index
    tpu.barrier barrier_id(%barrier3A_29)
    %mul3A = arith.constant 320 : i32
    %mul3A_30 = arith.muli %arg1, %mul3A : i32
    %mul3A_31 = arith.constant 320 : i32
    %mul3A_32 = arith.muli %arg1, %mul3A_31 : i32
    "tpu.region"() ({
      %run_scoped3A = tpu.sem_alloc : memref<!tpu.dma_semaphore, #tpu.memory_space<semaphore_mem>>
      %dma_start3A_33 = arith.constant 0 : i32
      %dma_start3A_34 = tpu.memref_slice %arg7[%arg0, %mul3A_32, %dma_start3A_33] : memref<2x5120x128xf32, #tpu.memory_space<hbm>> -> memref<1x320x128xf32, #tpu.memory_space<hbm>>
      %dma_start3A_35 = tpu.memref_squeeze %dma_start3A_34 : memref<1x320x128xf32, #tpu.memory_space<hbm>> -> memref<320x128xf32, #tpu.memory_space<hbm>>
      %dma_start3A_36 = arith.constant 0 : i32
      %dma_start3A_37 = tpu.memref_slice %arg13[%mul3A_30, %dma_start3A_36] : memref<6144x128xf32, #tpu.memory_space<vmem_shared>> -> memref<320x128xf32, #tpu.memory_space<vmem_shared>>
      tpu.enqueue_dma source(%dma_start3A_37 : memref<320x128xf32, #tpu.memory_space<vmem_shared>>) target(%dma_start3A_35 : memref<320x128xf32, #tpu.memory_space<hbm>>) target_semaphore(%run_scoped3A : memref<!tpu.dma_semaphore, #tpu.memory_space<semaphore_mem>>)
      %dma_wait3A_38 = arith.constant 0 : i32
      %dma_wait3A_39 = tpu.memref_slice %arg7[%arg0, %mul3A_32, %dma_wait3A_38] : memref<2x5120x128xf32, #tpu.memory_space<hbm>> -> memref<1x320x128xf32, #tpu.memory_space<hbm>>
      %dma_wait3A_40 = tpu.memref_squeeze %dma_wait3A_39 : memref<1x320x128xf32, #tpu.memory_space<hbm>> -> memref<320x128xf32, #tpu.memory_space<hbm>>
      %dma_wait3A_41 = arith.constant 0 : i32
      %dma_wait3A_42 = tpu.memref_slice %arg13[%mul3A_30, %dma_wait3A_41] : memref<6144x128xf32, #tpu.memory_space<vmem_shared>> -> memref<320x128xf32, #tpu.memory_space<vmem_shared>>
      tpu.wait_dma2 semaphore(%run_scoped3A : memref<!tpu.dma_semaphore, #tpu.memory_space<semaphore_mem>>) src(%dma_wait3A_42 : memref<320x128xf32, #tpu.memory_space<vmem_shared>>) dst(%dma_wait3A_40 : memref<320x128xf32, #tpu.memory_space<hbm>>)
      tpu.yield
    }) : () -> ()
    return
  }
}

#map = affine_map<(d0, d1) -> (0, 0)>
#map1 = affine_map<(d0, d1) -> (0, 0, 0, 0)>
#map2 = affine_map<(d0, d1) -> (0, 0, 0)>
module attributes {stable_mosaic.version = 14 : i64} {
  func.func @_sc_prop(%arg0: i32, %arg1: i32, %arg2: memref<10240x128xf32, #tpu.memory_space<hbm>>, %arg3: memref<2x16x162x128xi32, #tpu.memory_space<hbm>>, %arg4: memref<2x16x162x128xi32, #tpu.memory_space<hbm>>, %arg5: memref<2x16x16xi32, #tpu.memory_space<hbm>>, %arg6: memref<64x128xf32, #tpu.memory_space<hbm>>, %arg7: memref<2x5120x128xf32, #tpu.memory_space<hbm>>, %arg8: memref<162x128xi32, #tpu.memory_space<vmem>>, %arg9: memref<162x128xi32, #tpu.memory_space<vmem>>, %arg10: memref<16xi32, #tpu.memory_space<vmem>>, %arg11: memref<128x128xf32, #tpu.memory_space<vmem>>, %arg12: memref<128x128xf32, #tpu.memory_space<vmem>>, %arg13: memref<6144x128xf32, #tpu.memory_space<vmem_shared>>, %arg14: memref<!tpu.dma_semaphore, #tpu.memory_space<semaphore_mem>>, %arg15: memref<!tpu.dma_semaphore, #tpu.memory_space<semaphore_mem>>, %arg16: memref<!tpu.dma_semaphore, #tpu.memory_space<semaphore_mem>>, %arg17: memref<!tpu.dma_semaphore, #tpu.memory_space<semaphore_mem>>) attributes {dimension_semantics = [#tpu.dimension_semantics<core_parallel>, #tpu.dimension_semantics<subcore_parallel>], iteration_bounds = array<i64: 2, 16>, scalar_prefetch = 0 : i64, scratch_operands = 10 : i64, tpu.core_type = #tpu.core_type<sc_vector_subcore>, window_params = [{transform_indices = #map}, {transform_indices = #map1}, {transform_indices = #map1}, {transform_indices = #map2}, {transform_indices = #map}, {transform_indices = #map2}]} {
    %scan3A = arith.constant 0 : i32
    %scan3A_0 = arith.constant 6 : i32
    %scan3A_1 = arith.addi %scan3A, %scan3A_0 : i32
    %scan3A_2 = arith.constant 1 : i32
    scf.for %scan3A_33 = %scan3A to %scan3A_1 step %scan3A_2  : i32 {
      %mul3A_34 = arith.constant 1 : i32
      %mul3A_35 = arith.muli %scan3A_33, %mul3A_34 : i32
      %add3A = arith.constant 0 : i32
      %add3A_36 = arith.addi %add3A, %mul3A_35 : i32
      %mul3A_37 = arith.constant 384 : i32
      %mul3A_38 = arith.muli %arg1, %mul3A_37 : i32
      %mul3A_39 = arith.constant 64 : i32
      %mul3A_40 = arith.muli %add3A_36, %mul3A_39 : i32
      %add3A_41 = arith.addi %mul3A_38, %mul3A_40 : i32
      "tpu.region"() ({
        %run_scoped3A = tpu.sem_alloc : memref<!tpu.dma_semaphore, #tpu.memory_space<semaphore_mem>>
        %dma_start3A_42 = arith.constant 0 : i32
        %dma_start3A_43 = tpu.memref_slice %arg13[%add3A_41, %dma_start3A_42] : memref<6144x128xf32, #tpu.memory_space<vmem_shared>> -> memref<64x128xf32, #tpu.memory_space<vmem_shared>>
        tpu.enqueue_dma source(%arg6 : memref<64x128xf32, #tpu.memory_space<hbm>>) target(%dma_start3A_43 : memref<64x128xf32, #tpu.memory_space<vmem_shared>>) target_semaphore(%run_scoped3A : memref<!tpu.dma_semaphore, #tpu.memory_space<semaphore_mem>>)
        %dma_wait3A_44 = arith.constant 0 : i32
        %dma_wait3A_45 = tpu.memref_slice %arg13[%add3A_41, %dma_wait3A_44] : memref<6144x128xf32, #tpu.memory_space<vmem_shared>> -> memref<64x128xf32, #tpu.memory_space<vmem_shared>>
        tpu.wait_dma2 semaphore(%run_scoped3A : memref<!tpu.dma_semaphore, #tpu.memory_space<semaphore_mem>>) src(%arg6 : memref<64x128xf32, #tpu.memory_space<hbm>>) dst(%dma_wait3A_45 : memref<64x128xf32, #tpu.memory_space<vmem_shared>>)
        tpu.yield
      }) : () -> ()
    }
    %scan3A_3 = arith.constant 6 : i32
    "tpu.region"() ({
      %run_scoped3A = tpu.sem_alloc : memref<!tpu.dma_semaphore, #tpu.memory_space<semaphore_mem>>
      %dma_start3A_33 = arith.constant 0 : i32
      %dma_start3A_34 = arith.constant 0 : i32
      %dma_start3A_35 = tpu.memref_slice %arg3[%arg0, %arg1, %dma_start3A_33, %dma_start3A_34] : memref<2x16x162x128xi32, #tpu.memory_space<hbm>> -> memref<1x1x162x128xi32, #tpu.memory_space<hbm>>
      %dma_start3A_36 = tpu.memref_squeeze %dma_start3A_35 : memref<1x1x162x128xi32, #tpu.memory_space<hbm>> -> memref<162x128xi32, #tpu.memory_space<hbm>>
      %dma_start3A_37 = arith.constant 0 : i32
      %dma_start3A_38 = arith.constant 0 : i32
      %dma_start3A_39 = tpu.memref_slice %arg3[%arg0, %arg1, %dma_start3A_37, %dma_start3A_38] : memref<2x16x162x128xi32, #tpu.memory_space<hbm>> -> memref<1x1x162x128xi32, #tpu.memory_space<hbm>>
      %dma_start3A_40 = tpu.memref_squeeze %dma_start3A_39 : memref<1x1x162x128xi32, #tpu.memory_space<hbm>> -> memref<162x128xi32, #tpu.memory_space<hbm>>
      tpu.enqueue_dma source(%dma_start3A_40 : memref<162x128xi32, #tpu.memory_space<hbm>>) target(%arg8 : memref<162x128xi32, #tpu.memory_space<vmem>>) target_semaphore(%run_scoped3A : memref<!tpu.dma_semaphore, #tpu.memory_space<semaphore_mem>>)
      %dma_wait3A_41 = arith.constant 0 : i32
      %dma_wait3A_42 = arith.constant 0 : i32
      %dma_wait3A_43 = tpu.memref_slice %arg3[%arg0, %arg1, %dma_wait3A_41, %dma_wait3A_42] : memref<2x16x162x128xi32, #tpu.memory_space<hbm>> -> memref<1x1x162x128xi32, #tpu.memory_space<hbm>>
      %dma_wait3A_44 = tpu.memref_squeeze %dma_wait3A_43 : memref<1x1x162x128xi32, #tpu.memory_space<hbm>> -> memref<162x128xi32, #tpu.memory_space<hbm>>
      %dma_wait3A_45 = arith.constant 0 : i32
      %dma_wait3A_46 = arith.constant 0 : i32
      %dma_wait3A_47 = tpu.memref_slice %arg3[%arg0, %arg1, %dma_wait3A_45, %dma_wait3A_46] : memref<2x16x162x128xi32, #tpu.memory_space<hbm>> -> memref<1x1x162x128xi32, #tpu.memory_space<hbm>>
      %dma_wait3A_48 = tpu.memref_squeeze %dma_wait3A_47 : memref<1x1x162x128xi32, #tpu.memory_space<hbm>> -> memref<162x128xi32, #tpu.memory_space<hbm>>
      tpu.wait_dma2 semaphore(%run_scoped3A : memref<!tpu.dma_semaphore, #tpu.memory_space<semaphore_mem>>) src(%dma_wait3A_48 : memref<162x128xi32, #tpu.memory_space<hbm>>) dst(%arg8 : memref<162x128xi32, #tpu.memory_space<vmem>>)
      tpu.yield
    }) : () -> ()
    "tpu.region"() ({
      %run_scoped3A = tpu.sem_alloc : memref<!tpu.dma_semaphore, #tpu.memory_space<semaphore_mem>>
      %dma_start3A_33 = arith.constant 0 : i32
      %dma_start3A_34 = arith.constant 0 : i32
      %dma_start3A_35 = tpu.memref_slice %arg4[%arg0, %arg1, %dma_start3A_33, %dma_start3A_34] : memref<2x16x162x128xi32, #tpu.memory_space<hbm>> -> memref<1x1x162x128xi32, #tpu.memory_space<hbm>>
      %dma_start3A_36 = tpu.memref_squeeze %dma_start3A_35 : memref<1x1x162x128xi32, #tpu.memory_space<hbm>> -> memref<162x128xi32, #tpu.memory_space<hbm>>
      %dma_start3A_37 = arith.constant 0 : i32
      %dma_start3A_38 = arith.constant 0 : i32
      %dma_start3A_39 = tpu.memref_slice %arg4[%arg0, %arg1, %dma_start3A_37, %dma_start3A_38] : memref<2x16x162x128xi32, #tpu.memory_space<hbm>> -> memref<1x1x162x128xi32, #tpu.memory_space<hbm>>
      %dma_start3A_40 = tpu.memref_squeeze %dma_start3A_39 : memref<1x1x162x128xi32, #tpu.memory_space<hbm>> -> memref<162x128xi32, #tpu.memory_space<hbm>>
      tpu.enqueue_dma source(%dma_start3A_40 : memref<162x128xi32, #tpu.memory_space<hbm>>) target(%arg9 : memref<162x128xi32, #tpu.memory_space<vmem>>) target_semaphore(%run_scoped3A : memref<!tpu.dma_semaphore, #tpu.memory_space<semaphore_mem>>)
      %dma_wait3A_41 = arith.constant 0 : i32
      %dma_wait3A_42 = arith.constant 0 : i32
      %dma_wait3A_43 = tpu.memref_slice %arg4[%arg0, %arg1, %dma_wait3A_41, %dma_wait3A_42] : memref<2x16x162x128xi32, #tpu.memory_space<hbm>> -> memref<1x1x162x128xi32, #tpu.memory_space<hbm>>
      %dma_wait3A_44 = tpu.memref_squeeze %dma_wait3A_43 : memref<1x1x162x128xi32, #tpu.memory_space<hbm>> -> memref<162x128xi32, #tpu.memory_space<hbm>>
      %dma_wait3A_45 = arith.constant 0 : i32
      %dma_wait3A_46 = arith.constant 0 : i32
      %dma_wait3A_47 = tpu.memref_slice %arg4[%arg0, %arg1, %dma_wait3A_45, %dma_wait3A_46] : memref<2x16x162x128xi32, #tpu.memory_space<hbm>> -> memref<1x1x162x128xi32, #tpu.memory_space<hbm>>
      %dma_wait3A_48 = tpu.memref_squeeze %dma_wait3A_47 : memref<1x1x162x128xi32, #tpu.memory_space<hbm>> -> memref<162x128xi32, #tpu.memory_space<hbm>>
      tpu.wait_dma2 semaphore(%run_scoped3A : memref<!tpu.dma_semaphore, #tpu.memory_space<semaphore_mem>>) src(%dma_wait3A_48 : memref<162x128xi32, #tpu.memory_space<hbm>>) dst(%arg9 : memref<162x128xi32, #tpu.memory_space<vmem>>)
      tpu.yield
    }) : () -> ()
    "tpu.region"() ({
      %run_scoped3A = tpu.sem_alloc : memref<!tpu.dma_semaphore, #tpu.memory_space<semaphore_mem>>
      %dma_start3A_33 = arith.constant 0 : i32
      %dma_start3A_34 = tpu.memref_slice %arg5[%arg0, %arg1, %dma_start3A_33] : memref<2x16x16xi32, #tpu.memory_space<hbm>> -> memref<1x1x16xi32, #tpu.memory_space<hbm>>
      %dma_start3A_35 = tpu.memref_squeeze %dma_start3A_34 : memref<1x1x16xi32, #tpu.memory_space<hbm>> -> memref<16xi32, #tpu.memory_space<hbm>>
      %dma_start3A_36 = arith.constant 0 : i32
      %dma_start3A_37 = tpu.memref_slice %arg5[%arg0, %arg1, %dma_start3A_36] : memref<2x16x16xi32, #tpu.memory_space<hbm>> -> memref<1x1x16xi32, #tpu.memory_space<hbm>>
      %dma_start3A_38 = tpu.memref_squeeze %dma_start3A_37 : memref<1x1x16xi32, #tpu.memory_space<hbm>> -> memref<16xi32, #tpu.memory_space<hbm>>
      tpu.enqueue_dma source(%dma_start3A_38 : memref<16xi32, #tpu.memory_space<hbm>>) target(%arg10 : memref<16xi32, #tpu.memory_space<vmem>>) target_semaphore(%run_scoped3A : memref<!tpu.dma_semaphore, #tpu.memory_space<semaphore_mem>>)
      %dma_wait3A_39 = arith.constant 0 : i32
      %dma_wait3A_40 = tpu.memref_slice %arg5[%arg0, %arg1, %dma_wait3A_39] : memref<2x16x16xi32, #tpu.memory_space<hbm>> -> memref<1x1x16xi32, #tpu.memory_space<hbm>>
      %dma_wait3A_41 = tpu.memref_squeeze %dma_wait3A_40 : memref<1x1x16xi32, #tpu.memory_space<hbm>> -> memref<16xi32, #tpu.memory_space<hbm>>
      %dma_wait3A_42 = arith.constant 0 : i32
      %dma_wait3A_43 = tpu.memref_slice %arg5[%arg0, %arg1, %dma_wait3A_42] : memref<2x16x16xi32, #tpu.memory_space<hbm>> -> memref<1x1x16xi32, #tpu.memory_space<hbm>>
      %dma_wait3A_44 = tpu.memref_squeeze %dma_wait3A_43 : memref<1x1x16xi32, #tpu.memory_space<hbm>> -> memref<16xi32, #tpu.memory_space<hbm>>
      tpu.wait_dma2 semaphore(%run_scoped3A : memref<!tpu.dma_semaphore, #tpu.memory_space<semaphore_mem>>) src(%dma_wait3A_44 : memref<16xi32, #tpu.memory_space<hbm>>) dst(%arg10 : memref<16xi32, #tpu.memory_space<vmem>>)
      tpu.yield
    }) : () -> ()
    %get3A = arith.constant 0 : index
    %get3A_4 = tpu.vector_load %arg10[%get3A] {strides = array<i32>} : memref<16xi32, #tpu.memory_space<vmem>>, vector<16xi32>,
    %barrier3A = arith.constant 0 : index
    tpu.barrier barrier_id(%barrier3A)
    %dma_start3A = arith.constant 0 : i32
    %dma_start3A_5 = arith.constant 0 : i32
    %dma_start3A_6 = tpu.memref_slice %arg8[%dma_start3A, %dma_start3A_5] : memref<162x128xi32, #tpu.memory_space<vmem>> -> memref<1x128xi32, #tpu.memory_space<vmem>>
    %dma_start3A_7 = tpu.memref_squeeze %dma_start3A_6 : memref<1x128xi32, #tpu.memory_space<vmem>> -> memref<128xi32, #tpu.memory_space<vmem>>
    %dma_start3A_8 = arith.constant 0 : i32
    %dma_start3A_9 = arith.constant 0 : i32
    %dma_start3A_10 = tpu.memref_slice %arg2[%dma_start3A_8, %dma_start3A_9] : memref<10240x128xf32, #tpu.memory_space<hbm>> -> memref<10240x128xf32, #tpu.memory_space<hbm>>
    tpu.enqueue_indirect_dma source(%dma_start3A_10 : memref<10240x128xf32, #tpu.memory_space<hbm>>) target(%arg11 : memref<128x128xf32, #tpu.memory_space<vmem>>) offsets(%dma_start3A_7 : memref<128xi32, #tpu.memory_space<vmem>>) semaphore(%arg14 : memref<!tpu.dma_semaphore, #tpu.memory_space<semaphore_mem>>)
    %scan3A_11 = arith.constant 0 : i32
    %scan3A_12 = arith.constant 80 : i32
    %scan3A_13 = arith.addi %scan3A_11, %scan3A_12 : i32
    %scan3A_14 = arith.constant 1 : i32
    scf.for %scan3A_33 = %scan3A_11 to %scan3A_13 step %scan3A_14  : i32 {
      %mul3A_34 = arith.constant 2 : i32
      %mul3A_35 = arith.muli %scan3A_33, %mul3A_34 : i32
      %add3A = arith.constant 0 : i32
      %add3A_36 = arith.addi %add3A, %mul3A_35 : i32
      %broadcast_in_dim3A = vector.broadcast %add3A_36 : i32 to vector<16xi32>
      %lt3A = arith.cmpi slt, %broadcast_in_dim3A, %get3A_4 : vector<16xi32>
      %reduce_or3A = arith.constant 1.000000e+00 : f32
      %reduce_or3A_37 = arith.constant 0.000000e+00 : f32
      %reduce_or3A_38 = vector.broadcast %reduce_or3A : f32 to vector<16xf32>
      %reduce_or3A_39 = vector.broadcast %reduce_or3A_37 : f32 to vector<16xf32>
      %reduce_or3A_40 = arith.select %lt3A, %reduce_or3A_38, %reduce_or3A_39 : vector<16xi1>, vector<16xf32>
      %reduce_or3A_41 = arith.constant true
      %reduce_or3A_42 = vector.broadcast %reduce_or3A_41 : i1 to vector<16xi1>
      %reduce_or3A_43 = tpu.scan <max>, %reduce_or3A_40 masked %reduce_or3A_42 : vector<16xf32>, vector<16xi1> -> vector<16xf32>
      %reduce_or3A_44 = vector.extract %reduce_or3A_43[15] : f32 from vector<16xf32>
      %reduce_or3A_45 = arith.constant 0.000000e+00 : f32
      %reduce_or3A_46 = arith.cmpf ogt, %reduce_or3A_44, %reduce_or3A_45 : f32
      %convert_element_type3A = arith.extui %reduce_or3A_46 : i1 to i32
      %cond3A = arith.constant 0 : i32
      %cond3A_47 = arith.cmpi ne, %convert_element_type3A, %cond3A : i32
      scf.if %cond3A_47 {
        %gt3A = arith.constant 0 : i32
        %gt3A_48 = arith.cmpi sgt, %add3A_36, %gt3A : i32
        %convert_element_type3A_49 = arith.extui %gt3A_48 : i1 to i32
        %cond3A_50 = arith.constant 0 : i32
        %cond3A_51 = arith.cmpi ne, %convert_element_type3A_49, %cond3A_50 : i32
        scf.if %cond3A_51 {
          %dma_wait3A_106 = arith.constant 0 : i32
          %dma_wait3A_107 = arith.constant 0 : i32
          %dma_wait3A_108 = tpu.memref_slice %arg9[%dma_wait3A_106, %dma_wait3A_107] : memref<162x128xi32, #tpu.memory_space<vmem>> -> memref<1x128xi32, #tpu.memory_space<vmem>>
          %dma_wait3A_109 = tpu.memref_squeeze %dma_wait3A_108 : memref<1x128xi32, #tpu.memory_space<vmem>> -> memref<128xi32, #tpu.memory_space<vmem>>
          %dma_wait3A_110 = arith.constant 0 : i32
          %dma_wait3A_111 = arith.constant 0 : i32
          %dma_wait3A_112 = tpu.memref_slice %arg13[%dma_wait3A_110, %dma_wait3A_111] : memref<6144x128xf32, #tpu.memory_space<vmem_shared>> -> memref<6144x128xf32, #tpu.memory_space<vmem_shared>>
          tpu.wait_indirect_dma semaphore(%arg17 : memref<!tpu.dma_semaphore, #tpu.memory_space<semaphore_mem>>) src(%arg12 : memref<128x128xf32, #tpu.memory_space<vmem>>) dst(%dma_wait3A_112 : memref<6144x128xf32, #tpu.memory_space<vmem_shared>>)
        } else {
        }
        %add3A_52 = arith.constant 1 : i32
        %add3A_53 = arith.addi %add3A_36, %add3A_52 : i32
        %dma_start3A_54 = arith.constant 0 : i32
        %dma_start3A_55 = tpu.memref_slice %arg8[%add3A_53, %dma_start3A_54] : memref<162x128xi32, #tpu.memory_space<vmem>> -> memref<1x128xi32, #tpu.memory_space<vmem>>
        %dma_start3A_56 = tpu.memref_squeeze %dma_start3A_55 : memref<1x128xi32, #tpu.memory_space<vmem>> -> memref<128xi32, #tpu.memory_space<vmem>>
        %dma_start3A_57 = arith.constant 0 : i32
        %dma_start3A_58 = arith.constant 0 : i32
        %dma_start3A_59 = tpu.memref_slice %arg2[%dma_start3A_57, %dma_start3A_58] : memref<10240x128xf32, #tpu.memory_space<hbm>> -> memref<10240x128xf32, #tpu.memory_space<hbm>>
        tpu.enqueue_indirect_dma source(%dma_start3A_59 : memref<10240x128xf32, #tpu.memory_space<hbm>>) target(%arg12 : memref<128x128xf32, #tpu.memory_space<vmem>>) offsets(%dma_start3A_56 : memref<128xi32, #tpu.memory_space<vmem>>) semaphore(%arg15 : memref<!tpu.dma_semaphore, #tpu.memory_space<semaphore_mem>>)
        %dma_wait3A_60 = arith.constant 0 : i32
        %dma_wait3A_61 = arith.constant 0 : i32
        %dma_wait3A_62 = tpu.memref_slice %arg8[%dma_wait3A_60, %dma_wait3A_61] : memref<162x128xi32, #tpu.memory_space<vmem>> -> memref<1x128xi32, #tpu.memory_space<vmem>>
        %dma_wait3A_63 = tpu.memref_squeeze %dma_wait3A_62 : memref<1x128xi32, #tpu.memory_space<vmem>> -> memref<128xi32, #tpu.memory_space<vmem>>
        %dma_wait3A_64 = arith.constant 0 : i32
        %dma_wait3A_65 = arith.constant 0 : i32
        %dma_wait3A_66 = tpu.memref_slice %arg2[%dma_wait3A_64, %dma_wait3A_65] : memref<10240x128xf32, #tpu.memory_space<hbm>> -> memref<10240x128xf32, #tpu.memory_space<hbm>>
        tpu.wait_indirect_dma semaphore(%arg14 : memref<!tpu.dma_semaphore, #tpu.memory_space<semaphore_mem>>) src(%dma_wait3A_66 : memref<10240x128xf32, #tpu.memory_space<hbm>>) dst(%arg11 : memref<128x128xf32, #tpu.memory_space<vmem>>)
        %dma_start3A_67 = arith.constant 0 : i32
        %dma_start3A_68 = tpu.memref_slice %arg9[%add3A_36, %dma_start3A_67] : memref<162x128xi32, #tpu.memory_space<vmem>> -> memref<1x128xi32, #tpu.memory_space<vmem>>
        %dma_start3A_69 = tpu.memref_squeeze %dma_start3A_68 : memref<1x128xi32, #tpu.memory_space<vmem>> -> memref<128xi32, #tpu.memory_space<vmem>>
        %dma_start3A_70 = arith.constant 0 : i32
        %dma_start3A_71 = arith.constant 0 : i32
        %dma_start3A_72 = tpu.memref_slice %arg13[%dma_start3A_70, %dma_start3A_71] : memref<6144x128xf32, #tpu.memory_space<vmem_shared>> -> memref<6144x128xf32, #tpu.memory_space<vmem_shared>>
        tpu.enqueue_indirect_dma source(%arg11 : memref<128x128xf32, #tpu.memory_space<vmem>>) target(%dma_start3A_72 : memref<6144x128xf32, #tpu.memory_space<vmem_shared>>) offsets(%dma_start3A_69 : memref<128xi32, #tpu.memory_space<vmem>>) semaphore(%arg16 : memref<!tpu.dma_semaphore, #tpu.memory_space<semaphore_mem>>) {add = true}
        %add3A_73 = arith.constant 2 : i32
        %add3A_74 = arith.addi %add3A_36, %add3A_73 : i32
        %broadcast_in_dim3A_75 = vector.broadcast %add3A_74 : i32 to vector<16xi32>
        %lt3A_76 = arith.cmpi slt, %broadcast_in_dim3A_75, %get3A_4 : vector<16xi32>
        %reduce_or3A_77 = arith.constant 1.000000e+00 : f32
        %reduce_or3A_78 = arith.constant 0.000000e+00 : f32
        %reduce_or3A_79 = vector.broadcast %reduce_or3A_77 : f32 to vector<16xf32>
        %reduce_or3A_80 = vector.broadcast %reduce_or3A_78 : f32 to vector<16xf32>
        %reduce_or3A_81 = arith.select %lt3A_76, %reduce_or3A_79, %reduce_or3A_80 : vector<16xi1>, vector<16xf32>
        %reduce_or3A_82 = arith.constant true
        %reduce_or3A_83 = vector.broadcast %reduce_or3A_82 : i1 to vector<16xi1>
        %reduce_or3A_84 = tpu.scan <max>, %reduce_or3A_81 masked %reduce_or3A_83 : vector<16xf32>, vector<16xi1> -> vector<16xf32>
        %reduce_or3A_85 = vector.extract %reduce_or3A_84[15] : f32 from vector<16xf32>
        %reduce_or3A_86 = arith.constant 0.000000e+00 : f32
        %reduce_or3A_87 = arith.cmpf ogt, %reduce_or3A_85, %reduce_or3A_86 : f32
        %convert_element_type3A_88 = arith.extui %reduce_or3A_87 : i1 to i32
        %cond3A_89 = arith.constant 0 : i32
        %cond3A_90 = arith.cmpi ne, %convert_element_type3A_88, %cond3A_89 : i32
        scf.if %cond3A_90 {
          %dma_wait3A_106 = arith.constant 0 : i32
          %dma_wait3A_107 = arith.constant 0 : i32
          %dma_wait3A_108 = tpu.memref_slice %arg9[%dma_wait3A_106, %dma_wait3A_107] : memref<162x128xi32, #tpu.memory_space<vmem>> -> memref<1x128xi32, #tpu.memory_space<vmem>>
          %dma_wait3A_109 = tpu.memref_squeeze %dma_wait3A_108 : memref<1x128xi32, #tpu.memory_space<vmem>> -> memref<128xi32, #tpu.memory_space<vmem>>
          %dma_wait3A_110 = arith.constant 0 : i32
          %dma_wait3A_111 = arith.constant 0 : i32
          %dma_wait3A_112 = tpu.memref_slice %arg13[%dma_wait3A_110, %dma_wait3A_111] : memref<6144x128xf32, #tpu.memory_space<vmem_shared>> -> memref<6144x128xf32, #tpu.memory_space<vmem_shared>>
          tpu.wait_indirect_dma semaphore(%arg16 : memref<!tpu.dma_semaphore, #tpu.memory_space<semaphore_mem>>) src(%arg11 : memref<128x128xf32, #tpu.memory_space<vmem>>) dst(%dma_wait3A_112 : memref<6144x128xf32, #tpu.memory_space<vmem_shared>>)
          %add3A_113 = arith.constant 2 : i32
          %add3A_114 = arith.addi %add3A_36, %add3A_113 : i32
          %dma_start3A_115 = arith.constant 0 : i32
          %dma_start3A_116 = tpu.memref_slice %arg8[%add3A_114, %dma_start3A_115] : memref<162x128xi32, #tpu.memory_space<vmem>> -> memref<1x128xi32, #tpu.memory_space<vmem>>
          %dma_start3A_117 = tpu.memref_squeeze %dma_start3A_116 : memref<1x128xi32, #tpu.memory_space<vmem>> -> memref<128xi32, #tpu.memory_space<vmem>>
          %dma_start3A_118 = arith.constant 0 : i32
          %dma_start3A_119 = arith.constant 0 : i32
          %dma_start3A_120 = tpu.memref_slice %arg2[%dma_start3A_118, %dma_start3A_119] : memref<10240x128xf32, #tpu.memory_space<hbm>> -> memref<10240x128xf32, #tpu.memory_space<hbm>>
          tpu.enqueue_indirect_dma source(%dma_start3A_120 : memref<10240x128xf32, #tpu.memory_space<hbm>>) target(%arg11 : memref<128x128xf32, #tpu.memory_space<vmem>>) offsets(%dma_start3A_117 : memref<128xi32, #tpu.memory_space<vmem>>) semaphore(%arg14 : memref<!tpu.dma_semaphore, #tpu.memory_space<semaphore_mem>>)
        } else {
        }
        %dma_wait3A_91 = arith.constant 0 : i32
        %dma_wait3A_92 = arith.constant 0 : i32
        %dma_wait3A_93 = tpu.memref_slice %arg8[%dma_wait3A_91, %dma_wait3A_92] : memref<162x128xi32, #tpu.memory_space<vmem>> -> memref<1x128xi32, #tpu.memory_space<vmem>>
        %dma_wait3A_94 = tpu.memref_squeeze %dma_wait3A_93 : memref<1x128xi32, #tpu.memory_space<vmem>> -> memref<128xi32, #tpu.memory_space<vmem>>
        %dma_wait3A_95 = arith.constant 0 : i32
        %dma_wait3A_96 = arith.constant 0 : i32
        %dma_wait3A_97 = tpu.memref_slice %arg2[%dma_wait3A_95, %dma_wait3A_96] : memref<10240x128xf32, #tpu.memory_space<hbm>> -> memref<10240x128xf32, #tpu.memory_space<hbm>>
        tpu.wait_indirect_dma semaphore(%arg15 : memref<!tpu.dma_semaphore, #tpu.memory_space<semaphore_mem>>) src(%dma_wait3A_97 : memref<10240x128xf32, #tpu.memory_space<hbm>>) dst(%arg12 : memref<128x128xf32, #tpu.memory_space<vmem>>)
        %add3A_98 = arith.constant 1 : i32
        %add3A_99 = arith.addi %add3A_36, %add3A_98 : i32
        %dma_start3A_100 = arith.constant 0 : i32
        %dma_start3A_101 = tpu.memref_slice %arg9[%add3A_99, %dma_start3A_100] : memref<162x128xi32, #tpu.memory_space<vmem>> -> memref<1x128xi32, #tpu.memory_space<vmem>>
        %dma_start3A_102 = tpu.memref_squeeze %dma_start3A_101 : memref<1x128xi32, #tpu.memory_space<vmem>> -> memref<128xi32, #tpu.memory_space<vmem>>
        %dma_start3A_103 = arith.constant 0 : i32
        %dma_start3A_104 = arith.constant 0 : i32
        %dma_start3A_105 = tpu.memref_slice %arg13[%dma_start3A_103, %dma_start3A_104] : memref<6144x128xf32, #tpu.memory_space<vmem_shared>> -> memref<6144x128xf32, #tpu.memory_space<vmem_shared>>
        tpu.enqueue_indirect_dma source(%arg12 : memref<128x128xf32, #tpu.memory_space<vmem>>) target(%dma_start3A_105 : memref<6144x128xf32, #tpu.memory_space<vmem_shared>>) offsets(%dma_start3A_102 : memref<128xi32, #tpu.memory_space<vmem>>) semaphore(%arg17 : memref<!tpu.dma_semaphore, #tpu.memory_space<semaphore_mem>>) {add = true}
      } else {
      }
    }
    %scan3A_15 = arith.constant 80 : i32
    %dma_wait3A = arith.constant 0 : i32
    %dma_wait3A_16 = arith.constant 0 : i32
    %dma_wait3A_17 = tpu.memref_slice %arg9[%dma_wait3A, %dma_wait3A_16] : memref<162x128xi32, #tpu.memory_space<vmem>> -> memref<1x128xi32, #tpu.memory_space<vmem>>
    %dma_wait3A_18 = tpu.memref_squeeze %dma_wait3A_17 : memref<1x128xi32, #tpu.memory_space<vmem>> -> memref<128xi32, #tpu.memory_space<vmem>>
    %dma_wait3A_19 = arith.constant 0 : i32
    %dma_wait3A_20 = arith.constant 0 : i32
    %dma_wait3A_21 = tpu.memref_slice %arg13[%dma_wait3A_19, %dma_wait3A_20] : memref<6144x128xf32, #tpu.memory_space<vmem_shared>> -> memref<6144x128xf32, #tpu.memory_space<vmem_shared>>
    tpu.wait_indirect_dma semaphore(%arg16 : memref<!tpu.dma_semaphore, #tpu.memory_space<semaphore_mem>>) src(%arg11 : memref<128x128xf32, #tpu.memory_space<vmem>>) dst(%dma_wait3A_21 : memref<6144x128xf32, #tpu.memory_space<vmem_shared>>)
    %dma_wait3A_22 = arith.constant 0 : i32
    %dma_wait3A_23 = arith.constant 0 : i32
    %dma_wait3A_24 = tpu.memref_slice %arg9[%dma_wait3A_22, %dma_wait3A_23] : memref<162x128xi32, #tpu.memory_space<vmem>> -> memref<1x128xi32, #tpu.memory_space<vmem>>
    %dma_wait3A_25 = tpu.memref_squeeze %dma_wait3A_24 : memref<1x128xi32, #tpu.memory_space<vmem>> -> memref<128xi32, #tpu.memory_space<vmem>>
    %dma_wait3A_26 = arith.constant 0 : i32
    %dma_wait3A_27 = arith.constant 0 : i32
    %dma_wait3A_28 = tpu.memref_slice %arg13[%dma_wait3A_26, %dma_wait3A_27] : memref<6144x128xf32, #tpu.memory_space<vmem_shared>> -> memref<6144x128xf32, #tpu.memory_space<vmem_shared>>
    tpu.wait_indirect_dma semaphore(%arg17 : memref<!tpu.dma_semaphore, #tpu.memory_space<semaphore_mem>>) src(%arg12 : memref<128x128xf32, #tpu.memory_space<vmem>>) dst(%dma_wait3A_28 : memref<6144x128xf32, #tpu.memory_space<vmem_shared>>)
    %barrier3A_29 = arith.constant 0 : index
    tpu.barrier barrier_id(%barrier3A_29)
    %mul3A = arith.constant 320 : i32
    %mul3A_30 = arith.muli %arg1, %mul3A : i32
    %mul3A_31 = arith.constant 320 : i32
    %mul3A_32 = arith.muli %arg1, %mul3A_31 : i32
    "tpu.region"() ({
      %run_scoped3A = tpu.sem_alloc : memref<!tpu.dma_semaphore, #tpu.memory_space<semaphore_mem>>
      %dma_start3A_33 = arith.constant 0 : i32
      %dma_start3A_34 = tpu.memref_slice %arg7[%arg0, %mul3A_32, %dma_start3A_33] : memref<2x5120x128xf32, #tpu.memory_space<hbm>> -> memref<1x320x128xf32, #tpu.memory_space<hbm>>
      %dma_start3A_35 = tpu.memref_squeeze %dma_start3A_34 : memref<1x320x128xf32, #tpu.memory_space<hbm>> -> memref<320x128xf32, #tpu.memory_space<hbm>>
      %dma_start3A_36 = arith.constant 0 : i32
      %dma_start3A_37 = tpu.memref_slice %arg13[%mul3A_30, %dma_start3A_36] : memref<6144x128xf32, #tpu.memory_space<vmem_shared>> -> memref<320x128xf32, #tpu.memory_space<vmem_shared>>
      tpu.enqueue_dma source(%dma_start3A_37 : memref<320x128xf32, #tpu.memory_space<vmem_shared>>) target(%dma_start3A_35 : memref<320x128xf32, #tpu.memory_space<hbm>>) target_semaphore(%run_scoped3A : memref<!tpu.dma_semaphore, #tpu.memory_space<semaphore_mem>>)
      %dma_wait3A_38 = arith.constant 0 : i32
      %dma_wait3A_39 = tpu.memref_slice %arg7[%arg0, %mul3A_32, %dma_wait3A_38] : memref<2x5120x128xf32, #tpu.memory_space<hbm>> -> memref<1x320x128xf32, #tpu.memory_space<hbm>>
      %dma_wait3A_40 = tpu.memref_squeeze %dma_wait3A_39 : memref<1x320x128xf32, #tpu.memory_space<hbm>> -> memref<320x128xf32, #tpu.memory_space<hbm>>
      %dma_wait3A_41 = arith.constant 0 : i32
      %dma_wait3A_42 = tpu.memref_slice %arg13[%mul3A_30, %dma_wait3A_41] : memref<6144x128xf32, #tpu.memory_space<vmem_shared>> -> memref<320x128xf32, #tpu.memory_space<vmem_shared>>
      tpu.wait_dma2 semaphore(%run_scoped3A : memref<!tpu.dma_semaphore, #tpu.memory_space<semaphore_mem>>) src(%dma_wait3A_42 : memref<320x128xf32, #tpu.memory_space<vmem_shared>>) dst(%dma_wait3A_40 : memref<320x128xf32, #tpu.memory_space<hbm>>)
      tpu.yield
    }) : () -> ()
    return
  }
}

#map = affine_map<(d0, d1) -> (0, 0, 0)>
#map1 = affine_map<(d0, d1) -> (0, 0)>
#map2 = affine_map<(d0, d1) -> (0)>
module attributes {stable_mosaic.version = 14 : i64} {
  func.func @_sc_prologue(%arg0: i32, %arg1: i32, %arg2: memref<16x160x128xi32, #tpu.memory_space<hbm>>, %arg3: memref<16x160x128xi32, #tpu.memory_space<hbm>>, %arg4: memref<32x4x80xi32, #tpu.memory_space<hbm>>, %arg5: memref<32x4x80xi32, #tpu.memory_space<hbm>>, %arg6: memref<50000x128xf32, #tpu.memory_space<hbm>>, %arg7: memref<500x128xf32, #tpu.memory_space<hbm>>, %arg8: memref<128xf32, #tpu.memory_space<hbm>>, %arg9: memref<640xf32, #tpu.memory_space<hbm>>, %arg10: memref<2x10240xf32, #tpu.memory_space<hbm>>, %arg11: memref<10240x128xf32, #tpu.memory_space<hbm>>, %arg12: memref<10240x128xf32, #tpu.memory_space<hbm>>, %arg13: memref<2x16x20736xi32, #tpu.memory_space<hbm>>, %arg14: memref<2x16x20736xi32, #tpu.memory_space<hbm>>, %arg15: memref<2x16x16xi32, #tpu.memory_space<hbm>>, %arg16: memref<160x128xi32, #tpu.memory_space<vmem>>, %arg17: memref<160x128xi32, #tpu.memory_space<vmem>>, %arg18: memref<20736xi32, #tpu.memory_space<vmem>>, %arg19: memref<20736xi32, #tpu.memory_space<vmem>>, %arg20: memref<16xi32, #tpu.memory_space<vmem>>, %arg21: memref<4x80xi32, #tpu.memory_space<vmem>>, %arg22: memref<80x128xf32, #tpu.memory_space<vmem>>, %arg23: memref<128xf32, #tpu.memory_space<vmem>>, %arg24: memref<10240xf32, #tpu.memory_space<vmem_shared>>, %arg25: memref<!tpu.dma_semaphore, #tpu.memory_space<semaphore_mem>>) attributes {dimension_semantics = [#tpu.dimension_semantics<core_parallel>, #tpu.dimension_semantics<subcore_parallel>], iteration_bounds = array<i64: 2, 16>, scalar_prefetch = 0 : i64, scratch_operands = 10 : i64, tpu.core_type = #tpu.core_type<sc_vector_subcore>, window_params = [{transform_indices = #map}, {transform_indices = #map}, {transform_indices = #map}, {transform_indices = #map}, {transform_indices = #map1}, {transform_indices = #map1}, {transform_indices = #map2}, {transform_indices = #map2}, {transform_indices = #map1}, {transform_indices = #map1}, {transform_indices = #map1}, {transform_indices = #map}, {transform_indices = #map}, {transform_indices = #map}]} {
    %mul3A = arith.constant 16 : i32
    %mul3A_0 = arith.muli %arg0, %mul3A : i32
    %add3A = arith.addi %mul3A_0, %arg1 : i32
    %mul3A_1 = arith.constant 640 : i32
    %mul3A_2 = arith.muli %arg1, %mul3A_1 : i32
    "tpu.region"() ({
      %run_scoped3A = tpu.sem_alloc : memref<!tpu.dma_semaphore, #tpu.memory_space<semaphore_mem>>
      %dma_start3A = tpu.memref_slice %arg24[%mul3A_2] : memref<10240xf32, #tpu.memory_space<vmem_shared>> -> memref<640xf32, #tpu.memory_space<vmem_shared>>
      tpu.enqueue_dma source(%arg9 : memref<640xf32, #tpu.memory_space<hbm>>) target(%dma_start3A : memref<640xf32, #tpu.memory_space<vmem_shared>>) target_semaphore(%run_scoped3A : memref<!tpu.dma_semaphore, #tpu.memory_space<semaphore_mem>>)
      %dma_wait3A = tpu.memref_slice %arg24[%mul3A_2] : memref<10240xf32, #tpu.memory_space<vmem_shared>> -> memref<640xf32, #tpu.memory_space<vmem_shared>>
      tpu.wait_dma2 semaphore(%run_scoped3A : memref<!tpu.dma_semaphore, #tpu.memory_space<semaphore_mem>>) src(%arg9 : memref<640xf32, #tpu.memory_space<hbm>>) dst(%dma_wait3A : memref<640xf32, #tpu.memory_space<vmem_shared>>)
      tpu.yield
    }) : () -> ()
    "tpu.region"() ({
      %run_scoped3A = tpu.sem_alloc : memref<!tpu.dma_semaphore, #tpu.memory_space<semaphore_mem>>
      tpu.enqueue_dma source(%arg8 : memref<128xf32, #tpu.memory_space<hbm>>) target(%arg23 : memref<128xf32, #tpu.memory_space<vmem>>) target_semaphore(%run_scoped3A : memref<!tpu.dma_semaphore, #tpu.memory_space<semaphore_mem>>)
      tpu.wait_dma2 semaphore(%run_scoped3A : memref<!tpu.dma_semaphore, #tpu.memory_space<semaphore_mem>>) src(%arg8 : memref<128xf32, #tpu.memory_space<hbm>>) dst(%arg23 : memref<128xf32, #tpu.memory_space<vmem>>)
      tpu.yield
    }) : () -> ()
    "tpu.region"() ({
      %run_scoped3A = tpu.sem_alloc : memref<!tpu.dma_semaphore, #tpu.memory_space<semaphore_mem>>
      %dma_start3A = arith.constant 0 : i32
      %dma_start3A_78 = arith.constant 0 : i32
      %dma_start3A_79 = tpu.memref_slice %arg2[%arg1, %dma_start3A, %dma_start3A_78] : memref<16x160x128xi32, #tpu.memory_space<hbm>> -> memref<1x160x128xi32, #tpu.memory_space<hbm>>
      %dma_start3A_80 = tpu.memref_squeeze %dma_start3A_79 : memref<1x160x128xi32, #tpu.memory_space<hbm>> -> memref<160x128xi32, #tpu.memory_space<hbm>>
      %dma_start3A_81 = arith.constant 0 : i32
      %dma_start3A_82 = arith.constant 0 : i32
      %dma_start3A_83 = tpu.memref_slice %arg2[%arg1, %dma_start3A_81, %dma_start3A_82] : memref<16x160x128xi32, #tpu.memory_space<hbm>> -> memref<1x160x128xi32, #tpu.memory_space<hbm>>
      %dma_start3A_84 = tpu.memref_squeeze %dma_start3A_83 : memref<1x160x128xi32, #tpu.memory_space<hbm>> -> memref<160x128xi32, #tpu.memory_space<hbm>>
      tpu.enqueue_dma source(%dma_start3A_84 : memref<160x128xi32, #tpu.memory_space<hbm>>) target(%arg16 : memref<160x128xi32, #tpu.memory_space<vmem>>) target_semaphore(%run_scoped3A : memref<!tpu.dma_semaphore, #tpu.memory_space<semaphore_mem>>)
      %dma_wait3A = arith.constant 0 : i32
      %dma_wait3A_85 = arith.constant 0 : i32
      %dma_wait3A_86 = tpu.memref_slice %arg2[%arg1, %dma_wait3A, %dma_wait3A_85] : memref<16x160x128xi32, #tpu.memory_space<hbm>> -> memref<1x160x128xi32, #tpu.memory_space<hbm>>
      %dma_wait3A_87 = tpu.memref_squeeze %dma_wait3A_86 : memref<1x160x128xi32, #tpu.memory_space<hbm>> -> memref<160x128xi32, #tpu.memory_space<hbm>>
      %dma_wait3A_88 = arith.constant 0 : i32
      %dma_wait3A_89 = arith.constant 0 : i32
      %dma_wait3A_90 = tpu.memref_slice %arg2[%arg1, %dma_wait3A_88, %dma_wait3A_89] : memref<16x160x128xi32, #tpu.memory_space<hbm>> -> memref<1x160x128xi32, #tpu.memory_space<hbm>>
      %dma_wait3A_91 = tpu.memref_squeeze %dma_wait3A_90 : memref<1x160x128xi32, #tpu.memory_space<hbm>> -> memref<160x128xi32, #tpu.memory_space<hbm>>
      tpu.wait_dma2 semaphore(%run_scoped3A : memref<!tpu.dma_semaphore, #tpu.memory_space<semaphore_mem>>) src(%dma_wait3A_91 : memref<160x128xi32, #tpu.memory_space<hbm>>) dst(%arg16 : memref<160x128xi32, #tpu.memory_space<vmem>>)
      tpu.yield
    }) : () -> ()
    "tpu.region"() ({
      %run_scoped3A = tpu.sem_alloc : memref<!tpu.dma_semaphore, #tpu.memory_space<semaphore_mem>>
      %dma_start3A = arith.constant 0 : i32
      %dma_start3A_78 = arith.constant 0 : i32
      %dma_start3A_79 = tpu.memref_slice %arg3[%arg1, %dma_start3A, %dma_start3A_78] : memref<16x160x128xi32, #tpu.memory_space<hbm>> -> memref<1x160x128xi32, #tpu.memory_space<hbm>>
      %dma_start3A_80 = tpu.memref_squeeze %dma_start3A_79 : memref<1x160x128xi32, #tpu.memory_space<hbm>> -> memref<160x128xi32, #tpu.memory_space<hbm>>
      %dma_start3A_81 = arith.constant 0 : i32
      %dma_start3A_82 = arith.constant 0 : i32
      %dma_start3A_83 = tpu.memref_slice %arg3[%arg1, %dma_start3A_81, %dma_start3A_82] : memref<16x160x128xi32, #tpu.memory_space<hbm>> -> memref<1x160x128xi32, #tpu.memory_space<hbm>>
      %dma_start3A_84 = tpu.memref_squeeze %dma_start3A_83 : memref<1x160x128xi32, #tpu.memory_space<hbm>> -> memref<160x128xi32, #tpu.memory_space<hbm>>
      tpu.enqueue_dma source(%dma_start3A_84 : memref<160x128xi32, #tpu.memory_space<hbm>>) target(%arg17 : memref<160x128xi32, #tpu.memory_space<vmem>>) target_semaphore(%run_scoped3A : memref<!tpu.dma_semaphore, #tpu.memory_space<semaphore_mem>>)
      %dma_wait3A = arith.constant 0 : i32
      %dma_wait3A_85 = arith.constant 0 : i32
      %dma_wait3A_86 = tpu.memref_slice %arg3[%arg1, %dma_wait3A, %dma_wait3A_85] : memref<16x160x128xi32, #tpu.memory_space<hbm>> -> memref<1x160x128xi32, #tpu.memory_space<hbm>>
      %dma_wait3A_87 = tpu.memref_squeeze %dma_wait3A_86 : memref<1x160x128xi32, #tpu.memory_space<hbm>> -> memref<160x128xi32, #tpu.memory_space<hbm>>
      %dma_wait3A_88 = arith.constant 0 : i32
      %dma_wait3A_89 = arith.constant 0 : i32
      %dma_wait3A_90 = tpu.memref_slice %arg3[%arg1, %dma_wait3A_88, %dma_wait3A_89] : memref<16x160x128xi32, #tpu.memory_space<hbm>> -> memref<1x160x128xi32, #tpu.memory_space<hbm>>
      %dma_wait3A_91 = tpu.memref_squeeze %dma_wait3A_90 : memref<1x160x128xi32, #tpu.memory_space<hbm>> -> memref<160x128xi32, #tpu.memory_space<hbm>>
      tpu.wait_dma2 semaphore(%run_scoped3A : memref<!tpu.dma_semaphore, #tpu.memory_space<semaphore_mem>>) src(%dma_wait3A_91 : memref<160x128xi32, #tpu.memory_space<hbm>>) dst(%arg17 : memref<160x128xi32, #tpu.memory_space<vmem>>)
      tpu.yield
    }) : () -> ()
    %barrier3A = arith.constant 0 : index
    tpu.barrier barrier_id(%barrier3A)
    %scan3A = arith.constant 0 : i32
    %scan3A_3 = arith.constant 160 : i32
    %scan3A_4 = arith.addi %scan3A, %scan3A_3 : i32
    %scan3A_5 = arith.constant 1 : i32
    scf.for %scan3A_78 = %scan3A to %scan3A_4 step %scan3A_5  : i32 {
      %mul3A_79 = arith.constant 1 : i32
      %mul3A_80 = arith.muli %scan3A_78, %mul3A_79 : i32
      %add3A_81 = arith.constant 0 : i32
      %add3A_82 = arith.addi %add3A_81, %mul3A_80 : i32
      %eq3A = arith.constant 0 : i32
      %eq3A_83 = arith.cmpi eq, %arg0, %eq3A : i32
      %convert_element_type3A = arith.extui %eq3A_83 : i1 to i32
      %cond3A = arith.constant 0 : i32
      %cond3A_84 = arith.cmpi ne, %convert_element_type3A, %cond3A : i32
      scf.if %cond3A_84 {
        "tpu.region"() ({
          %run_scoped3A = tpu.sem_alloc : memref<!tpu.dma_semaphore, #tpu.memory_space<semaphore_mem>>
          %dma_start3A = arith.constant 0 : i32
          %dma_start3A_90 = tpu.memref_slice %arg16[%add3A_82, %dma_start3A] : memref<160x128xi32, #tpu.memory_space<vmem>> -> memref<1x128xi32, #tpu.memory_space<vmem>>
          %dma_start3A_91 = tpu.memref_squeeze %dma_start3A_90 : memref<1x128xi32, #tpu.memory_space<vmem>> -> memref<128xi32, #tpu.memory_space<vmem>>
          %dma_start3A_92 = arith.constant 0 : i32
          %dma_start3A_93 = tpu.memref_slice %arg24[%dma_start3A_92] : memref<10240xf32, #tpu.memory_space<vmem_shared>> -> memref<10240xf32, #tpu.memory_space<vmem_shared>>
          tpu.enqueue_indirect_dma source(%arg23 : memref<128xf32, #tpu.memory_space<vmem>>) target(%dma_start3A_93 : memref<10240xf32, #tpu.memory_space<vmem_shared>>) offsets(%dma_start3A_91 : memref<128xi32, #tpu.memory_space<vmem>>) semaphore(%run_scoped3A : memref<!tpu.dma_semaphore, #tpu.memory_space<semaphore_mem>>) {add = true}
          %dma_wait3A = arith.constant 0 : i32
          %dma_wait3A_94 = tpu.memref_slice %arg16[%add3A_82, %dma_wait3A] : memref<160x128xi32, #tpu.memory_space<vmem>> -> memref<1x128xi32, #tpu.memory_space<vmem>>
          %dma_wait3A_95 = tpu.memref_squeeze %dma_wait3A_94 : memref<1x128xi32, #tpu.memory_space<vmem>> -> memref<128xi32, #tpu.memory_space<vmem>>
          %dma_wait3A_96 = arith.constant 0 : i32
          %dma_wait3A_97 = tpu.memref_slice %arg24[%dma_wait3A_96] : memref<10240xf32, #tpu.memory_space<vmem_shared>> -> memref<10240xf32, #tpu.memory_space<vmem_shared>>
          tpu.wait_indirect_dma semaphore(%run_scoped3A : memref<!tpu.dma_semaphore, #tpu.memory_space<semaphore_mem>>) src(%arg23 : memref<128xf32, #tpu.memory_space<vmem>>) dst(%dma_wait3A_97 : memref<10240xf32, #tpu.memory_space<vmem_shared>>)
          tpu.yield
        }) : () -> ()
      } else {
      }
      %eq3A_85 = arith.constant 1 : i32
      %eq3A_86 = arith.cmpi eq, %arg0, %eq3A_85 : i32
      %convert_element_type3A_87 = arith.extui %eq3A_86 : i1 to i32
      %cond3A_88 = arith.constant 0 : i32
      %cond3A_89 = arith.cmpi ne, %convert_element_type3A_87, %cond3A_88 : i32
      scf.if %cond3A_89 {
        "tpu.region"() ({
          %run_scoped3A = tpu.sem_alloc : memref<!tpu.dma_semaphore, #tpu.memory_space<semaphore_mem>>
          %dma_start3A = arith.constant 0 : i32
          %dma_start3A_90 = tpu.memref_slice %arg17[%add3A_82, %dma_start3A] : memref<160x128xi32, #tpu.memory_space<vmem>> -> memref<1x128xi32, #tpu.memory_space<vmem>>
          %dma_start3A_91 = tpu.memref_squeeze %dma_start3A_90 : memref<1x128xi32, #tpu.memory_space<vmem>> -> memref<128xi32, #tpu.memory_space<vmem>>
          %dma_start3A_92 = arith.constant 0 : i32
          %dma_start3A_93 = tpu.memref_slice %arg24[%dma_start3A_92] : memref<10240xf32, #tpu.memory_space<vmem_shared>> -> memref<10240xf32, #tpu.memory_space<vmem_shared>>
          tpu.enqueue_indirect_dma source(%arg23 : memref<128xf32, #tpu.memory_space<vmem>>) target(%dma_start3A_93 : memref<10240xf32, #tpu.memory_space<vmem_shared>>) offsets(%dma_start3A_91 : memref<128xi32, #tpu.memory_space<vmem>>) semaphore(%run_scoped3A : memref<!tpu.dma_semaphore, #tpu.memory_space<semaphore_mem>>) {add = true}
          %dma_wait3A = arith.constant 0 : i32
          %dma_wait3A_94 = tpu.memref_slice %arg17[%add3A_82, %dma_wait3A] : memref<160x128xi32, #tpu.memory_space<vmem>> -> memref<1x128xi32, #tpu.memory_space<vmem>>
          %dma_wait3A_95 = tpu.memref_squeeze %dma_wait3A_94 : memref<1x128xi32, #tpu.memory_space<vmem>> -> memref<128xi32, #tpu.memory_space<vmem>>
          %dma_wait3A_96 = arith.constant 0 : i32
          %dma_wait3A_97 = tpu.memref_slice %arg24[%dma_wait3A_96] : memref<10240xf32, #tpu.memory_space<vmem_shared>> -> memref<10240xf32, #tpu.memory_space<vmem_shared>>
          tpu.wait_indirect_dma semaphore(%run_scoped3A : memref<!tpu.dma_semaphore, #tpu.memory_space<semaphore_mem>>) src(%arg23 : memref<128xf32, #tpu.memory_space<vmem>>) dst(%dma_wait3A_97 : memref<10240xf32, #tpu.memory_space<vmem_shared>>)
          tpu.yield
        }) : () -> ()
      } else {
      }
    }
    %scan3A_6 = arith.constant 160 : i32
    %mul3A_7 = arith.constant 5120 : i32
    %mul3A_8 = arith.muli %arg0, %mul3A_7 : i32
    %broadcast_in_dim3A = arith.constant 15 : i32
    %broadcast_in_dim3A_9 = vector.broadcast %broadcast_in_dim3A : i32 to vector<16xi32>
    %broadcast_in_dim3A_10 = arith.constant 0 : i32
    %broadcast_in_dim3A_11 = vector.broadcast %broadcast_in_dim3A_10 : i32 to vector<16xi32>
    %scan3A_12 = arith.constant 0 : i32
    %scan3A_13 = arith.constant 160 : i32
    %scan3A_14 = arith.addi %scan3A_12, %scan3A_13 : i32
    %scan3A_15 = arith.constant 1 : i32
    %scan3A_16 = scf.for %scan3A_78 = %scan3A_12 to %scan3A_14 step %scan3A_15 iter_args(%scan3A_79 = %broadcast_in_dim3A_11) -> (vector<16xi32>)  : i32 {
      %mul3A_80 = arith.constant 1 : i32
      %mul3A_81 = arith.muli %scan3A_78, %mul3A_80 : i32
      %add3A_82 = arith.constant 0 : i32
      %add3A_83 = arith.addi %add3A_82, %mul3A_81 : i32
      %get3A = arith.index_cast %add3A_83 : i32 to index
      %get3A_84 = arith.constant 0 : index
      %get3A_85 = tpu.vector_load %arg17[%get3A, %get3A_84] {strides = array<i32>} : memref<160x128xi32, #tpu.memory_space<vmem>>, vector<16xi32>,
      %get3A_86 = arith.index_cast %add3A_83 : i32 to index
      %get3A_87 = arith.constant 0 : index
      %get3A_88 = tpu.vector_load %arg16[%get3A_86, %get3A_87] {strides = array<i32>} : memref<160x128xi32, #tpu.memory_space<vmem>>, vector<16xi32>,
      %sub3A_89 = vector.broadcast %mul3A_8 : i32 to vector<16xi32>
      %sub3A_90 = arith.subi %get3A_85, %sub3A_89 : vector<16xi32>
      %ge3A = arith.constant 0 : i32
      %ge3A_91 = vector.broadcast %ge3A : i32 to vector<16xi32>
      %ge3A_92 = arith.cmpi sge, %sub3A_90, %ge3A_91 : vector<16xi32>
      %lt3A = arith.constant 5120 : i32
      %lt3A_93 = vector.broadcast %lt3A : i32 to vector<16xi32>
      %lt3A_94 = arith.cmpi slt, %sub3A_90, %lt3A_93 : vector<16xi32>
      %and3A_95 = arith.andi %ge3A_92, %lt3A_94 : vector<16xi1>
      %convert_element_type3A = arith.extui %and3A_95 : vector<16xi1> to vector<16xi32>
      %broadcast_in_dim3A_96 = arith.constant true
      %broadcast_in_dim3A_97 = vector.broadcast %broadcast_in_dim3A_96 : i1 to vector<16xi1>
      %masked_cumsum3A = tpu.scan <sum>, %convert_element_type3A masked %broadcast_in_dim3A_97 : vector<16xi32>, vector<16xi1> -> vector<16xi32>
      %add3A_98 = arith.addi %scan3A_79, %masked_cumsum3A : vector<16xi32>
      %sub3A_99 = arith.constant 1 : i32
      %sub3A_100 = vector.broadcast %sub3A_99 : i32 to vector<16xi32>
      %sub3A_101 = arith.subi %add3A_98, %sub3A_100 : vector<16xi32>
      tpu.vector_store_idx %arg18[%sub3A_101], %get3A_88 masked %and3A_95 : memref<20736xi32, #tpu.memory_space<vmem>>[vector<16xi32>], vector<16xi32>, vector<16xi1>
      tpu.vector_store_idx %arg19[%sub3A_101], %sub3A_90 masked %and3A_95 : memref<20736xi32, #tpu.memory_space<vmem>>[vector<16xi32>], vector<16xi32>, vector<16xi1>
      %lt3A_102 = arith.constant 0 : i32
      %lt3A_103 = vector.broadcast %lt3A_102 : i32 to vector<16xi32>
      %lt3A_104 = arith.cmpi slt, %broadcast_in_dim3A_9, %lt3A_103 : vector<16xi32>
      %add3A_105 = arith.constant 16 : i32
      %add3A_106 = vector.broadcast %add3A_105 : i32 to vector<16xi32>
      %add3A_107 = arith.addi %broadcast_in_dim3A_9, %add3A_106 : vector<16xi32>
      %select_n3A_108 = arith.select %lt3A_104, %add3A_107, %broadcast_in_dim3A_9 : vector<16xi1>, vector<16xi32>
      %broadcast_in_dim3A_109 = vector.shape_cast %select_n3A_108 : vector<16xi32> to vector<16x1xi32>
      %gather3A = vector.shape_cast %broadcast_in_dim3A_109 : vector<16x1xi32> to vector<16xi32>
      %gather3A_110 = tpu.dynamic_gather %masked_cumsum3A[%gather3A] in [0] : vector<16xi32>, vector<16xi32> -> vector<16xi32>
      %add3A_111 = arith.addi %scan3A_79, %gather3A_110 : vector<16xi32>
      %get3A_112 = arith.index_cast %add3A_83 : i32 to index
      %get3A_113 = arith.constant 16 : index
      %get3A_114 = tpu.vector_load %arg17[%get3A_112, %get3A_113] {strides = array<i32>} : memref<160x128xi32, #tpu.memory_space<vmem>>, vector<16xi32>,
      %get3A_115 = arith.index_cast %add3A_83 : i32 to index
      %get3A_116 = arith.constant 16 : index
      %get3A_117 = tpu.vector_load %arg16[%get3A_115, %get3A_116] {strides = array<i32>} : memref<160x128xi32, #tpu.memory_space<vmem>>, vector<16xi32>,
      %sub3A_118 = vector.broadcast %mul3A_8 : i32 to vector<16xi32>
      %sub3A_119 = arith.subi %get3A_114, %sub3A_118 : vector<16xi32>
      %ge3A_120 = arith.constant 0 : i32
      %ge3A_121 = vector.broadcast %ge3A_120 : i32 to vector<16xi32>
      %ge3A_122 = arith.cmpi sge, %sub3A_119, %ge3A_121 : vector<16xi32>
      %lt3A_123 = arith.constant 5120 : i32
      %lt3A_124 = vector.broadcast %lt3A_123 : i32 to vector<16xi32>
      %lt3A_125 = arith.cmpi slt, %sub3A_119, %lt3A_124 : vector<16xi32>
      %and3A_126 = arith.andi %ge3A_122, %lt3A_125 : vector<16xi1>
      %convert_element_type3A_127 = arith.extui %and3A_126 : vector<16xi1> to vector<16xi32>
      %broadcast_in_dim3A_128 = arith.constant true
      %broadcast_in_dim3A_129 = vector.broadcast %broadcast_in_dim3A_128 : i1 to vector<16xi1>
      %masked_cumsum3A_130 = tpu.scan <sum>, %convert_element_type3A_127 masked %broadcast_in_dim3A_129 : vector<16xi32>, vector<16xi1> -> vector<16xi32>
      %add3A_131 = arith.addi %add3A_111, %masked_cumsum3A_130 : vector<16xi32>
      %sub3A_132 = arith.constant 1 : i32
      %sub3A_133 = vector.broadcast %sub3A_132 : i32 to vector<16xi32>
      %sub3A_134 = arith.subi %add3A_131, %sub3A_133 : vector<16xi32>
      tpu.vector_store_idx %arg18[%sub3A_134], %get3A_117 masked %and3A_126 : memref<20736xi32, #tpu.memory_space<vmem>>[vector<16xi32>], vector<16xi32>, vector<16xi1>
      tpu.vector_store_idx %arg19[%sub3A_134], %sub3A_119 masked %and3A_126 : memref<20736xi32, #tpu.memory_space<vmem>>[vector<16xi32>], vector<16xi32>, vector<16xi1>
      %lt3A_135 = arith.constant 0 : i32
      %lt3A_136 = vector.broadcast %lt3A_135 : i32 to vector<16xi32>
      %lt3A_137 = arith.cmpi slt, %broadcast_in_dim3A_9, %lt3A_136 : vector<16xi32>
      %add3A_138 = arith.constant 16 : i32
      %add3A_139 = vector.broadcast %add3A_138 : i32 to vector<16xi32>
      %add3A_140 = arith.addi %broadcast_in_dim3A_9, %add3A_139 : vector<16xi32>
      %select_n3A_141 = arith.select %lt3A_137, %add3A_140, %broadcast_in_dim3A_9 : vector<16xi1>, vector<16xi32>
      %broadcast_in_dim3A_142 = vector.shape_cast %select_n3A_141 : vector<16xi32> to vector<16x1xi32>
      %gather3A_143 = vector.shape_cast %broadcast_in_dim3A_142 : vector<16x1xi32> to vector<16xi32>
      %gather3A_144 = tpu.dynamic_gather %masked_cumsum3A_130[%gather3A_143] in [0] : vector<16xi32>, vector<16xi32> -> vector<16xi32>
      %add3A_145 = arith.addi %add3A_111, %gather3A_144 : vector<16xi32>
      %get3A_146 = arith.index_cast %add3A_83 : i32 to index
      %get3A_147 = arith.constant 32 : index
      %get3A_148 = tpu.vector_load %arg17[%get3A_146, %get3A_147] {strides = array<i32>} : memref<160x128xi32, #tpu.memory_space<vmem>>, vector<16xi32>,
      %get3A_149 = arith.index_cast %add3A_83 : i32 to index
      %get3A_150 = arith.constant 32 : index
      %get3A_151 = tpu.vector_load %arg16[%get3A_149, %get3A_150] {strides = array<i32>} : memref<160x128xi32, #tpu.memory_space<vmem>>, vector<16xi32>,
      %sub3A_152 = vector.broadcast %mul3A_8 : i32 to vector<16xi32>
      %sub3A_153 = arith.subi %get3A_148, %sub3A_152 : vector<16xi32>
      %ge3A_154 = arith.constant 0 : i32
      %ge3A_155 = vector.broadcast %ge3A_154 : i32 to vector<16xi32>
      %ge3A_156 = arith.cmpi sge, %sub3A_153, %ge3A_155 : vector<16xi32>
      %lt3A_157 = arith.constant 5120 : i32
      %lt3A_158 = vector.broadcast %lt3A_157 : i32 to vector<16xi32>
      %lt3A_159 = arith.cmpi slt, %sub3A_153, %lt3A_158 : vector<16xi32>
      %and3A_160 = arith.andi %ge3A_156, %lt3A_159 : vector<16xi1>
      %convert_element_type3A_161 = arith.extui %and3A_160 : vector<16xi1> to vector<16xi32>
      %broadcast_in_dim3A_162 = arith.constant true
      %broadcast_in_dim3A_163 = vector.broadcast %broadcast_in_dim3A_162 : i1 to vector<16xi1>
      %masked_cumsum3A_164 = tpu.scan <sum>, %convert_element_type3A_161 masked %broadcast_in_dim3A_163 : vector<16xi32>, vector<16xi1> -> vector<16xi32>
      %add3A_165 = arith.addi %add3A_145, %masked_cumsum3A_164 : vector<16xi32>
      %sub3A_166 = arith.constant 1 : i32
      %sub3A_167 = vector.broadcast %sub3A_166 : i32 to vector<16xi32>
      %sub3A_168 = arith.subi %add3A_165, %sub3A_167 : vector<16xi32>
      tpu.vector_store_idx %arg18[%sub3A_168], %get3A_151 masked %and3A_160 : memref<20736xi32, #tpu.memory_space<vmem>>[vector<16xi32>], vector<16xi32>, vector<16xi1>
      tpu.vector_store_idx %arg19[%sub3A_168], %sub3A_153 masked %and3A_160 : memref<20736xi32, #tpu.memory_space<vmem>>[vector<16xi32>], vector<16xi32>, vector<16xi1>
      %lt3A_169 = arith.constant 0 : i32
      %lt3A_170 = vector.broadcast %lt3A_169 : i32 to vector<16xi32>
      %lt3A_171 = arith.cmpi slt, %broadcast_in_dim3A_9, %lt3A_170 : vector<16xi32>
      %add3A_172 = arith.constant 16 : i32
      %add3A_173 = vector.broadcast %add3A_172 : i32 to vector<16xi32>
      %add3A_174 = arith.addi %broadcast_in_dim3A_9, %add3A_173 : vector<16xi32>
      %select_n3A_175 = arith.select %lt3A_171, %add3A_174, %broadcast_in_dim3A_9 : vector<16xi1>, vector<16xi32>
      %broadcast_in_dim3A_176 = vector.shape_cast %select_n3A_175 : vector<16xi32> to vector<16x1xi32>
      %gather3A_177 = vector.shape_cast %broadcast_in_dim3A_176 : vector<16x1xi32> to vector<16xi32>
      %gather3A_178 = tpu.dynamic_gather %masked_cumsum3A_164[%gather3A_177] in [0] : vector<16xi32>, vector<16xi32> -> vector<16xi32>
      %add3A_179 = arith.addi %add3A_145, %gather3A_178 : vector<16xi32>
      %get3A_180 = arith.index_cast %add3A_83 : i32 to index
      %get3A_181 = arith.constant 48 : index
      %get3A_182 = tpu.vector_load %arg17[%get3A_180, %get3A_181] {strides = array<i32>} : memref<160x128xi32, #tpu.memory_space<vmem>>, vector<16xi32>,
      %get3A_183 = arith.index_cast %add3A_83 : i32 to index
      %get3A_184 = arith.constant 48 : index
      %get3A_185 = tpu.vector_load %arg16[%get3A_183, %get3A_184] {strides = array<i32>} : memref<160x128xi32, #tpu.memory_space<vmem>>, vector<16xi32>,
      %sub3A_186 = vector.broadcast %mul3A_8 : i32 to vector<16xi32>
      %sub3A_187 = arith.subi %get3A_182, %sub3A_186 : vector<16xi32>
      %ge3A_188 = arith.constant 0 : i32
      %ge3A_189 = vector.broadcast %ge3A_188 : i32 to vector<16xi32>
      %ge3A_190 = arith.cmpi sge, %sub3A_187, %ge3A_189 : vector<16xi32>
      %lt3A_191 = arith.constant 5120 : i32
      %lt3A_192 = vector.broadcast %lt3A_191 : i32 to vector<16xi32>
      %lt3A_193 = arith.cmpi slt, %sub3A_187, %lt3A_192 : vector<16xi32>
      %and3A_194 = arith.andi %ge3A_190, %lt3A_193 : vector<16xi1>
      %convert_element_type3A_195 = arith.extui %and3A_194 : vector<16xi1> to vector<16xi32>
      %broadcast_in_dim3A_196 = arith.constant true
      %broadcast_in_dim3A_197 = vector.broadcast %broadcast_in_dim3A_196 : i1 to vector<16xi1>
      %masked_cumsum3A_198 = tpu.scan <sum>, %convert_element_type3A_195 masked %broadcast_in_dim3A_197 : vector<16xi32>, vector<16xi1> -> vector<16xi32>
      %add3A_199 = arith.addi %add3A_179, %masked_cumsum3A_198 : vector<16xi32>
      %sub3A_200 = arith.constant 1 : i32
      %sub3A_201 = vector.broadcast %sub3A_200 : i32 to vector<16xi32>
      %sub3A_202 = arith.subi %add3A_199, %sub3A_201 : vector<16xi32>
      tpu.vector_store_idx %arg18[%sub3A_202], %get3A_185 masked %and3A_194 : memref<20736xi32, #tpu.memory_space<vmem>>[vector<16xi32>], vector<16xi32>, vector<16xi1>
      tpu.vector_store_idx %arg19[%sub3A_202], %sub3A_187 masked %and3A_194 : memref<20736xi32, #tpu.memory_space<vmem>>[vector<16xi32>], vector<16xi32>, vector<16xi1>
      %lt3A_203 = arith.constant 0 : i32
      %lt3A_204 = vector.broadcast %lt3A_203 : i32 to vector<16xi32>
      %lt3A_205 = arith.cmpi slt, %broadcast_in_dim3A_9, %lt3A_204 : vector<16xi32>
      %add3A_206 = arith.constant 16 : i32
      %add3A_207 = vector.broadcast %add3A_206 : i32 to vector<16xi32>
      %add3A_208 = arith.addi %broadcast_in_dim3A_9, %add3A_207 : vector<16xi32>
      %select_n3A_209 = arith.select %lt3A_205, %add3A_208, %broadcast_in_dim3A_9 : vector<16xi1>, vector<16xi32>
      %broadcast_in_dim3A_210 = vector.shape_cast %select_n3A_209 : vector<16xi32> to vector<16x1xi32>
      %gather3A_211 = vector.shape_cast %broadcast_in_dim3A_210 : vector<16x1xi32> to vector<16xi32>
      %gather3A_212 = tpu.dynamic_gather %masked_cumsum3A_198[%gather3A_211] in [0] : vector<16xi32>, vector<16xi32> -> vector<16xi32>
      %add3A_213 = arith.addi %add3A_179, %gather3A_212 : vector<16xi32>
      %get3A_214 = arith.index_cast %add3A_83 : i32 to index
      %get3A_215 = arith.constant 64 : index
      %get3A_216 = tpu.vector_load %arg17[%get3A_214, %get3A_215] {strides = array<i32>} : memref<160x128xi32, #tpu.memory_space<vmem>>, vector<16xi32>,
      %get3A_217 = arith.index_cast %add3A_83 : i32 to index
      %get3A_218 = arith.constant 64 : index
      %get3A_219 = tpu.vector_load %arg16[%get3A_217, %get3A_218] {strides = array<i32>} : memref<160x128xi32, #tpu.memory_space<vmem>>, vector<16xi32>,
      %sub3A_220 = vector.broadcast %mul3A_8 : i32 to vector<16xi32>
      %sub3A_221 = arith.subi %get3A_216, %sub3A_220 : vector<16xi32>
      %ge3A_222 = arith.constant 0 : i32
      %ge3A_223 = vector.broadcast %ge3A_222 : i32 to vector<16xi32>
      %ge3A_224 = arith.cmpi sge, %sub3A_221, %ge3A_223 : vector<16xi32>
      %lt3A_225 = arith.constant 5120 : i32
      %lt3A_226 = vector.broadcast %lt3A_225 : i32 to vector<16xi32>
      %lt3A_227 = arith.cmpi slt, %sub3A_221, %lt3A_226 : vector<16xi32>
      %and3A_228 = arith.andi %ge3A_224, %lt3A_227 : vector<16xi1>
      %convert_element_type3A_229 = arith.extui %and3A_228 : vector<16xi1> to vector<16xi32>
      %broadcast_in_dim3A_230 = arith.constant true
      %broadcast_in_dim3A_231 = vector.broadcast %broadcast_in_dim3A_230 : i1 to vector<16xi1>
      %masked_cumsum3A_232 = tpu.scan <sum>, %convert_element_type3A_229 masked %broadcast_in_dim3A_231 : vector<16xi32>, vector<16xi1> -> vector<16xi32>
      %add3A_233 = arith.addi %add3A_213, %masked_cumsum3A_232 : vector<16xi32>
      %sub3A_234 = arith.constant 1 : i32
      %sub3A_235 = vector.broadcast %sub3A_234 : i32 to vector<16xi32>
      %sub3A_236 = arith.subi %add3A_233, %sub3A_235 : vector<16xi32>
      tpu.vector_store_idx %arg18[%sub3A_236], %get3A_219 masked %and3A_228 : memref<20736xi32, #tpu.memory_space<vmem>>[vector<16xi32>], vector<16xi32>, vector<16xi1>
      tpu.vector_store_idx %arg19[%sub3A_236], %sub3A_221 masked %and3A_228 : memref<20736xi32, #tpu.memory_space<vmem>>[vector<16xi32>], vector<16xi32>, vector<16xi1>
      %lt3A_237 = arith.constant 0 : i32
      %lt3A_238 = vector.broadcast %lt3A_237 : i32 to vector<16xi32>
      %lt3A_239 = arith.cmpi slt, %broadcast_in_dim3A_9, %lt3A_238 : vector<16xi32>
      %add3A_240 = arith.constant 16 : i32
      %add3A_241 = vector.broadcast %add3A_240 : i32 to vector<16xi32>
      %add3A_242 = arith.addi %broadcast_in_dim3A_9, %add3A_241 : vector<16xi32>
      %select_n3A_243 = arith.select %lt3A_239, %add3A_242, %broadcast_in_dim3A_9 : vector<16xi1>, vector<16xi32>
      %broadcast_in_dim3A_244 = vector.shape_cast %select_n3A_243 : vector<16xi32> to vector<16x1xi32>
      %gather3A_245 = vector.shape_cast %broadcast_in_dim3A_244 : vector<16x1xi32> to vector<16xi32>
      %gather3A_246 = tpu.dynamic_gather %masked_cumsum3A_232[%gather3A_245] in [0] : vector<16xi32>, vector<16xi32> -> vector<16xi32>
      %add3A_247 = arith.addi %add3A_213, %gather3A_246 : vector<16xi32>
      %get3A_248 = arith.index_cast %add3A_83 : i32 to index
      %get3A_249 = arith.constant 80 : index
      %get3A_250 = tpu.vector_load %arg17[%get3A_248, %get3A_249] {strides = array<i32>} : memref<160x128xi32, #tpu.memory_space<vmem>>, vector<16xi32>,
      %get3A_251 = arith.index_cast %add3A_83 : i32 to index
      %get3A_252 = arith.constant 80 : index
      %get3A_253 = tpu.vector_load %arg16[%get3A_251, %get3A_252] {strides = array<i32>} : memref<160x128xi32, #tpu.memory_space<vmem>>, vector<16xi32>,
      %sub3A_254 = vector.broadcast %mul3A_8 : i32 to vector<16xi32>
      %sub3A_255 = arith.subi %get3A_250, %sub3A_254 : vector<16xi32>
      %ge3A_256 = arith.constant 0 : i32
      %ge3A_257 = vector.broadcast %ge3A_256 : i32 to vector<16xi32>
      %ge3A_258 = arith.cmpi sge, %sub3A_255, %ge3A_257 : vector<16xi32>
      %lt3A_259 = arith.constant 5120 : i32
      %lt3A_260 = vector.broadcast %lt3A_259 : i32 to vector<16xi32>
      %lt3A_261 = arith.cmpi slt, %sub3A_255, %lt3A_260 : vector<16xi32>
      %and3A_262 = arith.andi %ge3A_258, %lt3A_261 : vector<16xi1>
      %convert_element_type3A_263 = arith.extui %and3A_262 : vector<16xi1> to vector<16xi32>
      %broadcast_in_dim3A_264 = arith.constant true
      %broadcast_in_dim3A_265 = vector.broadcast %broadcast_in_dim3A_264 : i1 to vector<16xi1>
      %masked_cumsum3A_266 = tpu.scan <sum>, %convert_element_type3A_263 masked %broadcast_in_dim3A_265 : vector<16xi32>, vector<16xi1> -> vector<16xi32>
      %add3A_267 = arith.addi %add3A_247, %masked_cumsum3A_266 : vector<16xi32>
      %sub3A_268 = arith.constant 1 : i32
      %sub3A_269 = vector.broadcast %sub3A_268 : i32 to vector<16xi32>
      %sub3A_270 = arith.subi %add3A_267, %sub3A_269 : vector<16xi32>
      tpu.vector_store_idx %arg18[%sub3A_270], %get3A_253 masked %and3A_262 : memref<20736xi32, #tpu.memory_space<vmem>>[vector<16xi32>], vector<16xi32>, vector<16xi1>
      tpu.vector_store_idx %arg19[%sub3A_270], %sub3A_255 masked %and3A_262 : memref<20736xi32, #tpu.memory_space<vmem>>[vector<16xi32>], vector<16xi32>, vector<16xi1>
      %lt3A_271 = arith.constant 0 : i32
      %lt3A_272 = vector.broadcast %lt3A_271 : i32 to vector<16xi32>
      %lt3A_273 = arith.cmpi slt, %broadcast_in_dim3A_9, %lt3A_272 : vector<16xi32>
      %add3A_274 = arith.constant 16 : i32
      %add3A_275 = vector.broadcast %add3A_274 : i32 to vector<16xi32>
      %add3A_276 = arith.addi %broadcast_in_dim3A_9, %add3A_275 : vector<16xi32>
      %select_n3A_277 = arith.select %lt3A_273, %add3A_276, %broadcast_in_dim3A_9 : vector<16xi1>, vector<16xi32>
      %broadcast_in_dim3A_278 = vector.shape_cast %select_n3A_277 : vector<16xi32> to vector<16x1xi32>
      %gather3A_279 = vector.shape_cast %broadcast_in_dim3A_278 : vector<16x1xi32> to vector<16xi32>
      %gather3A_280 = tpu.dynamic_gather %masked_cumsum3A_266[%gather3A_279] in [0] : vector<16xi32>, vector<16xi32> -> vector<16xi32>
      %add3A_281 = arith.addi %add3A_247, %gather3A_280 : vector<16xi32>
      %get3A_282 = arith.index_cast %add3A_83 : i32 to index
      %get3A_283 = arith.constant 96 : index
      %get3A_284 = tpu.vector_load %arg17[%get3A_282, %get3A_283] {strides = array<i32>} : memref<160x128xi32, #tpu.memory_space<vmem>>, vector<16xi32>,
      %get3A_285 = arith.index_cast %add3A_83 : i32 to index
      %get3A_286 = arith.constant 96 : index
      %get3A_287 = tpu.vector_load %arg16[%get3A_285, %get3A_286] {strides = array<i32>} : memref<160x128xi32, #tpu.memory_space<vmem>>, vector<16xi32>,
      %sub3A_288 = vector.broadcast %mul3A_8 : i32 to vector<16xi32>
      %sub3A_289 = arith.subi %get3A_284, %sub3A_288 : vector<16xi32>
      %ge3A_290 = arith.constant 0 : i32
      %ge3A_291 = vector.broadcast %ge3A_290 : i32 to vector<16xi32>
      %ge3A_292 = arith.cmpi sge, %sub3A_289, %ge3A_291 : vector<16xi32>
      %lt3A_293 = arith.constant 5120 : i32
      %lt3A_294 = vector.broadcast %lt3A_293 : i32 to vector<16xi32>
      %lt3A_295 = arith.cmpi slt, %sub3A_289, %lt3A_294 : vector<16xi32>
      %and3A_296 = arith.andi %ge3A_292, %lt3A_295 : vector<16xi1>
      %convert_element_type3A_297 = arith.extui %and3A_296 : vector<16xi1> to vector<16xi32>
      %broadcast_in_dim3A_298 = arith.constant true
      %broadcast_in_dim3A_299 = vector.broadcast %broadcast_in_dim3A_298 : i1 to vector<16xi1>
      %masked_cumsum3A_300 = tpu.scan <sum>, %convert_element_type3A_297 masked %broadcast_in_dim3A_299 : vector<16xi32>, vector<16xi1> -> vector<16xi32>
      %add3A_301 = arith.addi %add3A_281, %masked_cumsum3A_300 : vector<16xi32>
      %sub3A_302 = arith.constant 1 : i32
      %sub3A_303 = vector.broadcast %sub3A_302 : i32 to vector<16xi32>
      %sub3A_304 = arith.subi %add3A_301, %sub3A_303 : vector<16xi32>
      tpu.vector_store_idx %arg18[%sub3A_304], %get3A_287 masked %and3A_296 : memref<20736xi32, #tpu.memory_space<vmem>>[vector<16xi32>], vector<16xi32>, vector<16xi1>
      tpu.vector_store_idx %arg19[%sub3A_304], %sub3A_289 masked %and3A_296 : memref<20736xi32, #tpu.memory_space<vmem>>[vector<16xi32>], vector<16xi32>, vector<16xi1>
      %lt3A_305 = arith.constant 0 : i32
      %lt3A_306 = vector.broadcast %lt3A_305 : i32 to vector<16xi32>
      %lt3A_307 = arith.cmpi slt, %broadcast_in_dim3A_9, %lt3A_306 : vector<16xi32>
      %add3A_308 = arith.constant 16 : i32
      %add3A_309 = vector.broadcast %add3A_308 : i32 to vector<16xi32>
      %add3A_310 = arith.addi %broadcast_in_dim3A_9, %add3A_309 : vector<16xi32>
      %select_n3A_311 = arith.select %lt3A_307, %add3A_310, %broadcast_in_dim3A_9 : vector<16xi1>, vector<16xi32>
      %broadcast_in_dim3A_312 = vector.shape_cast %select_n3A_311 : vector<16xi32> to vector<16x1xi32>
      %gather3A_313 = vector.shape_cast %broadcast_in_dim3A_312 : vector<16x1xi32> to vector<16xi32>
      %gather3A_314 = tpu.dynamic_gather %masked_cumsum3A_300[%gather3A_313] in [0] : vector<16xi32>, vector<16xi32> -> vector<16xi32>
      %add3A_315 = arith.addi %add3A_281, %gather3A_314 : vector<16xi32>
      %get3A_316 = arith.index_cast %add3A_83 : i32 to index
      %get3A_317 = arith.constant 112 : index
      %get3A_318 = tpu.vector_load %arg17[%get3A_316, %get3A_317] {strides = array<i32>} : memref<160x128xi32, #tpu.memory_space<vmem>>, vector<16xi32>,
      %get3A_319 = arith.index_cast %add3A_83 : i32 to index
      %get3A_320 = arith.constant 112 : index
      %get3A_321 = tpu.vector_load %arg16[%get3A_319, %get3A_320] {strides = array<i32>} : memref<160x128xi32, #tpu.memory_space<vmem>>, vector<16xi32>,
      %sub3A_322 = vector.broadcast %mul3A_8 : i32 to vector<16xi32>
      %sub3A_323 = arith.subi %get3A_318, %sub3A_322 : vector<16xi32>
      %ge3A_324 = arith.constant 0 : i32
      %ge3A_325 = vector.broadcast %ge3A_324 : i32 to vector<16xi32>
      %ge3A_326 = arith.cmpi sge, %sub3A_323, %ge3A_325 : vector<16xi32>
      %lt3A_327 = arith.constant 5120 : i32
      %lt3A_328 = vector.broadcast %lt3A_327 : i32 to vector<16xi32>
      %lt3A_329 = arith.cmpi slt, %sub3A_323, %lt3A_328 : vector<16xi32>
      %and3A_330 = arith.andi %ge3A_326, %lt3A_329 : vector<16xi1>
      %convert_element_type3A_331 = arith.extui %and3A_330 : vector<16xi1> to vector<16xi32>
      %broadcast_in_dim3A_332 = arith.constant true
      %broadcast_in_dim3A_333 = vector.broadcast %broadcast_in_dim3A_332 : i1 to vector<16xi1>
      %masked_cumsum3A_334 = tpu.scan <sum>, %convert_element_type3A_331 masked %broadcast_in_dim3A_333 : vector<16xi32>, vector<16xi1> -> vector<16xi32>
      %add3A_335 = arith.addi %add3A_315, %masked_cumsum3A_334 : vector<16xi32>
      %sub3A_336 = arith.constant 1 : i32
      %sub3A_337 = vector.broadcast %sub3A_336 : i32 to vector<16xi32>
      %sub3A_338 = arith.subi %add3A_335, %sub3A_337 : vector<16xi32>
      tpu.vector_store_idx %arg18[%sub3A_338], %get3A_321 masked %and3A_330 : memref<20736xi32, #tpu.memory_space<vmem>>[vector<16xi32>], vector<16xi32>, vector<16xi1>
      tpu.vector_store_idx %arg19[%sub3A_338], %sub3A_323 masked %and3A_330 : memref<20736xi32, #tpu.memory_space<vmem>>[vector<16xi32>], vector<16xi32>, vector<16xi1>
      %lt3A_339 = arith.constant 0 : i32
      %lt3A_340 = vector.broadcast %lt3A_339 : i32 to vector<16xi32>
      %lt3A_341 = arith.cmpi slt, %broadcast_in_dim3A_9, %lt3A_340 : vector<16xi32>
      %add3A_342 = arith.constant 16 : i32
      %add3A_343 = vector.broadcast %add3A_342 : i32 to vector<16xi32>
      %add3A_344 = arith.addi %broadcast_in_dim3A_9, %add3A_343 : vector<16xi32>
      %select_n3A_345 = arith.select %lt3A_341, %add3A_344, %broadcast_in_dim3A_9 : vector<16xi1>, vector<16xi32>
      %broadcast_in_dim3A_346 = vector.shape_cast %select_n3A_345 : vector<16xi32> to vector<16x1xi32>
      %gather3A_347 = vector.shape_cast %broadcast_in_dim3A_346 : vector<16x1xi32> to vector<16xi32>
      %gather3A_348 = tpu.dynamic_gather %masked_cumsum3A_334[%gather3A_347] in [0] : vector<16xi32>, vector<16xi32> -> vector<16xi32>
      %add3A_349 = arith.addi %add3A_315, %gather3A_348 : vector<16xi32>
      scf.yield %add3A_349 : vector<16xi32>
    }
    %scan3A_17 = arith.constant 160 : i32
    %iota3A = tpu.iota {dimensions = array<i32: 0>} : vector<16xi32>
    %broadcast_in_dim3A_18 = arith.constant 0 : i32
    %broadcast_in_dim3A_19 = vector.broadcast %broadcast_in_dim3A_18 : i32 to vector<16xi32>
    %mul3A_20 = arith.constant 64 : i32
    %mul3A_21 = arith.muli %arg1, %mul3A_20 : i32
    %add3A_22 = arith.constant 5120 : i32
    %add3A_23 = arith.addi %add3A_22, %mul3A_21 : i32
    %add3A_24 = vector.broadcast %add3A_23 : i32 to vector<16xi32>
    %add3A_25 = arith.addi %add3A_24, %iota3A : vector<16xi32>
    %scan3A_26 = arith.constant 0 : i32
    %scan3A_27 = arith.constant 16 : i32
    %scan3A_28 = arith.addi %scan3A_26, %scan3A_27 : i32
    %scan3A_29 = arith.constant 1 : i32
    scf.for %scan3A_78 = %scan3A_26 to %scan3A_28 step %scan3A_29  : i32 {
      %mul3A_79 = arith.constant 1 : i32
      %mul3A_80 = arith.muli %scan3A_78, %mul3A_79 : i32
      %add3A_81 = arith.constant 0 : i32
      %add3A_82 = arith.addi %add3A_81, %mul3A_80 : i32
      %mul3A_83 = arith.constant 16 : i32
      %mul3A_84 = arith.muli %add3A_82, %mul3A_83 : i32
      %add3A_85 = vector.broadcast %mul3A_84 : i32 to vector<16xi32>
      %add3A_86 = arith.addi %scan3A_16, %add3A_85 : vector<16xi32>
      %add3A_87 = arith.addi %add3A_86, %iota3A : vector<16xi32>
      tpu.vector_store_idx %arg18[%add3A_87], %broadcast_in_dim3A_19 : memref<20736xi32, #tpu.memory_space<vmem>>[vector<16xi32>], vector<16xi32>,
      tpu.vector_store_idx %arg19[%add3A_87], %add3A_25 : memref<20736xi32, #tpu.memory_space<vmem>>[vector<16xi32>], vector<16xi32>,
    }
    %scan3A_30 = arith.constant 16 : i32
    %add3A_31 = arith.constant 255 : i32
    %add3A_32 = vector.broadcast %add3A_31 : i32 to vector<16xi32>
    %add3A_33 = arith.addi %scan3A_16, %add3A_32 : vector<16xi32>
    %jit3A = arith.constant 256 : i32
    %div3A = vector.broadcast %jit3A : i32 to vector<16xi32>
    %div3A_34 = arith.divsi %add3A_33, %div3A : vector<16xi32>
    %sign3A = arith.constant 0 : i32
    %sign3A_35 = vector.broadcast %sign3A : i32 to vector<16xi32>
    %sign3A_36 = arith.cmpi sgt, %add3A_33, %sign3A_35 : vector<16xi32>
    %sign3A_37 = arith.extui %sign3A_36 : vector<16xi1> to vector<16xi32>
    %sign3A_38 = arith.constant 0 : i32
    %sign3A_39 = vector.broadcast %sign3A_38 : i32 to vector<16xi32>
    %sign3A_40 = arith.cmpi slt, %add3A_33, %sign3A_39 : vector<16xi32>
    %sign3A_41 = arith.extui %sign3A_40 : vector<16xi1> to vector<16xi32>
    %sign3A_42 = arith.subi %sign3A_37, %sign3A_41 : vector<16xi32>
    %sign3A_43 = arith.constant 0 : i32
    %sign3A_44 = arith.cmpi sgt, %jit3A, %sign3A_43 : i32
    %sign3A_45 = arith.extui %sign3A_44 : i1 to i32
    %sign3A_46 = arith.constant 0 : i32
    %sign3A_47 = arith.cmpi slt, %jit3A, %sign3A_46 : i32
    %sign3A_48 = arith.extui %sign3A_47 : i1 to i32
    %sign3A_49 = arith.subi %sign3A_45, %sign3A_48 : i32
    %ne3A = vector.broadcast %sign3A_49 : i32 to vector<16xi32>
    %ne3A_50 = arith.cmpi ne, %sign3A_42, %ne3A : vector<16xi32>
    %rem3A = vector.broadcast %jit3A : i32 to vector<16xi32>
    %rem3A_51 = arith.remsi %add3A_33, %rem3A : vector<16xi32>
    %ne3A_52 = arith.constant 0 : i32
    %ne3A_53 = vector.broadcast %ne3A_52 : i32 to vector<16xi32>
    %ne3A_54 = arith.cmpi ne, %rem3A_51, %ne3A_53 : vector<16xi32>
    %and3A = arith.andi %ne3A_50, %ne3A_54 : vector<16xi1>
    %sub3A = arith.constant 1 : i32
    %sub3A_55 = vector.broadcast %sub3A : i32 to vector<16xi32>
    %sub3A_56 = arith.subi %div3A_34, %sub3A_55 : vector<16xi32>
    %select_n3A = arith.select %and3A, %sub3A_56, %div3A_34 : vector<16xi1>, vector<16xi32>
    %mul3A_57 = arith.constant 2 : i32
    %mul3A_58 = vector.broadcast %mul3A_57 : i32 to vector<16xi32>
    %mul3A_59 = arith.muli %select_n3A, %mul3A_58 : vector<16xi32>
    %max3A = arith.constant 2 : i32
    %max3A_60 = vector.broadcast %max3A : i32 to vector<16xi32>
    %max3A_61 = arith.maxsi %mul3A_59, %max3A_60 : vector<16xi32>
    %swap3A = arith.constant 0 : index
    %swap3A_62 = tpu.vector_load %arg20[%swap3A] {strides = array<i32>} : memref<16xi32, #tpu.memory_space<vmem>>, vector<16xi32>,
    tpu.vector_store %arg20[%swap3A], %max3A_61 {strides = array<i32>} : memref<16xi32, #tpu.memory_space<vmem>>, vector<16xi32>,
    "tpu.region"() ({
      %run_scoped3A = tpu.sem_alloc : memref<!tpu.dma_semaphore, #tpu.memory_space<semaphore_mem>>
      %dma_start3A = arith.constant 0 : i32
      %dma_start3A_78 = tpu.memref_slice %arg15[%arg0, %arg1, %dma_start3A] : memref<2x16x16xi32, #tpu.memory_space<hbm>> -> memref<1x1x16xi32, #tpu.memory_space<hbm>>
      %dma_start3A_79 = tpu.memref_squeeze %dma_start3A_78 : memref<1x1x16xi32, #tpu.memory_space<hbm>> -> memref<16xi32, #tpu.memory_space<hbm>>
      %dma_start3A_80 = arith.constant 0 : i32
      %dma_start3A_81 = tpu.memref_slice %arg15[%arg0, %arg1, %dma_start3A_80] : memref<2x16x16xi32, #tpu.memory_space<hbm>> -> memref<1x1x16xi32, #tpu.memory_space<hbm>>
      %dma_start3A_82 = tpu.memref_squeeze %dma_start3A_81 : memref<1x1x16xi32, #tpu.memory_space<hbm>> -> memref<16xi32, #tpu.memory_space<hbm>>
      tpu.enqueue_dma source(%arg20 : memref<16xi32, #tpu.memory_space<vmem>>) target(%dma_start3A_82 : memref<16xi32, #tpu.memory_space<hbm>>) target_semaphore(%run_scoped3A : memref<!tpu.dma_semaphore, #tpu.memory_space<semaphore_mem>>)
      %dma_wait3A = arith.constant 0 : i32
      %dma_wait3A_83 = tpu.memref_slice %arg15[%arg0, %arg1, %dma_wait3A] : memref<2x16x16xi32, #tpu.memory_space<hbm>> -> memref<1x1x16xi32, #tpu.memory_space<hbm>>
      %dma_wait3A_84 = tpu.memref_squeeze %dma_wait3A_83 : memref<1x1x16xi32, #tpu.memory_space<hbm>> -> memref<16xi32, #tpu.memory_space<hbm>>
      %dma_wait3A_85 = arith.constant 0 : i32
      %dma_wait3A_86 = tpu.memref_slice %arg15[%arg0, %arg1, %dma_wait3A_85] : memref<2x16x16xi32, #tpu.memory_space<hbm>> -> memref<1x1x16xi32, #tpu.memory_space<hbm>>
      %dma_wait3A_87 = tpu.memref_squeeze %dma_wait3A_86 : memref<1x1x16xi32, #tpu.memory_space<hbm>> -> memref<16xi32, #tpu.memory_space<hbm>>
      tpu.wait_dma2 semaphore(%run_scoped3A : memref<!tpu.dma_semaphore, #tpu.memory_space<semaphore_mem>>) src(%arg20 : memref<16xi32, #tpu.memory_space<vmem>>) dst(%dma_wait3A_87 : memref<16xi32, #tpu.memory_space<hbm>>)
      tpu.yield
    }) : () -> ()
    "tpu.region"() ({
      %run_scoped3A = tpu.sem_alloc : memref<!tpu.dma_semaphore, #tpu.memory_space<semaphore_mem>>
      %dma_start3A = arith.constant 0 : i32
      %dma_start3A_78 = tpu.memref_slice %arg13[%arg0, %arg1, %dma_start3A] : memref<2x16x20736xi32, #tpu.memory_space<hbm>> -> memref<1x1x20736xi32, #tpu.memory_space<hbm>>
      %dma_start3A_79 = tpu.memref_squeeze %dma_start3A_78 : memref<1x1x20736xi32, #tpu.memory_space<hbm>> -> memref<20736xi32, #tpu.memory_space<hbm>>
      %dma_start3A_80 = arith.constant 0 : i32
      %dma_start3A_81 = tpu.memref_slice %arg13[%arg0, %arg1, %dma_start3A_80] : memref<2x16x20736xi32, #tpu.memory_space<hbm>> -> memref<1x1x20736xi32, #tpu.memory_space<hbm>>
      %dma_start3A_82 = tpu.memref_squeeze %dma_start3A_81 : memref<1x1x20736xi32, #tpu.memory_space<hbm>> -> memref<20736xi32, #tpu.memory_space<hbm>>
      tpu.enqueue_dma source(%arg18 : memref<20736xi32, #tpu.memory_space<vmem>>) target(%dma_start3A_82 : memref<20736xi32, #tpu.memory_space<hbm>>) target_semaphore(%run_scoped3A : memref<!tpu.dma_semaphore, #tpu.memory_space<semaphore_mem>>)
      %dma_wait3A = arith.constant 0 : i32
      %dma_wait3A_83 = tpu.memref_slice %arg13[%arg0, %arg1, %dma_wait3A] : memref<2x16x20736xi32, #tpu.memory_space<hbm>> -> memref<1x1x20736xi32, #tpu.memory_space<hbm>>
      %dma_wait3A_84 = tpu.memref_squeeze %dma_wait3A_83 : memref<1x1x20736xi32, #tpu.memory_space<hbm>> -> memref<20736xi32, #tpu.memory_space<hbm>>
      %dma_wait3A_85 = arith.constant 0 : i32
      %dma_wait3A_86 = tpu.memref_slice %arg13[%arg0, %arg1, %dma_wait3A_85] : memref<2x16x20736xi32, #tpu.memory_space<hbm>> -> memref<1x1x20736xi32, #tpu.memory_space<hbm>>
      %dma_wait3A_87 = tpu.memref_squeeze %dma_wait3A_86 : memref<1x1x20736xi32, #tpu.memory_space<hbm>> -> memref<20736xi32, #tpu.memory_space<hbm>>
      tpu.wait_dma2 semaphore(%run_scoped3A : memref<!tpu.dma_semaphore, #tpu.memory_space<semaphore_mem>>) src(%arg18 : memref<20736xi32, #tpu.memory_space<vmem>>) dst(%dma_wait3A_87 : memref<20736xi32, #tpu.memory_space<hbm>>)
      tpu.yield
    }) : () -> ()
    "tpu.region"() ({
      %run_scoped3A = tpu.sem_alloc : memref<!tpu.dma_semaphore, #tpu.memory_space<semaphore_mem>>
      %dma_start3A = arith.constant 0 : i32
      %dma_start3A_78 = tpu.memref_slice %arg14[%arg0, %arg1, %dma_start3A] : memref<2x16x20736xi32, #tpu.memory_space<hbm>> -> memref<1x1x20736xi32, #tpu.memory_space<hbm>>
      %dma_start3A_79 = tpu.memref_squeeze %dma_start3A_78 : memref<1x1x20736xi32, #tpu.memory_space<hbm>> -> memref<20736xi32, #tpu.memory_space<hbm>>
      %dma_start3A_80 = arith.constant 0 : i32
      %dma_start3A_81 = tpu.memref_slice %arg14[%arg0, %arg1, %dma_start3A_80] : memref<2x16x20736xi32, #tpu.memory_space<hbm>> -> memref<1x1x20736xi32, #tpu.memory_space<hbm>>
      %dma_start3A_82 = tpu.memref_squeeze %dma_start3A_81 : memref<1x1x20736xi32, #tpu.memory_space<hbm>> -> memref<20736xi32, #tpu.memory_space<hbm>>
      tpu.enqueue_dma source(%arg19 : memref<20736xi32, #tpu.memory_space<vmem>>) target(%dma_start3A_82 : memref<20736xi32, #tpu.memory_space<hbm>>) target_semaphore(%run_scoped3A : memref<!tpu.dma_semaphore, #tpu.memory_space<semaphore_mem>>)
      %dma_wait3A = arith.constant 0 : i32
      %dma_wait3A_83 = tpu.memref_slice %arg14[%arg0, %arg1, %dma_wait3A] : memref<2x16x20736xi32, #tpu.memory_space<hbm>> -> memref<1x1x20736xi32, #tpu.memory_space<hbm>>
      %dma_wait3A_84 = tpu.memref_squeeze %dma_wait3A_83 : memref<1x1x20736xi32, #tpu.memory_space<hbm>> -> memref<20736xi32, #tpu.memory_space<hbm>>
      %dma_wait3A_85 = arith.constant 0 : i32
      %dma_wait3A_86 = tpu.memref_slice %arg14[%arg0, %arg1, %dma_wait3A_85] : memref<2x16x20736xi32, #tpu.memory_space<hbm>> -> memref<1x1x20736xi32, #tpu.memory_space<hbm>>
      %dma_wait3A_87 = tpu.memref_squeeze %dma_wait3A_86 : memref<1x1x20736xi32, #tpu.memory_space<hbm>> -> memref<20736xi32, #tpu.memory_space<hbm>>
      tpu.wait_dma2 semaphore(%run_scoped3A : memref<!tpu.dma_semaphore, #tpu.memory_space<semaphore_mem>>) src(%arg19 : memref<20736xi32, #tpu.memory_space<vmem>>) dst(%dma_wait3A_87 : memref<20736xi32, #tpu.memory_space<hbm>>)
      tpu.yield
    }) : () -> ()
    "tpu.region"() ({
      %run_scoped3A = tpu.sem_alloc : memref<!tpu.dma_semaphore, #tpu.memory_space<semaphore_mem>>
      %dma_start3A = arith.constant 0 : i32
      %dma_start3A_78 = arith.constant 0 : i32
      %dma_start3A_79 = tpu.memref_slice %arg4[%add3A, %dma_start3A, %dma_start3A_78] : memref<32x4x80xi32, #tpu.memory_space<hbm>> -> memref<1x4x80xi32, #tpu.memory_space<hbm>>
      %dma_start3A_80 = tpu.memref_squeeze %dma_start3A_79 : memref<1x4x80xi32, #tpu.memory_space<hbm>> -> memref<4x80xi32, #tpu.memory_space<hbm>>
      %dma_start3A_81 = arith.constant 0 : i32
      %dma_start3A_82 = arith.constant 0 : i32
      %dma_start3A_83 = tpu.memref_slice %arg4[%add3A, %dma_start3A_81, %dma_start3A_82] : memref<32x4x80xi32, #tpu.memory_space<hbm>> -> memref<1x4x80xi32, #tpu.memory_space<hbm>>
      %dma_start3A_84 = tpu.memref_squeeze %dma_start3A_83 : memref<1x4x80xi32, #tpu.memory_space<hbm>> -> memref<4x80xi32, #tpu.memory_space<hbm>>
      tpu.enqueue_dma source(%dma_start3A_84 : memref<4x80xi32, #tpu.memory_space<hbm>>) target(%arg21 : memref<4x80xi32, #tpu.memory_space<vmem>>) target_semaphore(%run_scoped3A : memref<!tpu.dma_semaphore, #tpu.memory_space<semaphore_mem>>)
      %dma_wait3A = arith.constant 0 : i32
      %dma_wait3A_85 = arith.constant 0 : i32
      %dma_wait3A_86 = tpu.memref_slice %arg4[%add3A, %dma_wait3A, %dma_wait3A_85] : memref<32x4x80xi32, #tpu.memory_space<hbm>> -> memref<1x4x80xi32, #tpu.memory_space<hbm>>
      %dma_wait3A_87 = tpu.memref_squeeze %dma_wait3A_86 : memref<1x4x80xi32, #tpu.memory_space<hbm>> -> memref<4x80xi32, #tpu.memory_space<hbm>>
      %dma_wait3A_88 = arith.constant 0 : i32
      %dma_wait3A_89 = arith.constant 0 : i32
      %dma_wait3A_90 = tpu.memref_slice %arg4[%add3A, %dma_wait3A_88, %dma_wait3A_89] : memref<32x4x80xi32, #tpu.memory_space<hbm>> -> memref<1x4x80xi32, #tpu.memory_space<hbm>>
      %dma_wait3A_91 = tpu.memref_squeeze %dma_wait3A_90 : memref<1x4x80xi32, #tpu.memory_space<hbm>> -> memref<4x80xi32, #tpu.memory_space<hbm>>
      tpu.wait_dma2 semaphore(%run_scoped3A : memref<!tpu.dma_semaphore, #tpu.memory_space<semaphore_mem>>) src(%dma_wait3A_91 : memref<4x80xi32, #tpu.memory_space<hbm>>) dst(%arg21 : memref<4x80xi32, #tpu.memory_space<vmem>>)
      tpu.yield
    }) : () -> ()
    %scan3A_63 = arith.constant 0 : i32
    %scan3A_64 = arith.constant 4 : i32
    %scan3A_65 = arith.addi %scan3A_63, %scan3A_64 : i32
    %scan3A_66 = arith.constant 1 : i32
    scf.for %scan3A_78 = %scan3A_63 to %scan3A_65 step %scan3A_66  : i32 {
      %mul3A_79 = arith.constant 1 : i32
      %mul3A_80 = arith.muli %scan3A_78, %mul3A_79 : i32
      %add3A_81 = arith.constant 0 : i32
      %add3A_82 = arith.addi %add3A_81, %mul3A_80 : i32
      %dma_start3A = arith.constant 0 : i32
      %dma_start3A_83 = tpu.memref_slice %arg21[%add3A_82, %dma_start3A] : memref<4x80xi32, #tpu.memory_space<vmem>> -> memref<1x80xi32, #tpu.memory_space<vmem>>
      %dma_start3A_84 = tpu.memref_squeeze %dma_start3A_83 : memref<1x80xi32, #tpu.memory_space<vmem>> -> memref<80xi32, #tpu.memory_space<vmem>>
      %dma_start3A_85 = arith.constant 0 : i32
      %dma_start3A_86 = arith.constant 0 : i32
      %dma_start3A_87 = tpu.memref_slice %arg6[%dma_start3A_85, %dma_start3A_86] : memref<50000x128xf32, #tpu.memory_space<hbm>> -> memref<50000x128xf32, #tpu.memory_space<hbm>>
      tpu.enqueue_indirect_dma source(%dma_start3A_87 : memref<50000x128xf32, #tpu.memory_space<hbm>>) target(%arg22 : memref<80x128xf32, #tpu.memory_space<vmem>>) offsets(%dma_start3A_84 : memref<80xi32, #tpu.memory_space<vmem>>) semaphore(%arg25 : memref<!tpu.dma_semaphore, #tpu.memory_space<semaphore_mem>>)
      %dma_wait3A = arith.constant 0 : i32
      %dma_wait3A_88 = tpu.memref_slice %arg21[%add3A_82, %dma_wait3A] : memref<4x80xi32, #tpu.memory_space<vmem>> -> memref<1x80xi32, #tpu.memory_space<vmem>>
      %dma_wait3A_89 = tpu.memref_squeeze %dma_wait3A_88 : memref<1x80xi32, #tpu.memory_space<vmem>> -> memref<80xi32, #tpu.memory_space<vmem>>
      %dma_wait3A_90 = arith.constant 0 : i32
      %dma_wait3A_91 = arith.constant 0 : i32
      %dma_wait3A_92 = tpu.memref_slice %arg6[%dma_wait3A_90, %dma_wait3A_91] : memref<50000x128xf32, #tpu.memory_space<hbm>> -> memref<50000x128xf32, #tpu.memory_space<hbm>>
      tpu.wait_indirect_dma semaphore(%arg25 : memref<!tpu.dma_semaphore, #tpu.memory_space<semaphore_mem>>) src(%dma_wait3A_92 : memref<50000x128xf32, #tpu.memory_space<hbm>>) dst(%arg22 : memref<80x128xf32, #tpu.memory_space<vmem>>)
      %mul3A_93 = arith.constant 320 : i32
      %mul3A_94 = arith.muli %add3A, %mul3A_93 : i32
      %mul3A_95 = arith.constant 80 : i32
      %mul3A_96 = arith.muli %add3A_82, %mul3A_95 : i32
      %add3A_97 = arith.addi %mul3A_94, %mul3A_96 : i32
      "tpu.region"() ({
        %run_scoped3A = tpu.sem_alloc : memref<!tpu.dma_semaphore, #tpu.memory_space<semaphore_mem>>
        %dma_start3A_98 = arith.constant 0 : i32
        %dma_start3A_99 = tpu.memref_slice %arg11[%add3A_97, %dma_start3A_98] : memref<10240x128xf32, #tpu.memory_space<hbm>> -> memref<80x128xf32, #tpu.memory_space<hbm>>
        %dma_start3A_100 = arith.constant 0 : i32
        %dma_start3A_101 = tpu.memref_slice %arg11[%add3A_97, %dma_start3A_100] : memref<10240x128xf32, #tpu.memory_space<hbm>> -> memref<80x128xf32, #tpu.memory_space<hbm>>
        tpu.enqueue_dma source(%arg22 : memref<80x128xf32, #tpu.memory_space<vmem>>) target(%dma_start3A_101 : memref<80x128xf32, #tpu.memory_space<hbm>>) target_semaphore(%run_scoped3A : memref<!tpu.dma_semaphore, #tpu.memory_space<semaphore_mem>>)
        %dma_wait3A_102 = arith.constant 0 : i32
        %dma_wait3A_103 = tpu.memref_slice %arg11[%add3A_97, %dma_wait3A_102] : memref<10240x128xf32, #tpu.memory_space<hbm>> -> memref<80x128xf32, #tpu.memory_space<hbm>>
        %dma_wait3A_104 = arith.constant 0 : i32
        %dma_wait3A_105 = tpu.memref_slice %arg11[%add3A_97, %dma_wait3A_104] : memref<10240x128xf32, #tpu.memory_space<hbm>> -> memref<80x128xf32, #tpu.memory_space<hbm>>
        tpu.wait_dma2 semaphore(%run_scoped3A : memref<!tpu.dma_semaphore, #tpu.memory_space<semaphore_mem>>) src(%arg22 : memref<80x128xf32, #tpu.memory_space<vmem>>) dst(%dma_wait3A_105 : memref<80x128xf32, #tpu.memory_space<hbm>>)
        tpu.yield
      }) : () -> ()
    }
    %scan3A_67 = arith.constant 4 : i32
    "tpu.region"() ({
      %run_scoped3A = tpu.sem_alloc : memref<!tpu.dma_semaphore, #tpu.memory_space<semaphore_mem>>
      %dma_start3A = arith.constant 0 : i32
      %dma_start3A_78 = arith.constant 0 : i32
      %dma_start3A_79 = tpu.memref_slice %arg5[%add3A, %dma_start3A, %dma_start3A_78] : memref<32x4x80xi32, #tpu.memory_space<hbm>> -> memref<1x4x80xi32, #tpu.memory_space<hbm>>
      %dma_start3A_80 = tpu.memref_squeeze %dma_start3A_79 : memref<1x4x80xi32, #tpu.memory_space<hbm>> -> memref<4x80xi32, #tpu.memory_space<hbm>>
      %dma_start3A_81 = arith.constant 0 : i32
      %dma_start3A_82 = arith.constant 0 : i32
      %dma_start3A_83 = tpu.memref_slice %arg5[%add3A, %dma_start3A_81, %dma_start3A_82] : memref<32x4x80xi32, #tpu.memory_space<hbm>> -> memref<1x4x80xi32, #tpu.memory_space<hbm>>
      %dma_start3A_84 = tpu.memref_squeeze %dma_start3A_83 : memref<1x4x80xi32, #tpu.memory_space<hbm>> -> memref<4x80xi32, #tpu.memory_space<hbm>>
      tpu.enqueue_dma source(%dma_start3A_84 : memref<4x80xi32, #tpu.memory_space<hbm>>) target(%arg21 : memref<4x80xi32, #tpu.memory_space<vmem>>) target_semaphore(%run_scoped3A : memref<!tpu.dma_semaphore, #tpu.memory_space<semaphore_mem>>)
      %dma_wait3A = arith.constant 0 : i32
      %dma_wait3A_85 = arith.constant 0 : i32
      %dma_wait3A_86 = tpu.memref_slice %arg5[%add3A, %dma_wait3A, %dma_wait3A_85] : memref<32x4x80xi32, #tpu.memory_space<hbm>> -> memref<1x4x80xi32, #tpu.memory_space<hbm>>
      %dma_wait3A_87 = tpu.memref_squeeze %dma_wait3A_86 : memref<1x4x80xi32, #tpu.memory_space<hbm>> -> memref<4x80xi32, #tpu.memory_space<hbm>>
      %dma_wait3A_88 = arith.constant 0 : i32
      %dma_wait3A_89 = arith.constant 0 : i32
      %dma_wait3A_90 = tpu.memref_slice %arg5[%add3A, %dma_wait3A_88, %dma_wait3A_89] : memref<32x4x80xi32, #tpu.memory_space<hbm>> -> memref<1x4x80xi32, #tpu.memory_space<hbm>>
      %dma_wait3A_91 = tpu.memref_squeeze %dma_wait3A_90 : memref<1x4x80xi32, #tpu.memory_space<hbm>> -> memref<4x80xi32, #tpu.memory_space<hbm>>
      tpu.wait_dma2 semaphore(%run_scoped3A : memref<!tpu.dma_semaphore, #tpu.memory_space<semaphore_mem>>) src(%dma_wait3A_91 : memref<4x80xi32, #tpu.memory_space<hbm>>) dst(%arg21 : memref<4x80xi32, #tpu.memory_space<vmem>>)
      tpu.yield
    }) : () -> ()
    %scan3A_68 = arith.constant 0 : i32
    %scan3A_69 = arith.constant 4 : i32
    %scan3A_70 = arith.addi %scan3A_68, %scan3A_69 : i32
    %scan3A_71 = arith.constant 1 : i32
    scf.for %scan3A_78 = %scan3A_68 to %scan3A_70 step %scan3A_71  : i32 {
      %mul3A_79 = arith.constant 1 : i32
      %mul3A_80 = arith.muli %scan3A_78, %mul3A_79 : i32
      %add3A_81 = arith.constant 0 : i32
      %add3A_82 = arith.addi %add3A_81, %mul3A_80 : i32
      %dma_start3A = arith.constant 0 : i32
      %dma_start3A_83 = tpu.memref_slice %arg21[%add3A_82, %dma_start3A] : memref<4x80xi32, #tpu.memory_space<vmem>> -> memref<1x80xi32, #tpu.memory_space<vmem>>
      %dma_start3A_84 = tpu.memref_squeeze %dma_start3A_83 : memref<1x80xi32, #tpu.memory_space<vmem>> -> memref<80xi32, #tpu.memory_space<vmem>>
      %dma_start3A_85 = arith.constant 0 : i32
      %dma_start3A_86 = arith.constant 0 : i32
      %dma_start3A_87 = tpu.memref_slice %arg7[%dma_start3A_85, %dma_start3A_86] : memref<500x128xf32, #tpu.memory_space<hbm>> -> memref<500x128xf32, #tpu.memory_space<hbm>>
      tpu.enqueue_indirect_dma source(%dma_start3A_87 : memref<500x128xf32, #tpu.memory_space<hbm>>) target(%arg22 : memref<80x128xf32, #tpu.memory_space<vmem>>) offsets(%dma_start3A_84 : memref<80xi32, #tpu.memory_space<vmem>>) semaphore(%arg25 : memref<!tpu.dma_semaphore, #tpu.memory_space<semaphore_mem>>)
      %dma_wait3A = arith.constant 0 : i32
      %dma_wait3A_88 = tpu.memref_slice %arg21[%add3A_82, %dma_wait3A] : memref<4x80xi32, #tpu.memory_space<vmem>> -> memref<1x80xi32, #tpu.memory_space<vmem>>
      %dma_wait3A_89 = tpu.memref_squeeze %dma_wait3A_88 : memref<1x80xi32, #tpu.memory_space<vmem>> -> memref<80xi32, #tpu.memory_space<vmem>>
      %dma_wait3A_90 = arith.constant 0 : i32
      %dma_wait3A_91 = arith.constant 0 : i32
      %dma_wait3A_92 = tpu.memref_slice %arg7[%dma_wait3A_90, %dma_wait3A_91] : memref<500x128xf32, #tpu.memory_space<hbm>> -> memref<500x128xf32, #tpu.memory_space<hbm>>
      tpu.wait_indirect_dma semaphore(%arg25 : memref<!tpu.dma_semaphore, #tpu.memory_space<semaphore_mem>>) src(%dma_wait3A_92 : memref<500x128xf32, #tpu.memory_space<hbm>>) dst(%arg22 : memref<80x128xf32, #tpu.memory_space<vmem>>)
      %mul3A_93 = arith.constant 320 : i32
      %mul3A_94 = arith.muli %add3A, %mul3A_93 : i32
      %mul3A_95 = arith.constant 80 : i32
      %mul3A_96 = arith.muli %add3A_82, %mul3A_95 : i32
      %add3A_97 = arith.addi %mul3A_94, %mul3A_96 : i32
      "tpu.region"() ({
        %run_scoped3A = tpu.sem_alloc : memref<!tpu.dma_semaphore, #tpu.memory_space<semaphore_mem>>
        %dma_start3A_98 = arith.constant 0 : i32
        %dma_start3A_99 = tpu.memref_slice %arg12[%add3A_97, %dma_start3A_98] : memref<10240x128xf32, #tpu.memory_space<hbm>> -> memref<80x128xf32, #tpu.memory_space<hbm>>
        %dma_start3A_100 = arith.constant 0 : i32
        %dma_start3A_101 = tpu.memref_slice %arg12[%add3A_97, %dma_start3A_100] : memref<10240x128xf32, #tpu.memory_space<hbm>> -> memref<80x128xf32, #tpu.memory_space<hbm>>
        tpu.enqueue_dma source(%arg22 : memref<80x128xf32, #tpu.memory_space<vmem>>) target(%dma_start3A_101 : memref<80x128xf32, #tpu.memory_space<hbm>>) target_semaphore(%run_scoped3A : memref<!tpu.dma_semaphore, #tpu.memory_space<semaphore_mem>>)
        %dma_wait3A_102 = arith.constant 0 : i32
        %dma_wait3A_103 = tpu.memref_slice %arg12[%add3A_97, %dma_wait3A_102] : memref<10240x128xf32, #tpu.memory_space<hbm>> -> memref<80x128xf32, #tpu.memory_space<hbm>>
        %dma_wait3A_104 = arith.constant 0 : i32
        %dma_wait3A_105 = tpu.memref_slice %arg12[%add3A_97, %dma_wait3A_104] : memref<10240x128xf32, #tpu.memory_space<hbm>> -> memref<80x128xf32, #tpu.memory_space<hbm>>
        tpu.wait_dma2 semaphore(%run_scoped3A : memref<!tpu.dma_semaphore, #tpu.memory_space<semaphore_mem>>) src(%arg22 : memref<80x128xf32, #tpu.memory_space<vmem>>) dst(%dma_wait3A_105 : memref<80x128xf32, #tpu.memory_space<hbm>>)
        tpu.yield
      }) : () -> ()
    }
    %scan3A_72 = arith.constant 4 : i32
    %barrier3A_73 = arith.constant 0 : index
    tpu.barrier barrier_id(%barrier3A_73)
    %mul3A_74 = arith.constant 640 : i32
    %mul3A_75 = arith.muli %arg1, %mul3A_74 : i32
    %mul3A_76 = arith.constant 640 : i32
    %mul3A_77 = arith.muli %arg1, %mul3A_76 : i32
    "tpu.region"() ({
      %run_scoped3A = tpu.sem_alloc : memref<!tpu.dma_semaphore, #tpu.memory_space<semaphore_mem>>
      %dma_start3A = tpu.memref_slice %arg10[%arg0, %mul3A_77] : memref<2x10240xf32, #tpu.memory_space<hbm>> -> memref<1x640xf32, #tpu.memory_space<hbm>>
      %dma_start3A_78 = tpu.memref_squeeze %dma_start3A : memref<1x640xf32, #tpu.memory_space<hbm>> -> memref<640xf32, #tpu.memory_space<hbm>>
      %dma_start3A_79 = tpu.memref_slice %arg24[%mul3A_75] : memref<10240xf32, #tpu.memory_space<vmem_shared>> -> memref<640xf32, #tpu.memory_space<vmem_shared>>
      tpu.enqueue_dma source(%dma_start3A_79 : memref<640xf32, #tpu.memory_space<vmem_shared>>) target(%dma_start3A_78 : memref<640xf32, #tpu.memory_space<hbm>>) target_semaphore(%run_scoped3A : memref<!tpu.dma_semaphore, #tpu.memory_space<semaphore_mem>>)
      %dma_wait3A = tpu.memref_slice %arg10[%arg0, %mul3A_77] : memref<2x10240xf32, #tpu.memory_space<hbm>> -> memref<1x640xf32, #tpu.memory_space<hbm>>
      %dma_wait3A_80 = tpu.memref_squeeze %dma_wait3A : memref<1x640xf32, #tpu.memory_space<hbm>> -> memref<640xf32, #tpu.memory_space<hbm>>
      %dma_wait3A_81 = tpu.memref_slice %arg24[%mul3A_75] : memref<10240xf32, #tpu.memory_space<vmem_shared>> -> memref<640xf32, #tpu.memory_space<vmem_shared>>
      tpu.wait_dma2 semaphore(%run_scoped3A : memref<!tpu.dma_semaphore, #tpu.memory_space<semaphore_mem>>) src(%dma_wait3A_81 : memref<640xf32, #tpu.memory_space<vmem_shared>>) dst(%dma_wait3A_80 : memref<640xf32, #tpu.memory_space<hbm>>)
      tpu.yield
    }) : () -> ()
    return
  }
}

#map = affine_map<(d0, d1) -> (0, 0)>
#map1 = affine_map<(d0, d1) -> (0, 0, 0, 0)>
#map2 = affine_map<(d0, d1) -> (0, 0, 0)>
module attributes {stable_mosaic.version = 14 : i64} {
  func.func @_sc_prop(%arg0: i32, %arg1: i32, %arg2: memref<10240x128xf32, #tpu.memory_space<hbm>>, %arg3: memref<2x16x162x128xi32, #tpu.memory_space<hbm>>, %arg4: memref<2x16x162x128xi32, #tpu.memory_space<hbm>>, %arg5: memref<2x16x16xi32, #tpu.memory_space<hbm>>, %arg6: memref<64x128xf32, #tpu.memory_space<hbm>>, %arg7: memref<2x5120x128xf32, #tpu.memory_space<hbm>>, %arg8: memref<162x128xi32, #tpu.memory_space<vmem>>, %arg9: memref<162x128xi32, #tpu.memory_space<vmem>>, %arg10: memref<16xi32, #tpu.memory_space<vmem>>, %arg11: memref<128x128xf32, #tpu.memory_space<vmem>>, %arg12: memref<128x128xf32, #tpu.memory_space<vmem>>, %arg13: memref<6144x128xf32, #tpu.memory_space<vmem_shared>>, %arg14: memref<!tpu.dma_semaphore, #tpu.memory_space<semaphore_mem>>, %arg15: memref<!tpu.dma_semaphore, #tpu.memory_space<semaphore_mem>>, %arg16: memref<!tpu.dma_semaphore, #tpu.memory_space<semaphore_mem>>, %arg17: memref<!tpu.dma_semaphore, #tpu.memory_space<semaphore_mem>>) attributes {dimension_semantics = [#tpu.dimension_semantics<core_parallel>, #tpu.dimension_semantics<subcore_parallel>], iteration_bounds = array<i64: 2, 16>, scalar_prefetch = 0 : i64, scratch_operands = 10 : i64, tpu.core_type = #tpu.core_type<sc_vector_subcore>, window_params = [{transform_indices = #map}, {transform_indices = #map1}, {transform_indices = #map1}, {transform_indices = #map2}, {transform_indices = #map}, {transform_indices = #map2}]} {
    %scan3A = arith.constant 0 : i32
    %scan3A_0 = arith.constant 6 : i32
    %scan3A_1 = arith.addi %scan3A, %scan3A_0 : i32
    %scan3A_2 = arith.constant 1 : i32
    scf.for %scan3A_33 = %scan3A to %scan3A_1 step %scan3A_2  : i32 {
      %mul3A_34 = arith.constant 1 : i32
      %mul3A_35 = arith.muli %scan3A_33, %mul3A_34 : i32
      %add3A = arith.constant 0 : i32
      %add3A_36 = arith.addi %add3A, %mul3A_35 : i32
      %mul3A_37 = arith.constant 384 : i32
      %mul3A_38 = arith.muli %arg1, %mul3A_37 : i32
      %mul3A_39 = arith.constant 64 : i32
      %mul3A_40 = arith.muli %add3A_36, %mul3A_39 : i32
      %add3A_41 = arith.addi %mul3A_38, %mul3A_40 : i32
      "tpu.region"() ({
        %run_scoped3A = tpu.sem_alloc : memref<!tpu.dma_semaphore, #tpu.memory_space<semaphore_mem>>
        %dma_start3A_42 = arith.constant 0 : i32
        %dma_start3A_43 = tpu.memref_slice %arg13[%add3A_41, %dma_start3A_42] : memref<6144x128xf32, #tpu.memory_space<vmem_shared>> -> memref<64x128xf32, #tpu.memory_space<vmem_shared>>
        tpu.enqueue_dma source(%arg6 : memref<64x128xf32, #tpu.memory_space<hbm>>) target(%dma_start3A_43 : memref<64x128xf32, #tpu.memory_space<vmem_shared>>) target_semaphore(%run_scoped3A : memref<!tpu.dma_semaphore, #tpu.memory_space<semaphore_mem>>)
        %dma_wait3A_44 = arith.constant 0 : i32
        %dma_wait3A_45 = tpu.memref_slice %arg13[%add3A_41, %dma_wait3A_44] : memref<6144x128xf32, #tpu.memory_space<vmem_shared>> -> memref<64x128xf32, #tpu.memory_space<vmem_shared>>
        tpu.wait_dma2 semaphore(%run_scoped3A : memref<!tpu.dma_semaphore, #tpu.memory_space<semaphore_mem>>) src(%arg6 : memref<64x128xf32, #tpu.memory_space<hbm>>) dst(%dma_wait3A_45 : memref<64x128xf32, #tpu.memory_space<vmem_shared>>)
        tpu.yield
      }) : () -> ()
    }
    %scan3A_3 = arith.constant 6 : i32
    "tpu.region"() ({
      %run_scoped3A = tpu.sem_alloc : memref<!tpu.dma_semaphore, #tpu.memory_space<semaphore_mem>>
      %dma_start3A_33 = arith.constant 0 : i32
      %dma_start3A_34 = arith.constant 0 : i32
      %dma_start3A_35 = tpu.memref_slice %arg3[%arg0, %arg1, %dma_start3A_33, %dma_start3A_34] : memref<2x16x162x128xi32, #tpu.memory_space<hbm>> -> memref<1x1x162x128xi32, #tpu.memory_space<hbm>>
      %dma_start3A_36 = tpu.memref_squeeze %dma_start3A_35 : memref<1x1x162x128xi32, #tpu.memory_space<hbm>> -> memref<162x128xi32, #tpu.memory_space<hbm>>
      %dma_start3A_37 = arith.constant 0 : i32
      %dma_start3A_38 = arith.constant 0 : i32
      %dma_start3A_39 = tpu.memref_slice %arg3[%arg0, %arg1, %dma_start3A_37, %dma_start3A_38] : memref<2x16x162x128xi32, #tpu.memory_space<hbm>> -> memref<1x1x162x128xi32, #tpu.memory_space<hbm>>
      %dma_start3A_40 = tpu.memref_squeeze %dma_start3A_39 : memref<1x1x162x128xi32, #tpu.memory_space<hbm>> -> memref<162x128xi32, #tpu.memory_space<hbm>>
      tpu.enqueue_dma source(%dma_start3A_40 : memref<162x128xi32, #tpu.memory_space<hbm>>) target(%arg8 : memref<162x128xi32, #tpu.memory_space<vmem>>) target_semaphore(%run_scoped3A : memref<!tpu.dma_semaphore, #tpu.memory_space<semaphore_mem>>)
      %dma_wait3A_41 = arith.constant 0 : i32
      %dma_wait3A_42 = arith.constant 0 : i32
      %dma_wait3A_43 = tpu.memref_slice %arg3[%arg0, %arg1, %dma_wait3A_41, %dma_wait3A_42] : memref<2x16x162x128xi32, #tpu.memory_space<hbm>> -> memref<1x1x162x128xi32, #tpu.memory_space<hbm>>
      %dma_wait3A_44 = tpu.memref_squeeze %dma_wait3A_43 : memref<1x1x162x128xi32, #tpu.memory_space<hbm>> -> memref<162x128xi32, #tpu.memory_space<hbm>>
      %dma_wait3A_45 = arith.constant 0 : i32
      %dma_wait3A_46 = arith.constant 0 : i32
      %dma_wait3A_47 = tpu.memref_slice %arg3[%arg0, %arg1, %dma_wait3A_45, %dma_wait3A_46] : memref<2x16x162x128xi32, #tpu.memory_space<hbm>> -> memref<1x1x162x128xi32, #tpu.memory_space<hbm>>
      %dma_wait3A_48 = tpu.memref_squeeze %dma_wait3A_47 : memref<1x1x162x128xi32, #tpu.memory_space<hbm>> -> memref<162x128xi32, #tpu.memory_space<hbm>>
      tpu.wait_dma2 semaphore(%run_scoped3A : memref<!tpu.dma_semaphore, #tpu.memory_space<semaphore_mem>>) src(%dma_wait3A_48 : memref<162x128xi32, #tpu.memory_space<hbm>>) dst(%arg8 : memref<162x128xi32, #tpu.memory_space<vmem>>)
      tpu.yield
    }) : () -> ()
    "tpu.region"() ({
      %run_scoped3A = tpu.sem_alloc : memref<!tpu.dma_semaphore, #tpu.memory_space<semaphore_mem>>
      %dma_start3A_33 = arith.constant 0 : i32
      %dma_start3A_34 = arith.constant 0 : i32
      %dma_start3A_35 = tpu.memref_slice %arg4[%arg0, %arg1, %dma_start3A_33, %dma_start3A_34] : memref<2x16x162x128xi32, #tpu.memory_space<hbm>> -> memref<1x1x162x128xi32, #tpu.memory_space<hbm>>
      %dma_start3A_36 = tpu.memref_squeeze %dma_start3A_35 : memref<1x1x162x128xi32, #tpu.memory_space<hbm>> -> memref<162x128xi32, #tpu.memory_space<hbm>>
      %dma_start3A_37 = arith.constant 0 : i32
      %dma_start3A_38 = arith.constant 0 : i32
      %dma_start3A_39 = tpu.memref_slice %arg4[%arg0, %arg1, %dma_start3A_37, %dma_start3A_38] : memref<2x16x162x128xi32, #tpu.memory_space<hbm>> -> memref<1x1x162x128xi32, #tpu.memory_space<hbm>>
      %dma_start3A_40 = tpu.memref_squeeze %dma_start3A_39 : memref<1x1x162x128xi32, #tpu.memory_space<hbm>> -> memref<162x128xi32, #tpu.memory_space<hbm>>
      tpu.enqueue_dma source(%dma_start3A_40 : memref<162x128xi32, #tpu.memory_space<hbm>>) target(%arg9 : memref<162x128xi32, #tpu.memory_space<vmem>>) target_semaphore(%run_scoped3A : memref<!tpu.dma_semaphore, #tpu.memory_space<semaphore_mem>>)
      %dma_wait3A_41 = arith.constant 0 : i32
      %dma_wait3A_42 = arith.constant 0 : i32
      %dma_wait3A_43 = tpu.memref_slice %arg4[%arg0, %arg1, %dma_wait3A_41, %dma_wait3A_42] : memref<2x16x162x128xi32, #tpu.memory_space<hbm>> -> memref<1x1x162x128xi32, #tpu.memory_space<hbm>>
      %dma_wait3A_44 = tpu.memref_squeeze %dma_wait3A_43 : memref<1x1x162x128xi32, #tpu.memory_space<hbm>> -> memref<162x128xi32, #tpu.memory_space<hbm>>
      %dma_wait3A_45 = arith.constant 0 : i32
      %dma_wait3A_46 = arith.constant 0 : i32
      %dma_wait3A_47 = tpu.memref_slice %arg4[%arg0, %arg1, %dma_wait3A_45, %dma_wait3A_46] : memref<2x16x162x128xi32, #tpu.memory_space<hbm>> -> memref<1x1x162x128xi32, #tpu.memory_space<hbm>>
      %dma_wait3A_48 = tpu.memref_squeeze %dma_wait3A_47 : memref<1x1x162x128xi32, #tpu.memory_space<hbm>> -> memref<162x128xi32, #tpu.memory_space<hbm>>
      tpu.wait_dma2 semaphore(%run_scoped3A : memref<!tpu.dma_semaphore, #tpu.memory_space<semaphore_mem>>) src(%dma_wait3A_48 : memref<162x128xi32, #tpu.memory_space<hbm>>) dst(%arg9 : memref<162x128xi32, #tpu.memory_space<vmem>>)
      tpu.yield
    }) : () -> ()
    "tpu.region"() ({
      %run_scoped3A = tpu.sem_alloc : memref<!tpu.dma_semaphore, #tpu.memory_space<semaphore_mem>>
      %dma_start3A_33 = arith.constant 0 : i32
      %dma_start3A_34 = tpu.memref_slice %arg5[%arg0, %arg1, %dma_start3A_33] : memref<2x16x16xi32, #tpu.memory_space<hbm>> -> memref<1x1x16xi32, #tpu.memory_space<hbm>>
      %dma_start3A_35 = tpu.memref_squeeze %dma_start3A_34 : memref<1x1x16xi32, #tpu.memory_space<hbm>> -> memref<16xi32, #tpu.memory_space<hbm>>
      %dma_start3A_36 = arith.constant 0 : i32
      %dma_start3A_37 = tpu.memref_slice %arg5[%arg0, %arg1, %dma_start3A_36] : memref<2x16x16xi32, #tpu.memory_space<hbm>> -> memref<1x1x16xi32, #tpu.memory_space<hbm>>
      %dma_start3A_38 = tpu.memref_squeeze %dma_start3A_37 : memref<1x1x16xi32, #tpu.memory_space<hbm>> -> memref<16xi32, #tpu.memory_space<hbm>>
      tpu.enqueue_dma source(%dma_start3A_38 : memref<16xi32, #tpu.memory_space<hbm>>) target(%arg10 : memref<16xi32, #tpu.memory_space<vmem>>) target_semaphore(%run_scoped3A : memref<!tpu.dma_semaphore, #tpu.memory_space<semaphore_mem>>)
      %dma_wait3A_39 = arith.constant 0 : i32
      %dma_wait3A_40 = tpu.memref_slice %arg5[%arg0, %arg1, %dma_wait3A_39] : memref<2x16x16xi32, #tpu.memory_space<hbm>> -> memref<1x1x16xi32, #tpu.memory_space<hbm>>
      %dma_wait3A_41 = tpu.memref_squeeze %dma_wait3A_40 : memref<1x1x16xi32, #tpu.memory_space<hbm>> -> memref<16xi32, #tpu.memory_space<hbm>>
      %dma_wait3A_42 = arith.constant 0 : i32
      %dma_wait3A_43 = tpu.memref_slice %arg5[%arg0, %arg1, %dma_wait3A_42] : memref<2x16x16xi32, #tpu.memory_space<hbm>> -> memref<1x1x16xi32, #tpu.memory_space<hbm>>
      %dma_wait3A_44 = tpu.memref_squeeze %dma_wait3A_43 : memref<1x1x16xi32, #tpu.memory_space<hbm>> -> memref<16xi32, #tpu.memory_space<hbm>>
      tpu.wait_dma2 semaphore(%run_scoped3A : memref<!tpu.dma_semaphore, #tpu.memory_space<semaphore_mem>>) src(%dma_wait3A_44 : memref<16xi32, #tpu.memory_space<hbm>>) dst(%arg10 : memref<16xi32, #tpu.memory_space<vmem>>)
      tpu.yield
    }) : () -> ()
    %get3A = arith.constant 0 : index
    %get3A_4 = tpu.vector_load %arg10[%get3A] {strides = array<i32>} : memref<16xi32, #tpu.memory_space<vmem>>, vector<16xi32>,
    %barrier3A = arith.constant 0 : index
    tpu.barrier barrier_id(%barrier3A)
    %dma_start3A = arith.constant 0 : i32
    %dma_start3A_5 = arith.constant 0 : i32
    %dma_start3A_6 = tpu.memref_slice %arg8[%dma_start3A, %dma_start3A_5] : memref<162x128xi32, #tpu.memory_space<vmem>> -> memref<1x128xi32, #tpu.memory_space<vmem>>
    %dma_start3A_7 = tpu.memref_squeeze %dma_start3A_6 : memref<1x128xi32, #tpu.memory_space<vmem>> -> memref<128xi32, #tpu.memory_space<vmem>>
    %dma_start3A_8 = arith.constant 0 : i32
    %dma_start3A_9 = arith.constant 0 : i32
    %dma_start3A_10 = tpu.memref_slice %arg2[%dma_start3A_8, %dma_start3A_9] : memref<10240x128xf32, #tpu.memory_space<hbm>> -> memref<10240x128xf32, #tpu.memory_space<hbm>>
    tpu.enqueue_indirect_dma source(%dma_start3A_10 : memref<10240x128xf32, #tpu.memory_space<hbm>>) target(%arg11 : memref<128x128xf32, #tpu.memory_space<vmem>>) offsets(%dma_start3A_7 : memref<128xi32, #tpu.memory_space<vmem>>) semaphore(%arg14 : memref<!tpu.dma_semaphore, #tpu.memory_space<semaphore_mem>>)
    %scan3A_11 = arith.constant 0 : i32
    %scan3A_12 = arith.constant 80 : i32
    %scan3A_13 = arith.addi %scan3A_11, %scan3A_12 : i32
    %scan3A_14 = arith.constant 1 : i32
    scf.for %scan3A_33 = %scan3A_11 to %scan3A_13 step %scan3A_14  : i32 {
      %mul3A_34 = arith.constant 2 : i32
      %mul3A_35 = arith.muli %scan3A_33, %mul3A_34 : i32
      %add3A = arith.constant 0 : i32
      %add3A_36 = arith.addi %add3A, %mul3A_35 : i32
      %broadcast_in_dim3A = vector.broadcast %add3A_36 : i32 to vector<16xi32>
      %lt3A = arith.cmpi slt, %broadcast_in_dim3A, %get3A_4 : vector<16xi32>
      %reduce_or3A = arith.constant 1.000000e+00 : f32
      %reduce_or3A_37 = arith.constant 0.000000e+00 : f32
      %reduce_or3A_38 = vector.broadcast %reduce_or3A : f32 to vector<16xf32>
      %reduce_or3A_39 = vector.broadcast %reduce_or3A_37 : f32 to vector<16xf32>
      %reduce_or3A_40 = arith.select %lt3A, %reduce_or3A_38, %reduce_or3A_39 : vector<16xi1>, vector<16xf32>
      %reduce_or3A_41 = arith.constant true
      %reduce_or3A_42 = vector.broadcast %reduce_or3A_41 : i1 to vector<16xi1>
      %reduce_or3A_43 = tpu.scan <max>, %reduce_or3A_40 masked %reduce_or3A_42 : vector<16xf32>, vector<16xi1> -> vector<16xf32>
      %reduce_or3A_44 = vector.extract %reduce_or3A_43[15] : f32 from vector<16xf32>
      %reduce_or3A_45 = arith.constant 0.000000e+00 : f32
      %reduce_or3A_46 = arith.cmpf ogt, %reduce_or3A_44, %reduce_or3A_45 : f32
      %convert_element_type3A = arith.extui %reduce_or3A_46 : i1 to i32
      %cond3A = arith.constant 0 : i32
      %cond3A_47 = arith.cmpi ne, %convert_element_type3A, %cond3A : i32
      scf.if %cond3A_47 {
        %gt3A = arith.constant 0 : i32
        %gt3A_48 = arith.cmpi sgt, %add3A_36, %gt3A : i32
        %convert_element_type3A_49 = arith.extui %gt3A_48 : i1 to i32
        %cond3A_50 = arith.constant 0 : i32
        %cond3A_51 = arith.cmpi ne, %convert_element_type3A_49, %cond3A_50 : i32
        scf.if %cond3A_51 {
          %dma_wait3A_106 = arith.constant 0 : i32
          %dma_wait3A_107 = arith.constant 0 : i32
          %dma_wait3A_108 = tpu.memref_slice %arg9[%dma_wait3A_106, %dma_wait3A_107] : memref<162x128xi32, #tpu.memory_space<vmem>> -> memref<1x128xi32, #tpu.memory_space<vmem>>
          %dma_wait3A_109 = tpu.memref_squeeze %dma_wait3A_108 : memref<1x128xi32, #tpu.memory_space<vmem>> -> memref<128xi32, #tpu.memory_space<vmem>>
          %dma_wait3A_110 = arith.constant 0 : i32
          %dma_wait3A_111 = arith.constant 0 : i32
          %dma_wait3A_112 = tpu.memref_slice %arg13[%dma_wait3A_110, %dma_wait3A_111] : memref<6144x128xf32, #tpu.memory_space<vmem_shared>> -> memref<6144x128xf32, #tpu.memory_space<vmem_shared>>
          tpu.wait_indirect_dma semaphore(%arg17 : memref<!tpu.dma_semaphore, #tpu.memory_space<semaphore_mem>>) src(%arg12 : memref<128x128xf32, #tpu.memory_space<vmem>>) dst(%dma_wait3A_112 : memref<6144x128xf32, #tpu.memory_space<vmem_shared>>)
        } else {
        }
        %add3A_52 = arith.constant 1 : i32
        %add3A_53 = arith.addi %add3A_36, %add3A_52 : i32
        %dma_start3A_54 = arith.constant 0 : i32
        %dma_start3A_55 = tpu.memref_slice %arg8[%add3A_53, %dma_start3A_54] : memref<162x128xi32, #tpu.memory_space<vmem>> -> memref<1x128xi32, #tpu.memory_space<vmem>>
        %dma_start3A_56 = tpu.memref_squeeze %dma_start3A_55 : memref<1x128xi32, #tpu.memory_space<vmem>> -> memref<128xi32, #tpu.memory_space<vmem>>
        %dma_start3A_57 = arith.constant 0 : i32
        %dma_start3A_58 = arith.constant 0 : i32
        %dma_start3A_59 = tpu.memref_slice %arg2[%dma_start3A_57, %dma_start3A_58] : memref<10240x128xf32, #tpu.memory_space<hbm>> -> memref<10240x128xf32, #tpu.memory_space<hbm>>
        tpu.enqueue_indirect_dma source(%dma_start3A_59 : memref<10240x128xf32, #tpu.memory_space<hbm>>) target(%arg12 : memref<128x128xf32, #tpu.memory_space<vmem>>) offsets(%dma_start3A_56 : memref<128xi32, #tpu.memory_space<vmem>>) semaphore(%arg15 : memref<!tpu.dma_semaphore, #tpu.memory_space<semaphore_mem>>)
        %dma_wait3A_60 = arith.constant 0 : i32
        %dma_wait3A_61 = arith.constant 0 : i32
        %dma_wait3A_62 = tpu.memref_slice %arg8[%dma_wait3A_60, %dma_wait3A_61] : memref<162x128xi32, #tpu.memory_space<vmem>> -> memref<1x128xi32, #tpu.memory_space<vmem>>
        %dma_wait3A_63 = tpu.memref_squeeze %dma_wait3A_62 : memref<1x128xi32, #tpu.memory_space<vmem>> -> memref<128xi32, #tpu.memory_space<vmem>>
        %dma_wait3A_64 = arith.constant 0 : i32
        %dma_wait3A_65 = arith.constant 0 : i32
        %dma_wait3A_66 = tpu.memref_slice %arg2[%dma_wait3A_64, %dma_wait3A_65] : memref<10240x128xf32, #tpu.memory_space<hbm>> -> memref<10240x128xf32, #tpu.memory_space<hbm>>
        tpu.wait_indirect_dma semaphore(%arg14 : memref<!tpu.dma_semaphore, #tpu.memory_space<semaphore_mem>>) src(%dma_wait3A_66 : memref<10240x128xf32, #tpu.memory_space<hbm>>) dst(%arg11 : memref<128x128xf32, #tpu.memory_space<vmem>>)
        %dma_start3A_67 = arith.constant 0 : i32
        %dma_start3A_68 = tpu.memref_slice %arg9[%add3A_36, %dma_start3A_67] : memref<162x128xi32, #tpu.memory_space<vmem>> -> memref<1x128xi32, #tpu.memory_space<vmem>>
        %dma_start3A_69 = tpu.memref_squeeze %dma_start3A_68 : memref<1x128xi32, #tpu.memory_space<vmem>> -> memref<128xi32, #tpu.memory_space<vmem>>
        %dma_start3A_70 = arith.constant 0 : i32
        %dma_start3A_71 = arith.constant 0 : i32
        %dma_start3A_72 = tpu.memref_slice %arg13[%dma_start3A_70, %dma_start3A_71] : memref<6144x128xf32, #tpu.memory_space<vmem_shared>> -> memref<6144x128xf32, #tpu.memory_space<vmem_shared>>
        tpu.enqueue_indirect_dma source(%arg11 : memref<128x128xf32, #tpu.memory_space<vmem>>) target(%dma_start3A_72 : memref<6144x128xf32, #tpu.memory_space<vmem_shared>>) offsets(%dma_start3A_69 : memref<128xi32, #tpu.memory_space<vmem>>) semaphore(%arg16 : memref<!tpu.dma_semaphore, #tpu.memory_space<semaphore_mem>>) {add = true}
        %add3A_73 = arith.constant 2 : i32
        %add3A_74 = arith.addi %add3A_36, %add3A_73 : i32
        %broadcast_in_dim3A_75 = vector.broadcast %add3A_74 : i32 to vector<16xi32>
        %lt3A_76 = arith.cmpi slt, %broadcast_in_dim3A_75, %get3A_4 : vector<16xi32>
        %reduce_or3A_77 = arith.constant 1.000000e+00 : f32
        %reduce_or3A_78 = arith.constant 0.000000e+00 : f32
        %reduce_or3A_79 = vector.broadcast %reduce_or3A_77 : f32 to vector<16xf32>
        %reduce_or3A_80 = vector.broadcast %reduce_or3A_78 : f32 to vector<16xf32>
        %reduce_or3A_81 = arith.select %lt3A_76, %reduce_or3A_79, %reduce_or3A_80 : vector<16xi1>, vector<16xf32>
        %reduce_or3A_82 = arith.constant true
        %reduce_or3A_83 = vector.broadcast %reduce_or3A_82 : i1 to vector<16xi1>
        %reduce_or3A_84 = tpu.scan <max>, %reduce_or3A_81 masked %reduce_or3A_83 : vector<16xf32>, vector<16xi1> -> vector<16xf32>
        %reduce_or3A_85 = vector.extract %reduce_or3A_84[15] : f32 from vector<16xf32>
        %reduce_or3A_86 = arith.constant 0.000000e+00 : f32
        %reduce_or3A_87 = arith.cmpf ogt, %reduce_or3A_85, %reduce_or3A_86 : f32
        %convert_element_type3A_88 = arith.extui %reduce_or3A_87 : i1 to i32
        %cond3A_89 = arith.constant 0 : i32
        %cond3A_90 = arith.cmpi ne, %convert_element_type3A_88, %cond3A_89 : i32
        scf.if %cond3A_90 {
          %dma_wait3A_106 = arith.constant 0 : i32
          %dma_wait3A_107 = arith.constant 0 : i32
          %dma_wait3A_108 = tpu.memref_slice %arg9[%dma_wait3A_106, %dma_wait3A_107] : memref<162x128xi32, #tpu.memory_space<vmem>> -> memref<1x128xi32, #tpu.memory_space<vmem>>
          %dma_wait3A_109 = tpu.memref_squeeze %dma_wait3A_108 : memref<1x128xi32, #tpu.memory_space<vmem>> -> memref<128xi32, #tpu.memory_space<vmem>>
          %dma_wait3A_110 = arith.constant 0 : i32
          %dma_wait3A_111 = arith.constant 0 : i32
          %dma_wait3A_112 = tpu.memref_slice %arg13[%dma_wait3A_110, %dma_wait3A_111] : memref<6144x128xf32, #tpu.memory_space<vmem_shared>> -> memref<6144x128xf32, #tpu.memory_space<vmem_shared>>
          tpu.wait_indirect_dma semaphore(%arg16 : memref<!tpu.dma_semaphore, #tpu.memory_space<semaphore_mem>>) src(%arg11 : memref<128x128xf32, #tpu.memory_space<vmem>>) dst(%dma_wait3A_112 : memref<6144x128xf32, #tpu.memory_space<vmem_shared>>)
          %add3A_113 = arith.constant 2 : i32
          %add3A_114 = arith.addi %add3A_36, %add3A_113 : i32
          %dma_start3A_115 = arith.constant 0 : i32
          %dma_start3A_116 = tpu.memref_slice %arg8[%add3A_114, %dma_start3A_115] : memref<162x128xi32, #tpu.memory_space<vmem>> -> memref<1x128xi32, #tpu.memory_space<vmem>>
          %dma_start3A_117 = tpu.memref_squeeze %dma_start3A_116 : memref<1x128xi32, #tpu.memory_space<vmem>> -> memref<128xi32, #tpu.memory_space<vmem>>
          %dma_start3A_118 = arith.constant 0 : i32
          %dma_start3A_119 = arith.constant 0 : i32
          %dma_start3A_120 = tpu.memref_slice %arg2[%dma_start3A_118, %dma_start3A_119] : memref<10240x128xf32, #tpu.memory_space<hbm>> -> memref<10240x128xf32, #tpu.memory_space<hbm>>
          tpu.enqueue_indirect_dma source(%dma_start3A_120 : memref<10240x128xf32, #tpu.memory_space<hbm>>) target(%arg11 : memref<128x128xf32, #tpu.memory_space<vmem>>) offsets(%dma_start3A_117 : memref<128xi32, #tpu.memory_space<vmem>>) semaphore(%arg14 : memref<!tpu.dma_semaphore, #tpu.memory_space<semaphore_mem>>)
        } else {
        }
        %dma_wait3A_91 = arith.constant 0 : i32
        %dma_wait3A_92 = arith.constant 0 : i32
        %dma_wait3A_93 = tpu.memref_slice %arg8[%dma_wait3A_91, %dma_wait3A_92] : memref<162x128xi32, #tpu.memory_space<vmem>> -> memref<1x128xi32, #tpu.memory_space<vmem>>
        %dma_wait3A_94 = tpu.memref_squeeze %dma_wait3A_93 : memref<1x128xi32, #tpu.memory_space<vmem>> -> memref<128xi32, #tpu.memory_space<vmem>>
        %dma_wait3A_95 = arith.constant 0 : i32
        %dma_wait3A_96 = arith.constant 0 : i32
        %dma_wait3A_97 = tpu.memref_slice %arg2[%dma_wait3A_95, %dma_wait3A_96] : memref<10240x128xf32, #tpu.memory_space<hbm>> -> memref<10240x128xf32, #tpu.memory_space<hbm>>
        tpu.wait_indirect_dma semaphore(%arg15 : memref<!tpu.dma_semaphore, #tpu.memory_space<semaphore_mem>>) src(%dma_wait3A_97 : memref<10240x128xf32, #tpu.memory_space<hbm>>) dst(%arg12 : memref<128x128xf32, #tpu.memory_space<vmem>>)
        %add3A_98 = arith.constant 1 : i32
        %add3A_99 = arith.addi %add3A_36, %add3A_98 : i32
        %dma_start3A_100 = arith.constant 0 : i32
        %dma_start3A_101 = tpu.memref_slice %arg9[%add3A_99, %dma_start3A_100] : memref<162x128xi32, #tpu.memory_space<vmem>> -> memref<1x128xi32, #tpu.memory_space<vmem>>
        %dma_start3A_102 = tpu.memref_squeeze %dma_start3A_101 : memref<1x128xi32, #tpu.memory_space<vmem>> -> memref<128xi32, #tpu.memory_space<vmem>>
        %dma_start3A_103 = arith.constant 0 : i32
        %dma_start3A_104 = arith.constant 0 : i32
        %dma_start3A_105 = tpu.memref_slice %arg13[%dma_start3A_103, %dma_start3A_104] : memref<6144x128xf32, #tpu.memory_space<vmem_shared>> -> memref<6144x128xf32, #tpu.memory_space<vmem_shared>>
        tpu.enqueue_indirect_dma source(%arg12 : memref<128x128xf32, #tpu.memory_space<vmem>>) target(%dma_start3A_105 : memref<6144x128xf32, #tpu.memory_space<vmem_shared>>) offsets(%dma_start3A_102 : memref<128xi32, #tpu.memory_space<vmem>>) semaphore(%arg17 : memref<!tpu.dma_semaphore, #tpu.memory_space<semaphore_mem>>) {add = true}
      } else {
      }
    }
    %scan3A_15 = arith.constant 80 : i32
    %dma_wait3A = arith.constant 0 : i32
    %dma_wait3A_16 = arith.constant 0 : i32
    %dma_wait3A_17 = tpu.memref_slice %arg9[%dma_wait3A, %dma_wait3A_16] : memref<162x128xi32, #tpu.memory_space<vmem>> -> memref<1x128xi32, #tpu.memory_space<vmem>>
    %dma_wait3A_18 = tpu.memref_squeeze %dma_wait3A_17 : memref<1x128xi32, #tpu.memory_space<vmem>> -> memref<128xi32, #tpu.memory_space<vmem>>
    %dma_wait3A_19 = arith.constant 0 : i32
    %dma_wait3A_20 = arith.constant 0 : i32
    %dma_wait3A_21 = tpu.memref_slice %arg13[%dma_wait3A_19, %dma_wait3A_20] : memref<6144x128xf32, #tpu.memory_space<vmem_shared>> -> memref<6144x128xf32, #tpu.memory_space<vmem_shared>>
    tpu.wait_indirect_dma semaphore(%arg16 : memref<!tpu.dma_semaphore, #tpu.memory_space<semaphore_mem>>) src(%arg11 : memref<128x128xf32, #tpu.memory_space<vmem>>) dst(%dma_wait3A_21 : memref<6144x128xf32, #tpu.memory_space<vmem_shared>>)
    %dma_wait3A_22 = arith.constant 0 : i32
    %dma_wait3A_23 = arith.constant 0 : i32
    %dma_wait3A_24 = tpu.memref_slice %arg9[%dma_wait3A_22, %dma_wait3A_23] : memref<162x128xi32, #tpu.memory_space<vmem>> -> memref<1x128xi32, #tpu.memory_space<vmem>>
    %dma_wait3A_25 = tpu.memref_squeeze %dma_wait3A_24 : memref<1x128xi32, #tpu.memory_space<vmem>> -> memref<128xi32, #tpu.memory_space<vmem>>
    %dma_wait3A_26 = arith.constant 0 : i32
    %dma_wait3A_27 = arith.constant 0 : i32
    %dma_wait3A_28 = tpu.memref_slice %arg13[%dma_wait3A_26, %dma_wait3A_27] : memref<6144x128xf32, #tpu.memory_space<vmem_shared>> -> memref<6144x128xf32, #tpu.memory_space<vmem_shared>>
    tpu.wait_indirect_dma semaphore(%arg17 : memref<!tpu.dma_semaphore, #tpu.memory_space<semaphore_mem>>) src(%arg12 : memref<128x128xf32, #tpu.memory_space<vmem>>) dst(%dma_wait3A_28 : memref<6144x128xf32, #tpu.memory_space<vmem_shared>>)
    %barrier3A_29 = arith.constant 0 : index
    tpu.barrier barrier_id(%barrier3A_29)
    %mul3A = arith.constant 320 : i32
    %mul3A_30 = arith.muli %arg1, %mul3A : i32
    %mul3A_31 = arith.constant 320 : i32
    %mul3A_32 = arith.muli %arg1, %mul3A_31 : i32
    "tpu.region"() ({
      %run_scoped3A = tpu.sem_alloc : memref<!tpu.dma_semaphore, #tpu.memory_space<semaphore_mem>>
      %dma_start3A_33 = arith.constant 0 : i32
      %dma_start3A_34 = tpu.memref_slice %arg7[%arg0, %mul3A_32, %dma_start3A_33] : memref<2x5120x128xf32, #tpu.memory_space<hbm>> -> memref<1x320x128xf32, #tpu.memory_space<hbm>>
      %dma_start3A_35 = tpu.memref_squeeze %dma_start3A_34 : memref<1x320x128xf32, #tpu.memory_space<hbm>> -> memref<320x128xf32, #tpu.memory_space<hbm>>
      %dma_start3A_36 = arith.constant 0 : i32
      %dma_start3A_37 = tpu.memref_slice %arg13[%mul3A_30, %dma_start3A_36] : memref<6144x128xf32, #tpu.memory_space<vmem_shared>> -> memref<320x128xf32, #tpu.memory_space<vmem_shared>>
      tpu.enqueue_dma source(%dma_start3A_37 : memref<320x128xf32, #tpu.memory_space<vmem_shared>>) target(%dma_start3A_35 : memref<320x128xf32, #tpu.memory_space<hbm>>) target_semaphore(%run_scoped3A : memref<!tpu.dma_semaphore, #tpu.memory_space<semaphore_mem>>)
      %dma_wait3A_38 = arith.constant 0 : i32
      %dma_wait3A_39 = tpu.memref_slice %arg7[%arg0, %mul3A_32, %dma_wait3A_38] : memref<2x5120x128xf32, #tpu.memory_space<hbm>> -> memref<1x320x128xf32, #tpu.memory_space<hbm>>
      %dma_wait3A_40 = tpu.memref_squeeze %dma_wait3A_39 : memref<1x320x128xf32, #tpu.memory_space<hbm>> -> memref<320x128xf32, #tpu.memory_space<hbm>>
      %dma_wait3A_41 = arith.constant 0 : i32
      %dma_wait3A_42 = tpu.memref_slice %arg13[%mul3A_30, %dma_wait3A_41] : memref<6144x128xf32, #tpu.memory_space<vmem_shared>> -> memref<320x128xf32, #tpu.memory_space<vmem_shared>>
      tpu.wait_dma2 semaphore(%run_scoped3A : memref<!tpu.dma_semaphore, #tpu.memory_space<semaphore_mem>>) src(%dma_wait3A_42 : memref<320x128xf32, #tpu.memory_space<vmem_shared>>) dst(%dma_wait3A_40 : memref<320x128xf32, #tpu.memory_space<hbm>>)
      tpu.yield
    }) : () -> ()
    return
  }
}

module attributes {stable_mosaic.version = 14 : i64} {
  func.func @_tc_h0_body(%arg0: memref<10240x128xf32, #tpu.memory_space<vmem>>, %arg1: memref<10240x128xf32, #tpu.memory_space<vmem>>, %arg2: memref<10240xi32, #tpu.memory_space<vmem>>, %arg3: memref<10240xi32, #tpu.memory_space<vmem>>, %arg4: memref<2x10240xf32, #tpu.memory_space<vmem>>, %arg5: memref<10240x128xf32, #tpu.memory_space<vmem>>) attributes {dimension_semantics = [], scalar_prefetch = 0 : i64, scratch_operands = 0 : i64, tpu.core_type = #tpu.core_type<tc>} {
    %get3A = arith.constant 0 : index
    %get3A_0 = arith.constant 0 : index
    %get3A_1 = vector.load %arg4[%get3A, %get3A_0] : memref<2x10240xf32, #tpu.memory_space<vmem>>, vector<2x10240xf32>
    %slice3A = vector.extract_strided_slice %get3A_1 {offsets = [0, 0], sizes = [1, 10240], strides = [1, 1]} : vector<2x10240xf32> to vector<1x10240xf32>
    %squeeze3A = vector.shape_cast %slice3A : vector<1x10240xf32> to vector<10240xf32>
    %broadcast_in_dim3A = vector.shape_cast %squeeze3A : vector<10240xf32> to vector<10240x1xf32>
    %max3A = arith.constant 1.000000e+00 : f32
    %max3A_2 = vector.broadcast %max3A : f32 to vector<10240x1xf32>
    %max3A_3 = arith.maximumf %broadcast_in_dim3A, %max3A_2 : vector<10240x1xf32>
    %rsqrt3A = math.rsqrt %max3A_3 : vector<10240x1xf32>
    %get3A_4 = arith.constant 0 : index
    %get3A_5 = arith.constant 0 : index
    %get3A_6 = vector.load %arg0[%get3A_4, %get3A_5] : memref<10240x128xf32, #tpu.memory_space<vmem>>, vector<10240x128xf32>
    %get3A_7 = arith.constant 0 : index
    %get3A_8 = arith.constant 0 : index
    %get3A_9 = vector.load %arg1[%get3A_7, %get3A_8] : memref<10240x128xf32, #tpu.memory_space<vmem>>, vector<10240x128xf32>
    %get3A_10 = arith.constant 0 : index
    %get3A_11 = vector.load %arg2[%get3A_10] : memref<10240xi32, #tpu.memory_space<vmem>>, vector<10240xi32>
    %broadcast_in_dim3A_12 = vector.shape_cast %get3A_11 : vector<10240xi32> to vector<10240x1xi32>
    %eq3A = arith.constant 1 : i32
    %eq3A_13 = vector.broadcast %eq3A : i32 to vector<10240x1xi32>
    %eq3A_14 = arith.cmpi eq, %broadcast_in_dim3A_12, %eq3A_13 : vector<10240x1xi32>
    %slice3A_15 = vector.extract_strided_slice %get3A_6 {offsets = [0, 64], sizes = [10240, 64], strides = [1, 1]} : vector<10240x128xf32> to vector<10240x64xf32>
    %slice3A_16 = vector.extract_strided_slice %get3A_6 {offsets = [0, 0], sizes = [10240, 64], strides = [1, 1]} : vector<10240x128xf32> to vector<10240x64xf32>
    %broadcast_in_dim3A_17 = vector.shape_cast %eq3A_14 : vector<10240x1xi1> to vector<10240x1xi1>
    %broadcast_in_dim3A_18 = vector.broadcast %broadcast_in_dim3A_17 : vector<10240x1xi1> to vector<10240x64xi1>
    %select_n3A = arith.select %broadcast_in_dim3A_18, %slice3A_15, %slice3A_16 : vector<10240x64xi1>, vector<10240x64xf32>
    %get3A_19 = arith.constant 0 : index
    %get3A_20 = vector.load %arg3[%get3A_19] : memref<10240xi32, #tpu.memory_space<vmem>>, vector<10240xi32>
    %broadcast_in_dim3A_21 = vector.shape_cast %get3A_20 : vector<10240xi32> to vector<10240x1xi32>
    %eq3A_22 = arith.constant 1 : i32
    %eq3A_23 = vector.broadcast %eq3A_22 : i32 to vector<10240x1xi32>
    %eq3A_24 = arith.cmpi eq, %broadcast_in_dim3A_21, %eq3A_23 : vector<10240x1xi32>
    %slice3A_25 = vector.extract_strided_slice %get3A_9 {offsets = [0, 64], sizes = [10240, 64], strides = [1, 1]} : vector<10240x128xf32> to vector<10240x64xf32>
    %slice3A_26 = vector.extract_strided_slice %get3A_9 {offsets = [0, 0], sizes = [10240, 64], strides = [1, 1]} : vector<10240x128xf32> to vector<10240x64xf32>
    %broadcast_in_dim3A_27 = vector.shape_cast %eq3A_24 : vector<10240x1xi1> to vector<10240x1xi1>
    %broadcast_in_dim3A_28 = vector.broadcast %broadcast_in_dim3A_27 : vector<10240x1xi1> to vector<10240x64xi1>
    %select_n3A_29 = arith.select %broadcast_in_dim3A_28, %slice3A_25, %slice3A_26 : vector<10240x64xi1>, vector<10240x64xf32>
    %concatenate3A = tpu.concatenate %select_n3A, %select_n3A_29 in 1 : vector<10240x64xf32>, vector<10240x64xf32> -> vector<10240x128xf32>
    %mul3A = vector.broadcast %rsqrt3A : vector<10240x1xf32> to vector<10240x128xf32>
    %mul3A_30 = arith.mulf %concatenate3A, %mul3A : vector<10240x128xf32>
    %swap3A = arith.constant 0 : index
    %swap3A_31 = arith.constant 0 : index
    %swap3A_32 = vector.load %arg5[%swap3A, %swap3A_31] : memref<10240x128xf32, #tpu.memory_space<vmem>>, vector<10240x128xf32>
    tpu.vector_store %arg5[%swap3A, %swap3A_31], %mul3A_30 {strides = array<i32>} : memref<10240x128xf32, #tpu.memory_space<vmem>>, vector<10240x128xf32>,
    return
  }
}

module attributes {stable_mosaic.version = 14 : i64} {
  func.func @_tc_layer_body(%arg0: memref<2x5120x128xf32, #tpu.memory_space<vmem>>, %arg1: memref<2x10240xf32, #tpu.memory_space<vmem>>, %arg2: memref<128x128xf32, #tpu.memory_space<vmem>>, %arg3: memref<128xf32, #tpu.memory_space<vmem>>, %arg4: memref<10240x128xf32, #tpu.memory_space<vmem>>) attributes {dimension_semantics = [], scalar_prefetch = 0 : i64, scratch_operands = 0 : i64, tpu.core_type = #tpu.core_type<tc>} {
    %get3A = arith.constant 0 : index
    %get3A_0 = arith.constant 0 : index
    %get3A_1 = vector.load %arg1[%get3A, %get3A_0] : memref<2x10240xf32, #tpu.memory_space<vmem>>, vector<2x10240xf32>
    %slice3A = vector.extract_strided_slice %get3A_1 {offsets = [0, 0], sizes = [1, 10240], strides = [1, 1]} : vector<2x10240xf32> to vector<1x10240xf32>
    %squeeze3A = vector.shape_cast %slice3A : vector<1x10240xf32> to vector<10240xf32>
    %broadcast_in_dim3A = vector.shape_cast %squeeze3A : vector<10240xf32> to vector<10240x1xf32>
    %max3A = arith.constant 1.000000e+00 : f32
    %max3A_2 = vector.broadcast %max3A : f32 to vector<10240x1xf32>
    %max3A_3 = arith.maximumf %broadcast_in_dim3A, %max3A_2 : vector<10240x1xf32>
    %rsqrt3A = math.rsqrt %max3A_3 : vector<10240x1xf32>
    %slice3A_4 = vector.extract_strided_slice %get3A_1 {offsets = [1, 0], sizes = [1, 10240], strides = [1, 1]} : vector<2x10240xf32> to vector<1x10240xf32>
    %squeeze3A_5 = vector.shape_cast %slice3A_4 : vector<1x10240xf32> to vector<10240xf32>
    %broadcast_in_dim3A_6 = vector.shape_cast %squeeze3A_5 : vector<10240xf32> to vector<10240x1xf32>
    %max3A_7 = arith.constant 1.000000e+00 : f32
    %max3A_8 = vector.broadcast %max3A_7 : f32 to vector<10240x1xf32>
    %max3A_9 = arith.maximumf %broadcast_in_dim3A_6, %max3A_8 : vector<10240x1xf32>
    %rsqrt3A_10 = math.rsqrt %max3A_9 : vector<10240x1xf32>
    %get3A_11 = arith.constant 0 : index
    %get3A_12 = arith.constant 0 : index
    %get3A_13 = arith.constant 0 : index
    %get3A_14 = vector.load %arg0[%get3A_11, %get3A_12, %get3A_13] : memref<2x5120x128xf32, #tpu.memory_space<vmem>>, vector<1x5120x128xf32>
    %get3A_15 = vector.shape_cast %get3A_14 : vector<1x5120x128xf32> to vector<5120x128xf32>
    %get3A_16 = arith.constant 1 : index
    %get3A_17 = arith.constant 0 : index
    %get3A_18 = arith.constant 0 : index
    %get3A_19 = vector.load %arg0[%get3A_16, %get3A_17, %get3A_18] : memref<2x5120x128xf32, #tpu.memory_space<vmem>>, vector<1x5120x128xf32>
    %get3A_20 = vector.shape_cast %get3A_19 : vector<1x5120x128xf32> to vector<5120x128xf32>
    %concatenate3A = tpu.concatenate %get3A_15, %get3A_20 in 0 : vector<5120x128xf32>, vector<5120x128xf32> -> vector<10240x128xf32>
    %mul3A = vector.broadcast %rsqrt3A_10 : vector<10240x1xf32> to vector<10240x128xf32>
    %mul3A_21 = arith.mulf %concatenate3A, %mul3A : vector<10240x128xf32>
    %get3A_22 = arith.constant 0 : index
    %get3A_23 = arith.constant 0 : index
    %get3A_24 = vector.load %arg2[%get3A_22, %get3A_23] : memref<128x128xf32, #tpu.memory_space<vmem>>, vector<128x128xf32>
    %dot_general3A = arith.constant dense<0.000000e+00> : vector<10240x128xf32>
    %dot_general3A_25 = tpu.matmul %mul3A_21, %get3A_24, %dot_general3A {dimension_numbers = #tpu.dot_dimension_numbers<[1], [0], [0], [1], [0, 0, 1, 1], [], []>, transpose_lhs_hint = false} : vector<10240x128xf32>, vector<128x128xf32>, vector<10240x128xf32> -> vector<10240x128xf32>
    %get3A_26 = arith.constant 0 : index
    %get3A_27 = vector.load %arg3[%get3A_26] : memref<128xf32, #tpu.memory_space<vmem>>, vector<128xf32>
    %broadcast_in_dim3A_28 = vector.shape_cast %get3A_27 : vector<128xf32> to vector<1x128xf32>
    %add3A = vector.broadcast %broadcast_in_dim3A_28 : vector<1x128xf32> to vector<10240x128xf32>
    %add3A_29 = arith.addf %dot_general3A_25, %add3A : vector<10240x128xf32>
    %max3A_30 = arith.constant 0.000000e+00 : f32
    %max3A_31 = vector.broadcast %max3A_30 : f32 to vector<10240x128xf32>
    %max3A_32 = arith.maximumf %add3A_29, %max3A_31 : vector<10240x128xf32>
    %mul3A_33 = vector.broadcast %rsqrt3A : vector<10240x1xf32> to vector<10240x128xf32>
    %mul3A_34 = arith.mulf %max3A_32, %mul3A_33 : vector<10240x128xf32>
    %swap3A = arith.constant 0 : index
    %swap3A_35 = arith.constant 0 : index
    %swap3A_36 = vector.load %arg4[%swap3A, %swap3A_35] : memref<10240x128xf32, #tpu.memory_space<vmem>>, vector<10240x128xf32>
    tpu.vector_store %arg4[%swap3A, %swap3A_35], %mul3A_34 {strides = array<i32>} : memref<10240x128xf32, #tpu.memory_space<vmem>>, vector<10240x128xf32>,
    return
  }
}

module attributes {stable_mosaic.version = 14 : i64} {
  func.func @_tc_final_body(%arg0: memref<2x5120x128xf32, #tpu.memory_space<vmem>>, %arg1: memref<2x10240xf32, #tpu.memory_space<vmem>>, %arg2: memref<10240xi32, #tpu.memory_space<vmem>>, %arg3: memref<128x128xf32, #tpu.memory_space<vmem>>, %arg4: memref<128xf32, #tpu.memory_space<vmem>>, %arg5: memref<128x128xf32, #tpu.memory_space<vmem>>, %arg6: memref<128xf32, #tpu.memory_space<vmem>>, %arg7: memref<128x200xf32, #tpu.memory_space<vmem>>, %arg8: memref<200xf32, #tpu.memory_space<vmem>>, %arg9: memref<64x200xf32, #tpu.memory_space<vmem>>) attributes {dimension_semantics = [], scalar_prefetch = 0 : i64, scratch_operands = 0 : i64, tpu.core_type = #tpu.core_type<tc>} {
    %get3A = arith.constant 0 : index
    %get3A_0 = arith.constant 0 : index
    %get3A_1 = vector.load %arg1[%get3A, %get3A_0] : memref<2x10240xf32, #tpu.memory_space<vmem>>, vector<2x10240xf32>
    %slice3A = vector.extract_strided_slice %get3A_1 {offsets = [1, 0], sizes = [1, 10240], strides = [1, 1]} : vector<2x10240xf32> to vector<1x10240xf32>
    %squeeze3A = vector.shape_cast %slice3A : vector<1x10240xf32> to vector<10240xf32>
    %broadcast_in_dim3A = vector.shape_cast %squeeze3A : vector<10240xf32> to vector<10240x1xf32>
    %max3A = arith.constant 1.000000e+00 : f32
    %max3A_2 = vector.broadcast %max3A : f32 to vector<10240x1xf32>
    %max3A_3 = arith.maximumf %broadcast_in_dim3A, %max3A_2 : vector<10240x1xf32>
    %rsqrt3A = math.rsqrt %max3A_3 : vector<10240x1xf32>
    %get3A_4 = arith.constant 0 : index
    %get3A_5 = arith.constant 0 : index
    %get3A_6 = arith.constant 0 : index
    %get3A_7 = vector.load %arg0[%get3A_4, %get3A_5, %get3A_6] : memref<2x5120x128xf32, #tpu.memory_space<vmem>>, vector<1x5120x128xf32>
    %get3A_8 = vector.shape_cast %get3A_7 : vector<1x5120x128xf32> to vector<5120x128xf32>
    %get3A_9 = arith.constant 1 : index
    %get3A_10 = arith.constant 0 : index
    %get3A_11 = arith.constant 0 : index
    %get3A_12 = vector.load %arg0[%get3A_9, %get3A_10, %get3A_11] : memref<2x5120x128xf32, #tpu.memory_space<vmem>>, vector<1x5120x128xf32>
    %get3A_13 = vector.shape_cast %get3A_12 : vector<1x5120x128xf32> to vector<5120x128xf32>
    %concatenate3A = tpu.concatenate %get3A_8, %get3A_13 in 0 : vector<5120x128xf32>, vector<5120x128xf32> -> vector<10240x128xf32>
    %mul3A = vector.broadcast %rsqrt3A : vector<10240x1xf32> to vector<10240x128xf32>
    %mul3A_14 = arith.mulf %concatenate3A, %mul3A : vector<10240x128xf32>
    %iota3A = tpu.iota {dimensions = array<i32: 0>} : vector<64x10240xi32>
    %get3A_15 = arith.constant 0 : index
    %get3A_16 = vector.load %arg2[%get3A_15] : memref<10240xi32, #tpu.memory_space<vmem>>, vector<10240xi32>
    %broadcast_in_dim3A_17 = vector.shape_cast %get3A_16 : vector<10240xi32> to vector<1x10240xi32>
    %eq3A = vector.broadcast %broadcast_in_dim3A_17 : vector<1x10240xi32> to vector<64x10240xi32>
    %eq3A_18 = arith.cmpi eq, %eq3A, %iota3A : vector<64x10240xi32>
    %convert_element_type3A = arith.extui %eq3A_18 : vector<64x10240xi1> to vector<64x10240xi32>
    %convert_element_type3A_19 = arith.sitofp %convert_element_type3A : vector<64x10240xi32> to vector<64x10240xf32>
    %dot_general3A = arith.constant dense<0.000000e+00> : vector<64x128xf32>
    %dot_general3A_20 = tpu.matmul %convert_element_type3A_19, %mul3A_14, %dot_general3A {dimension_numbers = #tpu.dot_dimension_numbers<[1], [0], [0], [1], [0, 0, 1, 1], [], []>, transpose_lhs_hint = false} : vector<64x10240xf32>, vector<10240x128xf32>, vector<64x128xf32> -> vector<64x128xf32>
    %reduce_sum3A = arith.constant dense<0.000000e+00> : vector<64xf32>
    %reduce_sum3A_21 = vector.multi_reduction <add>, %convert_element_type3A_19, %reduce_sum3A [1] : vector<64x10240xf32> to vector<64xf32>
    %broadcast_in_dim3A_22 = vector.shape_cast %reduce_sum3A_21 : vector<64xf32> to vector<64x1xf32>
    %get3A_23 = arith.constant 0 : index
    %get3A_24 = arith.constant 0 : index
    %get3A_25 = vector.load %arg3[%get3A_23, %get3A_24] : memref<128x128xf32, #tpu.memory_space<vmem>>, vector<128x128xf32>
    %dot_general3A_26 = arith.constant dense<0.000000e+00> : vector<64x128xf32>
    %dot_general3A_27 = tpu.matmul %dot_general3A_20, %get3A_25, %dot_general3A_26 {dimension_numbers = #tpu.dot_dimension_numbers<[1], [0], [0], [1], [0, 0, 1, 1], [], []>, transpose_lhs_hint = false} : vector<64x128xf32>, vector<128x128xf32>, vector<64x128xf32> -> vector<64x128xf32>
    %get3A_28 = arith.constant 0 : index
    %get3A_29 = vector.load %arg4[%get3A_28] : memref<128xf32, #tpu.memory_space<vmem>>, vector<128xf32>
    %broadcast_in_dim3A_30 = vector.shape_cast %get3A_29 : vector<128xf32> to vector<1x128xf32>
    %mul3A_31 = vector.broadcast %broadcast_in_dim3A_22 : vector<64x1xf32> to vector<64x128xf32>
    %mul3A_32 = vector.broadcast %broadcast_in_dim3A_30 : vector<1x128xf32> to vector<64x128xf32>
    %mul3A_33 = arith.mulf %mul3A_31, %mul3A_32 : vector<64x128xf32>
    %add3A = arith.addf %dot_general3A_27, %mul3A_33 : vector<64x128xf32>
    %get3A_34 = arith.constant 0 : index
    %get3A_35 = arith.constant 0 : index
    %get3A_36 = vector.load %arg5[%get3A_34, %get3A_35] : memref<128x128xf32, #tpu.memory_space<vmem>>, vector<128x128xf32>
    %dot_general3A_37 = arith.constant dense<0.000000e+00> : vector<64x128xf32>
    %dot_general3A_38 = tpu.matmul %add3A, %get3A_36, %dot_general3A_37 {dimension_numbers = #tpu.dot_dimension_numbers<[1], [0], [0], [1], [0, 0, 1, 1], [], []>, transpose_lhs_hint = false} : vector<64x128xf32>, vector<128x128xf32>, vector<64x128xf32> -> vector<64x128xf32>
    %get3A_39 = arith.constant 0 : index
    %get3A_40 = vector.load %arg6[%get3A_39] : memref<128xf32, #tpu.memory_space<vmem>>, vector<128xf32>
    %broadcast_in_dim3A_41 = vector.shape_cast %get3A_40 : vector<128xf32> to vector<1x128xf32>
    %add3A_42 = vector.broadcast %broadcast_in_dim3A_41 : vector<1x128xf32> to vector<64x128xf32>
    %add3A_43 = arith.addf %dot_general3A_38, %add3A_42 : vector<64x128xf32>
    %max3A_44 = arith.constant 0.000000e+00 : f32
    %max3A_45 = vector.broadcast %max3A_44 : f32 to vector<64x128xf32>
    %max3A_46 = arith.maximumf %add3A_43, %max3A_45 : vector<64x128xf32>
    %get3A_47 = arith.constant 0 : index
    %get3A_48 = arith.constant 0 : index
    %get3A_49 = vector.load %arg7[%get3A_47, %get3A_48] : memref<128x200xf32, #tpu.memory_space<vmem>>, vector<128x200xf32>
    %dot_general3A_50 = arith.constant dense<0.000000e+00> : vector<64x200xf32>
    %dot_general3A_51 = tpu.matmul %max3A_46, %get3A_49, %dot_general3A_50 {dimension_numbers = #tpu.dot_dimension_numbers<[1], [0], [0], [1], [0, 0, 1, 1], [], []>, transpose_lhs_hint = false} : vector<64x128xf32>, vector<128x200xf32>, vector<64x200xf32> -> vector<64x200xf32>
    %get3A_52 = arith.constant 0 : index
    %get3A_53 = vector.load %arg8[%get3A_52] : memref<200xf32, #tpu.memory_space<vmem>>, vector<200xf32>
    %broadcast_in_dim3A_54 = vector.shape_cast %get3A_53 : vector<200xf32> to vector<1x200xf32>
    %add3A_55 = vector.broadcast %broadcast_in_dim3A_54 : vector<1x200xf32> to vector<64x200xf32>
    %add3A_56 = arith.addf %dot_general3A_51, %add3A_55 : vector<64x200xf32>
    %swap3A = arith.constant 0 : index
    %swap3A_57 = arith.constant 0 : index
    %swap3A_58 = vector.load %arg9[%swap3A, %swap3A_57] : memref<64x200xf32, #tpu.memory_space<vmem>>, vector<64x200xf32>
    tpu.vector_store %arg9[%swap3A, %swap3A_57], %add3A_56 {strides = array<i32>} : memref<64x200xf32, #tpu.memory_space<vmem>>, vector<64x200xf32>,
    return
  }
}

</mosaic_0001>

<sc_bundles>
// kernel: kernel.10.cloned.1.call-start
scs
__scs_entry_jumppad:
0x0: {  	(pc) =	sbr.rel $0x88, $3  }
0x1: {  	(tag) =	ssettag $0x0;
	lr =	simm.s32 $0x1  }
0x2: {  	[smem:$0x3F91] =	sst lr;
	_ =	strace $0xD0000000  }
0x3: {  	_ = 	snop  }
0x4: {  	_ = 	snop  }
0x5: {  	_ = 	snop  }
0x6: {  	_ = 	snop  }
0x7: {  	_ = 	snop  }
__scs_overlays_trampoline_lowered:
0x8: {  	[smem:$0x3FA0] =	sst s0  }
0x9: {  	[smem:$0x3FA1] =	sst s1  }
0xa: {  	[smem:$0x3FA2] =	sst s2  }
0xb: {  	[smem:$0x3FA3] =	sst s3  }
0xc: {  	[smem:$0x3FA4] =	sst s4  }
0xd: {  	[smem:$0x3FA5] =	sst s5  }
0xe: {  	[smem:$0x3FA6] =	sst s6  }
0xf: {  	[smem:$0x3FA7] =	sst s7  }
0x10: {  	[smem:$0x3FA8] =	sst s8  }
0x11: {  	[smem:$0x3FA9] =	sst s9;
	s0 =	simm.s32 @!p0 $0x0  }
0x12: {  	s1 =	sld [smem:$0x3F8F];
	s0 =	simm.s32 @p0 $0x1  }
0x13: {  	[smem:$0x3FAA] =	sst s0;
	s0 =	simm.s32 @!p1 $0x0  }
0x14: {  	s2 =	sld [smem:$0x3F8E];
	s0 =	simm.s32 @p1 $0x1  }
0x15: {  	[smem:$0x3FAB] =	sst s0;
	s0 =	simm.s32 @!p2 $0x0  }
0x16: {  	s3 =	sld [smem:$0x3FDB];
	s0 =	simm.s32 @p2 $0x1  }
0x17: {  	s4 =	simm.s32 $0x1BF5;
	[smem:$0x3FAD] =	sst s0  }
0x18: {  	s0 =	sld [smem:$0x3F90];
	_ =	swait.ge [sflag:s4], $0x0  }
0x19: {  	s7 =	sld [smem:$0x3F91]  }
0x1a: {  	s8 =	sadd.s32 $0xFFFFE003, lr  }
0x1b: {  	s9 =	sadd.s32 $0xFFFFFEF7, lr;
	s5 =	simm.s32 $0xFFFFFFFF;
	p2 =	slt.u32 s8, $0xFFFFF086  }
0x1c: {  	p1 =	slt.u32 s9, $0xF7A;
	s5 =	simm.s32 @!p2 $0x0  }
0x1d: {  	s5 =	simm.s32 @p1 $0x1;
	p0 =	seq.s32 s7, s2  }
0x1e: {  	s7 =	smul.u32 @!p0 $0xF7A, s2;
	p2 =	seq.s32 @!p0 s5, $0x0  }
0x1f: {  	s9 =	smul.u32 $0xF7A, s1;
	s8 =	simm.s32 @!p0 $0x1BF5;
	p2 =	por !p2, p0  }
0x20: {  	[sflag:s8] =	ssyncset.s32 @!p0 $0xFFFFF086;
	s6 =	sadd.s32 @!p0 s3, s7;
	s7 =	simm.s32 @!p0 $0x108  }
0x21: {  	s3 =	sadd.s32 s3, s9;
	s6 =	sadd.s32 @!p0 $0x88, s6;
	s7 =	simm.s32 @p2 $0x1082  }
0x22: {  	[simem:s7], [sflag:s8] =	dma.local @!p0 [hbm:s6], $0xF7A  }
0x23: {  	s9 =	sor.u32 $0xD0000000, s2;
	s6 =	simm.s32 $0x108;
	_ =	swait.ge @!p0 [sflag:s8], $0x0  }
0x24: {  	s3 =	sadd.s32 $0x88, s3;
	s6 =	simm.s32 @!p1 $0x1082;
	[sflag:s4] =	ssyncset.s32 $0xFFFFF086  }
0x25: {  	[simem:s6], [sflag:s4] =	dma.local [hbm:s3], $0xF7A  }
0x26: {  	[smem:$0x3F91] =	sst s1;
	(tag) =	ssettag s2;
	_ =	strace s9  }
0x27: {  	s1 =	sld [smem:$0x3FA1]  }
0x28: {  	s2 =	sld [smem:$0x3FA2]  }
0x29: {  	s4 =	sld [smem:$0x3FA4]  }
0x2a: {  	p0 =	seq.s32 s5, $0x0;
	s5 =	sld [smem:$0x3FA5]  }
0x2b: {  	s6 =	sld [smem:$0x3FA6]  }
0x2c: {  	s7 =	sld [smem:$0x3FA7]  }
0x2d: {  	s3 =	simm.s32 $0x108;
	s8 =	sld [smem:$0x3FA8]  }
0x2e: {  	s3 =	simm.s32 @!p0 $0x1082;
	s9 =	sld [smem:$0x3FA9]  }
0x2f: {  	lr =	sadd.s32 s0, s3;
	s0 =	sld [smem:$0x3FA0]  }
0x30: {  	s3 =	sld [smem:$0x3FA3]  }
0x31: {  	[smem:$0x3FAC] =	sst s10  }
0x32: {  	s10 =	sld [smem:$0x3FAA];
	_ =	sdelay $0x3  }
0x33: {  	p0 =	seq.s32 s10, $0x1;
	s10 =	sld [smem:$0x3FAC];
	_ =	sdelay $0x3  }
0x34: {  	[smem:$0x3FAC] =	sst s10  }
0x35: {  	s10 =	sld [smem:$0x3FAB];
	_ =	sdelay $0x3  }
0x36: {  	p1 =	seq.s32 s10, $0x1;
	s10 =	sld [smem:$0x3FAC];
	_ =	sdelay $0x3  }
0x37: {  	[smem:$0x3FAC] =	sst s10  }
0x38: {  	s10 =	sld [smem:$0x3FAD]  }
0x39: {  	_ = 	snop;
	(pc) =	sbr.ind lr, $3  }
0x3a: {  	_ = 	snop  }
0x3b: {  	_ = 	snop  }
0x3c: {  	p2 =	seq.s32 s10, $0x1;
	s10 =	sld [smem:$0x3FAC]  }
0x3d: {  	_ =	shalt  }
0x3e: {  	_ =	shalt  }
0x3f: {  	_ =	shalt  }
0x40: {  	_ =	shalt  }
0x41: {  	_ =	shalt  }
0x42: {  	_ =	shalt  }
0x43: {  	_ =	shalt  }
0x44: {  	_ =	shalt  }
0x45: {  	_ =	shalt  }
0x46: {  	_ =	shalt  }
0x47: {  	_ =	shalt  }
0x48: {  	_ =	shalt  }
0x49: {  	_ =	shalt  }
0x4a: {  	_ =	shalt  }
0x4b: {  	_ =	shalt  }
0x4c: {  	_ =	shalt  }
0x4d: {  	_ =	shalt  }
0x4e: {  	_ =	shalt  }
0x4f: {  	_ =	shalt  }
0x50: {  	_ =	shalt  }
0x51: {  	_ =	shalt  }
0x52: {  	_ =	shalt  }
0x53: {  	_ =	shalt  }
0x54: {  	_ =	shalt  }
0x55: {  	_ =	shalt  }
0x56: {  	_ =	shalt  }
0x57: {  	_ =	shalt  }
0x58: {  	_ =	shalt  }
0x59: {  	_ =	shalt  }
0x5a: {  	_ =	shalt  }
0x5b: {  	_ =	shalt  }
0x5c: {  	_ =	shalt  }
0x5d: {  	_ =	shalt  }
0x5e: {  	_ =	shalt  }
0x5f: {  	_ =	shalt  }
0x60: {  	_ =	shalt  }
0x61: {  	_ =	shalt  }
0x62: {  	_ =	shalt  }
0x63: {  	_ =	shalt  }
0x64: {  	_ =	shalt  }
0x65: {  	_ =	shalt  }
0x66: {  	_ =	shalt  }
0x67: {  	_ =	shalt  }
0x68: {  	_ =	shalt  }
0x69: {  	_ =	shalt  }
0x6a: {  	_ =	shalt  }
0x6b: {  	_ =	shalt  }
0x6c: {  	_ =	shalt  }
0x6d: {  	_ =	shalt  }
0x6e: {  	_ =	shalt  }
0x6f: {  	_ =	shalt  }
0x70: {  	_ =	shalt  }
0x71: {  	_ =	shalt  }
0x72: {  	_ =	shalt  }
0x73: {  	_ =	shalt  }
0x74: {  	_ =	shalt  }
0x75: {  	_ =	shalt  }
0x76: {  	_ =	shalt  }
0x77: {  	_ =	shalt  }
0x78: {  	_ =	shalt  }
0x79: {  	_ =	shalt  }
0x7a: {  	_ =	shalt  }
0x7b: {  	_ =	shalt  }
0x7c: {  	_ =	shalt  }
0x7d: {  	_ =	shalt  }
0x7e: {  	_ =	shalt  }
0x7f: {  	_ =	shalt  }
0x80: {  	_ =	shalt  }
0x81: {  	_ =	shalt  }
0x82: {  	_ =	shalt  }
0x83: {  	_ =	shalt  }
0x84: {  	_ =	shalt  }
0x85: {  	_ =	shalt  }
0x86: {  	_ =	shalt  }
0x87: {  	_ =	shalt  }
.Lfunc_end0:
.L_simem_size_0:
called_computation_lowered:
.L_overlay_start_0:
0x88: {  	s2 =	sld [smem:$0x3FD9]  }
0x89: {  	s3 =	sld [smem:$0x3FFE];
	_ =	sdelay $0x1  }
0x8a: {  	s1 =	srdreg.scid  }
0x8b: {  	s0 =	sand.u32 $0x1, s1  }
0x8c: {  	s17 =	sshll.u32 s0, $0xA;
	s2 =	sadd.s32 s3, s2  }
0x8d: {  	s2 =	sadd.s32 s2, s17  }
0x8e: {  	[smem:$0x3FB8] =	sst s2  }
0x8f: {  	_ = 	snop  }
0x90: {  	s2 =	sld [smem:$0x3FD0];
	(tm) =	ssettm $0x1  }
0x91: {  	s18 =	sld [smem:$0x3FFB];
	_ =	sdelay $0x3  }
0x92: {  	_ =	strace s18  }
0x93: {  	s3 =	sld [smem:$0x3FFC];
	_ =	sdelay $0x3  }
0x94: {  	_ =	strace s3  }
0x95: {  	s3 =	sld [smem:$0x3FFD];
	_ =	sdelay $0x3  }
0x96: {  	_ =	strace s3  }
0x97: {  	_ =	strace $0x8FFFFFFF  }
0x98: {  	s19 =	sld [smem:$0x3FDB];
	_ =	sdelay $0x1  }
0x99: {  	s4 =	simm.s32 $_scs_section_size  }
0x9a: {  	s5 =	simm.s32 $_size__tile_overlayer_lowered;
	s6 =	simm.s32 $_tile_overlayer_lowered  }
0x9b: {  	s22 =	simm.s32 $0x1BFF;
	s21 =	sshll.u32 s6, $0x1;
	s3 =	sadd.s32 s4, s19  }
0x9c: {  	s7 =	simm.s32 $0x0;
	s20 =	sshll.u32 s5, $0x1;
	s5 =	sadd.s32 s21, s3  }
0x9d: {  	[timem:s7], [sflag:s22] =	dma.local [hbm:s5], s20  }
0x9e: {  	_ =	swait.ge [sflag:s22], s20  }
0x9f: {  	s4 =	ssub.s32 $0x0, s20;
	[sflag:s22] =	ssyncset.done $0x0  }
0xa0: {  	[sflag:s22] =	ssyncadd.s32 s4;
	_ =	sdelay $0x1  }
0xa1: {  	s23 =	simm.s32 $0x1B8B  }
0xa2: {  	_ =	swait.ge [sflag:s23], $0x1  }
0xa3: {  	[sflag:s23] =	ssyncset.done $0x0  }
0xa4: {  	s25 =	simm.s32 $0x1B8E;
	s24 =	sld [smem:$0x3FFE];
	[sflag:s23] =	ssyncadd.s32 $0xFFFFFFFF  }
0xa5: {  	s26 =	simm.s32 $execute0_lowered;
	[smem:$0x3FD2] =	sst s25  }
0xa6: {  	s5 =	sshll.u32 s26, $0x1;
	_ =	strace $0x80000046;
	[dreg:$0x1] =	wrdreg $0xFFFFFFFF  }
0xa7: {  	s28 =	simm.s32 $_size_execute0_lowered;
	s3 =	sadd.s32 s3, s5;
	[dreg:$0x0] =	wrdreg $0x0  }
0xa8: {  	s5 =	sshll.u32 s28, $0x1;
	[dreg:$0x2] =	wrdreg s3  }
0xa9: {  	[dreg:$0x3] =	wrdreg s5  }
0xaa: {  	[dreg:$0x4] =	wrdreg $0xC0  }
0xab: {  	_ =	task [dreg:s7], $0x5FFFF  }
0xac: {  	[dreg:$0x1] =	wrdreg $0xFFFFFFFF  }
0xad: {  	[dreg:$0x0] =	wrdreg $0x60  }
0xae: {  	[dreg:$0x2] =	wrdreg s24  }
0xaf: {  	[dreg:$0x3] =	wrdreg s2  }
0xb0: {  	[dreg:$0x4] =	wrdreg $0x16D000  }
0xb1: {  	[dreg:$0x5] =	wrdreg $0x9  }
0xb2: {  	_ =	task.clear_ibuf [dreg:s7], $0x6FFFF;
	_ =	strace $0x90000046  }
0xb3: {  	s29 =	simm.s32 $0x9;
	_ =	strace $0x80000048  }
0xb4: {  	_ =	swait.ge [sflag:s29], $0x1  }
0xb5: {  	[sflag:s29] =	ssyncadd.s32 $0xFFFFFFFF  }
0xb6: {  	_ =	strace $0x90000048  }
0xb7: {  	_ =	sfence  }
0xb8: {  	s30 =	sld [smem:$0x0];
	_ =	sdelay $0x2  }
0xb9: {  	s31 =	sshll.u32 s1, $0xD;
	s1 =	sshrl.u32 s1, $0x2  }
0xba: {  	s3 =	sand.u32 $0x4000, s31;
	s1 =	sadd.s32 s1, s30  }
0xbb: {  	s0 =	sor.u32 s3, s0;
	s1 =	sshll.u32 s1, $0x11  }
0xbc: {  	s0 =	sor.u32 s1, s0  }
0xbd: {  	s0 =	sadd.s32 $0x8F2B, s0  }
0xbe: {  	[sflag:s0] =	ssyncadd.remote.s32 $0x1  }
0xbf: {  	_ =	sfence.sel $0xFFFF  }
0xc0: {  	[dreg:$0x0] =	wrdreg $0xFFFFFFFF;
	(pc) =	sbr.abs _section_cstart, $3  }
0xc1: {  	[dreg:$0x1] =	wrdreg $0xFFFFFFFF  }
0xc2: {  	_ =	task.clear_ibuf [dreg:s7], $0x2FFFF;
	_ =	strace $0x9FFFFFFF  }
0xc3: {  	(tm) =	ssettm $0x7FFFFFFF  }
tec
execute0_lowered:
.L_overlay_start_1:
0x0: {  	(tag) =	ssettag $0x1  }
0x1: {  	s0 =	rddreg [dreg:$0x0]  }
0x2: {  	s1 =	rddreg [dreg:$0x1]  }
0x3: {  	s2 =	rddreg [dreg:$0x2]  }
0x4: {  	s3 =	srdreg.scid;
	s18 =	stileid.u32;
	s28 =	simm.s32 $0x2  }
0x5: {  	s29 =	simm.s32 $0x16C80;
	s31 =	simm.s32 $0x80;
	s30 =	simm.s32 $0x400  }
0x6: {  	s6 =	sand.u32 $0x1, s3;
	s3 =	simm.s32 $0x0;
	s7 =	smul.u32 $0xA00, s18  }
0x7: {  	s5 =	sadd.s32 $0x4600, s0;
	s9 =	sadd.s32 $0x1A800, s0;
	s15 =	sadd.s32 $0x1A600, s0  }
0x8: {  	s16 =	smul.u32 $0x500, s18;
	s14 =	sshrl.u32 s18, $0x3;
	s17 =	sshll.u32 s18, $0x7  }
0x9: {  	s25 =	sshll.u32 s18, $0x6;
	s4 =	sshll.u32 s6, $0x4;
	[smem:$0x7FF] =	sst s3  }
0xa: {  	s13 =	sshll.u32 s6, $0x7;
	s19 =	sshll.u32 s6, $0xB;
	s23 =	ssub.s32 $0x2, s6  }
0xb: {  	p0 =	sne.s32 s6, $0x0;
	s8 =	sor.u32 s18, s4;
	_ =	strace $0x80000047  }
0xc: {  	s10 =	sadd.s32 s7, s0;
	s4 =	sadd.s32 $0x18B000, s0;
	[dreg:$0x4] =	wrdreg s9  }
0xd: {  	[dreg:$0x5] =	wrdreg s15;
	s15 =	smul.u32 $0x51000, s6;
	s9 =	sor.u32 s13, s16  }
0xe: {  	s16 =	smul.u32 $0x28800, s14;
	s13 =	sand.u32 $0x380, s17;
	s14 =	sshll.u32 s14, $0xA  }
0xf: {  	s24 =	sshrl.u32 s23, $0x1;
	s7 =	sshrl.u32 s7, $0x2;
	s18 =	sor.u32 $0x1400, s25  }
0x10: {  	s11 =	sshll.u32 s8, $0x6;
	s9 =	sshrl.u32 s9, $0x3;
	s8 =	smul.u32 $0x1400, s8  }
0x11: {  	s14 =	sor.u32 s19, s14;
	s7 =	sadd.s32 s7, s2;
	s26 =	sadd.s32 $0x10600, s10  }
0x12: {  	s10 =	sadd.s32 $0x6600, s10;
	s12 =	sadd.s32 s11, s0;
	[dreg:$0x6] =	wrdreg s7  }
0x13: {  	s15 =	sadd.s32 s15, s16;
	s17 =	sadd.s32 s9, s0;
	[dreg:$0x7] =	wrdreg s26  }
0x14: {  	[dreg:$0x8] =	wrdreg s10;
	s16 =	smul.u32 $0x1400, s6;
	s6 =	simm.s32 $0x14280  }
0x15: {  	s7 =	simm.s32 $0x50;
	s10 =	simm.s32 $0x1;
	s20 =	sor.u32 s13, s15  }
0x16: {  	s8 =	sadd.s32 s8, s0;
	s13 =	sor.u32 s13, s14;
	s14 =	simm.s32 $0x0  }
0x17: {  	s9 =	sshrl.u32 s20, $0x3;
	s22 =	sshrl.u32 s13, $0x3;
	s13 =	ssub.s32 s23, s24  }
0x18: {  	s23 =	sadd.s32 $0x3E00, s12;
	s24 =	sadd.s32 $0x43200, s8;
	s12 =	simm.s32 $0x14380  }
0x19: {  	s21 =	sadd.s32 s9, s0;
	s0 =	sadd.s32 s22, s0;
	[dreg:$0xe] =	wrdreg s23  }
0x1a: {  	s9 =	sor.u32 $0x1C02, s25;
	s22 =	sadd.s32 $0x6B200, s8;
	[dreg:$0xf] =	wrdreg s24  }
0x1b: {  	s25 =	sadd.s32 $0x93200, s17;
	s26 =	smax.u32 s13, $0x1;
	[dreg:$0xd] =	wrdreg s22  }
0x1c: {  	s23 =	sadd.s32 $0x6C100, s8;
	s24 =	sadd.s32 $0x43700, s8;
	[dreg:$0x10] =	wrdreg s25  }
0x1d: {  	s13 =	simm.s32 $0x14400;
	s0 =	sadd.s32 $0x93C00, s0;
	[dreg:$0x11] =	wrdreg s26  }
0x1e: {  	s19 =	sadd.s32 $0x1AA00, s21;
	s20 =	sadd.s32 $0x2EE00, s21;
	[dreg:$0x9] =	wrdreg s0  }
0x1f: {  	s21 =	sadd.s32 s1, s11;
	s22 =	sadd.s32 $0x6BC00, s8;
	[dreg:$0xa] =	wrdreg s19  }
0x20: {  	s25 =	sadd.s32 $0x43C00, s8;
	s26 =	sadd.s32 $0x44100, s8;
	[dreg:$0xb] =	wrdreg s20  }
0x21: {  	v1 =	vlaneseq.u32;
	v3 =	vimm.s32 $0x0;
	s1 =	simm.s32 $0xF100;
	s11 =	simm.s32 $0x14300;
	[dreg:$0xc] =	wrdreg s21  }
0x22: {  	v4 =	vimm.s32 $0xF;
	v2 =	vor.u32 s18, v1;
	v0 =	vmov s16;
	s21 =	sadd.s32 $0x6B700, s8;
	s0 =	simm.s32 $0xA000;
	s8 =	simm.s32 $0x14480  }
.LBB2_1:
0x23: {  	s15 =	rddreg [dreg:$0x6]  }
0x24: {  	s16 =	rddreg [dreg:$0x5];
	s15 =	sshrl.u32 s15, $0x3  }
0x25: {  	[spmem:s15], [sflag:s9] =	dma.local [hbm:s16], $0x50  }
0x26: {  	_ =	swait.ge [sflag:s28], $0x50  }
0x27: {  	[sflag:s28] =	ssyncset.done $0x0  }
0x28: {  	s18 =	rddreg [dreg:$0x4];
	[sflag:s28] =	ssyncadd.s32 $0xFFFFFFB0  }
0x29: {  	[tilespmem:s29], [sflag:$0x2] =	stream.linear.gather [hbm4b:s18+s3], $0x80, $0x38;
	[tilespmem:$0x16F80] =	vst v63  }
0x2a: {  	_ =	swait.ge [sflag:s28], $0x80  }
0x2b: {  	[sflag:s28] =	ssyncset.done $0x0  }
0x2c: {  	s19 =	rddreg [dreg:$0x7];
	[sflag:s28] =	ssyncadd.s32 $0xFFFFFF80  }
0x2d: {  	[tilespmem:s3], [sflag:$0x2] =	stream.linear.gather [hbm4b:s19+s3], $0x5000, $0x38;
	[tilespmem:$0x16F80] =	vst v63  }
0x2e: {  	_ =	swait.ge [sflag:s28], $0x5000  }
0x2f: {  	[sflag:s28] =	ssyncset.done $0x0  }
0x30: {  	s17 =	simm.s32 $0x5000;
	s20 =	rddreg [dreg:$0x8];
	[sflag:s28] =	ssyncadd.s32 $0xFFFFB000  }
0x31: {  	[tilespmem:s17], [sflag:$0x2] =	stream.linear.gather [hbm4b:s20+s3], $0x5000, $0x38;
	[tilespmem:$0x16F80] =	vst v63  }
0x32: {  	_ =	swait.ge [sflag:s28], $0x5000  }
0x33: {  	s17 =	simm.s32 @!p0 $0x0;
	[sflag:s28] =	ssyncset.done $0x0  }
0x34: {  	s16 =	simm.s32 @!p0 $0x3;
	s17 =	simm.s32 @p0 $0x5000;
	[sflag:s28] =	ssyncadd.s32 $0xFFFFB000  }
0x35: {  	s16 =	simm.s32 @p0 $0x2;
	s18 =	sadd.s32 $0x0, s17;
	[bflag:$0x0] =	sbarrier.arrive $0xFFFF  }
0x36: {  	[spmem:s2] =	stream.indirect.scatter.add.f32 [tilespmem:s29], [sflag:s16], $0x1, s18, s31, $0xb8;
	[tilespmem:$0x16F80] =	vst v63  }
0x37: {  	_ =	swait.ge [sflag:s16], $0x80  }
0x38: {  	s19 =	simm.s32 $0x200;
	s18 =	simm.s32 $0x400;
	[sflag:s16] =	ssyncset.done $0x0  }
.LBB2_2:
0x39: {  	s20 =	smov.u32 s18;
	s18 =	sadd.s32 $0x200, s18  }
0x3a: {  	[sflag:s16] =	ssyncadd.s32 $0xFFFFFF80;
	p1 =	sne.s32 s18, $0x14000  }
.Ltmp0:
0x3b: {  	s19 =	sshra.s32 s19, $0x2;
	(pc) =	sbr.rel @p1 .LBB2_2-.Ltmp0, $4  }
0x3c: {  	s19 =	sadd.s32 s19, s17  }
0x3d: {  	[spmem:s2] =	stream.indirect.scatter.add.f32 [tilespmem:s29], [sflag:s16], $0x1, s19, s31, $0xb8;
	[tilespmem:$0x16F80] =	vst v63  }
0x3e: {  	s19 =	smov.u32 s20;
	_ =	swait.ge [sflag:s16], $0x80  }
0x3f: {  	[sflag:s16] =	ssyncset.done $0x0  }
0x40: {  	s17 =	simm.s32 @!p0 $0x0  }
0x41: {  	s18 =	simm.s32 @!p0 $0x3;
	s19 =	sshra.s32 s19, $0x2;
	s17 =	simm.s32 @p0 $0x5000  }
0x42: {  	[sflag:s16] =	ssyncadd.s32 $0xFFFFFF80;
	s18 =	simm.s32 @p0 $0x2;
	s20 =	sadd.s32 s19, s17  }
0x43: {  	[spmem:s2] =	stream.indirect.scatter.add.f32 [tilespmem:s29], [sflag:s18], $0x1, s20, s31, $0xb8;
	[tilespmem:$0x16F80] =	vst v63  }
0x44: {  	_ =	swait.ge [sflag:s18], $0x80  }
0x45: {  	[sflag:s18] =	ssyncset.done $0x0  }
0x46: {  	v5 =	vimm.s32 $0x0;
	s16 =	simm.s32 $0x0;
	[sflag:s18] =	ssyncadd.s32 $0xFFFFFF80  }
.LBB2_4:
0x47: {  	s17 =	sshra.s32 s16, $0x2  }
0x48: {  	v6 =	vld [tilespmem:s17+$0x5000];
	_ =	sdelay $0x4  }
0x49: {  	v6 =	vsub.s32 v6, v0  }
0x4a: {  	vm0 =	vlt.u32 v6, $0x1400  }
0x4b: {  	v7 =	vsel vm0, $0x1, v3  }
0x4c: {  	(xrf0) =	vadd.scan.msk.s32 $0xffff, v7;
	_ =	sdelay $0x5  }
0x4d: {  	v7, _, _ =	vpop (xrf0)  }
0x4e: {  	v8 =	vadd.s32 v7, v5  }
0x4f: {  	v9 =	vld [tilespmem:s17+$0x0];
	v8 =	vadd.s32 $0xFFFFFFFF, v8;
	_ =	sdelay $0x4  }
0x50: {  	[tilespmem:v8+s0+$0x0] =	vst.idx.msk vm0, v9  }
0x51: {  	[tilespmem:v8+s1+$0x0] =	vst.idx.msk vm0, v6  }
0x52: {  	v6 =	vld [tilespmem:s17+$0x5010];
	_ =	sdelay $0x4  }
0x53: {  	v6 =	vsub.s32 v6, v0  }
0x54: {  	vm9 =	vlt.u32 v6, $0x1400  }
0x55: {  	v50 =	vsel vm9, $0x1, v3  }
0x56: {  	(xrf0) =	vadd.scan.msk.s32 $0xffff, v50;
	_ =	sdelay $0x1  }
0x57: {  	v7 =	vperm.xlane v7, v4;
	_ =	sdelay $0x3  }
0x58: {  	v5 =	vadd.s32 v5, v7;
	v7, _, _ =	vpop (xrf0)  }
0x59: {  	v51 =	vadd.s32 v7, v5  }
0x5a: {  	v9 =	vld [tilespmem:s17+$0x10];
	v8 =	vadd.s32 $0xFFFFFFFF, v51;
	_ =	sdelay $0x4  }
0x5b: {  	[tilespmem:v8+s0+$0x0] =	vst.idx.msk vm9, v9  }
0x5c: {  	[tilespmem:v8+s1+$0x0] =	vst.idx.msk vm9, v6  }
0x5d: {  	v6 =	vld [tilespmem:s17+$0x5020];
	_ =	sdelay $0x4  }
0x5e: {  	v6 =	vsub.s32 v6, v0  }
0x5f: {  	vm10 =	vlt.u32 v6, $0x1400  }
0x60: {  	v52 =	vsel vm10, $0x1, v3  }
0x61: {  	(xrf0) =	vadd.scan.msk.s32 $0xffff, v52;
	_ =	sdelay $0x1  }
0x62: {  	v7 =	vperm.xlane v7, v4;
	_ =	sdelay $0x3  }
0x63: {  	v5 =	vadd.s32 v5, v7;
	v7, _, _ =	vpop (xrf0)  }
0x64: {  	v53 =	vadd.s32 v7, v5  }
0x65: {  	v9 =	vld [tilespmem:s17+$0x20];
	v8 =	vadd.s32 $0xFFFFFFFF, v53;
	_ =	sdelay $0x4  }
0x66: {  	[tilespmem:v8+s0+$0x0] =	vst.idx.msk vm10, v9  }
0x67: {  	[tilespmem:v8+s1+$0x0] =	vst.idx.msk vm10, v6  }
0x68: {  	v6 =	vld [tilespmem:s17+$0x5030];
	_ =	sdelay $0x4  }
0x69: {  	v6 =	vsub.s32 v6, v0  }
0x6a: {  	vm11 =	vlt.u32 v6, $0x1400  }
0x6b: {  	v54 =	vsel vm11, $0x1, v3  }
0x6c: {  	(xrf0) =	vadd.scan.msk.s32 $0xffff, v54;
	_ =	sdelay $0x1  }
0x6d: {  	v7 =	vperm.xlane v7, v4;
	_ =	sdelay $0x3  }
0x6e: {  	v5 =	vadd.s32 v5, v7;
	v7, _, _ =	vpop (xrf0)  }
0x6f: {  	v55 =	vadd.s32 v7, v5  }
0x70: {  	v9 =	vld [tilespmem:s17+$0x30];
	v8 =	vadd.s32 $0xFFFFFFFF, v55;
	_ =	sdelay $0x4  }
0x71: {  	[tilespmem:v8+s0+$0x0] =	vst.idx.msk vm11, v9  }
0x72: {  	[tilespmem:v8+s1+$0x0] =	vst.idx.msk vm11, v6  }
0x73: {  	v6 =	vld [tilespmem:s17+$0x5040];
	_ =	sdelay $0x4  }
0x74: {  	v6 =	vsub.s32 v6, v0  }
0x75: {  	vm12 =	vlt.u32 v6, $0x1400  }
0x76: {  	v56 =	vsel vm12, $0x1, v3  }
0x77: {  	(xrf0) =	vadd.scan.msk.s32 $0xffff, v56;
	_ =	sdelay $0x1  }
0x78: {  	v7 =	vperm.xlane v7, v4;
	_ =	sdelay $0x3  }
0x79: {  	v5 =	vadd.s32 v5, v7;
	v7, _, _ =	vpop (xrf0)  }
0x7a: {  	v57 =	vadd.s32 v7, v5  }
0x7b: {  	v9 =	vld [tilespmem:s17+$0x40];
	v8 =	vadd.s32 $0xFFFFFFFF, v57;
	_ =	sdelay $0x4  }
0x7c: {  	[tilespmem:v8+s0+$0x0] =	vst.idx.msk vm12, v9  }
0x7d: {  	[tilespmem:v8+s1+$0x0] =	vst.idx.msk vm12, v6  }
0x7e: {  	v6 =	vld [tilespmem:s17+$0x5050];
	_ =	sdelay $0x4  }
0x7f: {  	v6 =	vsub.s32 v6, v0  }
0x80: {  	vm13 =	vlt.u32 v6, $0x1400  }
0x81: {  	v58 =	vsel vm13, $0x1, v3  }
0x82: {  	(xrf0) =	vadd.scan.msk.s32 $0xffff, v58;
	_ =	sdelay $0x1  }
0x83: {  	v7 =	vperm.xlane v7, v4;
	_ =	sdelay $0x3  }
0x84: {  	v5 =	vadd.s32 v5, v7;
	v7, _, _ =	vpop (xrf0)  }
0x85: {  	v59 =	vadd.s32 v7, v5  }
0x86: {  	v9 =	vld [tilespmem:s17+$0x50];
	v8 =	vadd.s32 $0xFFFFFFFF, v59;
	_ =	sdelay $0x4  }
0x87: {  	[tilespmem:v8+s0+$0x0] =	vst.idx.msk vm13, v9  }
0x88: {  	[tilespmem:v8+s1+$0x0] =	vst.idx.msk vm13, v6  }
0x89: {  	v6 =	vld [tilespmem:s17+$0x5060];
	_ =	sdelay $0x4  }
0x8a: {  	v6 =	vsub.s32 v6, v0  }
0x8b: {  	vm14 =	vlt.u32 v6, $0x1400  }
0x8c: {  	v60 =	vsel vm14, $0x1, v3  }
0x8d: {  	(xrf0) =	vadd.scan.msk.s32 $0xffff, v60;
	_ =	sdelay $0x1  }
0x8e: {  	v7 =	vperm.xlane v7, v4;
	_ =	sdelay $0x3  }
0x8f: {  	v5 =	vadd.s32 v5, v7;
	v7, _, _ =	vpop (xrf0)  }
0x90: {  	v61 =	vadd.s32 v7, v5  }
0x91: {  	v9 =	vld [tilespmem:s17+$0x60];
	v8 =	vadd.s32 $0xFFFFFFFF, v61;
	_ =	sdelay $0x4  }
0x92: {  	[tilespmem:v8+s0+$0x0] =	vst.idx.msk vm14, v9  }
0x93: {  	[tilespmem:v8+s1+$0x0] =	vst.idx.msk vm14, v6  }
0x94: {  	v6 =	vld [tilespmem:s17+$0x5070];
	_ =	sdelay $0x4  }
0x95: {  	v6 =	vsub.s32 v6, v0  }
0x96: {  	vm15 =	vlt.u32 v6, $0x1400  }
0x97: {  	v62 =	vsel vm15, $0x1, v3  }
0x98: {  	(xrf0) =	vadd.scan.msk.s32 $0xffff, v62;
	_ =	sdelay $0x1  }
0x99: {  	v7 =	vperm.xlane v7, v4;
	_ =	sdelay $0x3  }
0x9a: {  	v5 =	vadd.s32 v5, v7;
	v7, _, _ =	vpop (xrf0)  }
0x9b: {  	v63 =	vadd.s32 v7, v5  }
0x9c: {  	v9 =	vld [tilespmem:s17+$0x70];
	v8 =	vadd.s32 $0xFFFFFFFF, v63  }
0x9d: {  	p1 =	sne.s32 s16, $0x13E00  }
.Ltmp1:
0x9e: {  	_ = 	snop;
	(pc) =	sbr.rel @p1 .LBB2_4-.Ltmp1, $4  }
0x9f: {  	_ = 	snop  }
0xa0: {  	v7 =	vperm.xlane v7, v4  }
0xa1: {  	[tilespmem:v8+s0+$0x0] =	vst.idx.msk vm15, v9  }
0xa2: {  	s16 =	sadd.s32 $0x200, s16;
	v5 =	vadd.s32 v5, v7;
	[tilespmem:v8+s1+$0x0] =	vst.idx.msk vm15, v6  }
0xa3: {  	v7 =	vadd.s32 v1, v5;
	s16 =	simm.s32 $0x0  }
0xa4: {  	v6 =	vadd.s32 s16, v7;
	_ =	sdelay $0x4  }
0xa5: {  	s16 =	simm.s32 $0x10;
	[tilespmem:v6+s0+$0x0] =	vst.idx.msk $0xffff, v3  }
.LBB2_6:
0xa6: {  	[tilespmem:v6+s1+$0x0] =	vst.idx.msk $0xffff, v2;
	v6 =	vadd.s32 s16, v7;
	p1 =	sne.s32 s16, $0xF0  }
.Ltmp2:
0xa7: {  	s16 =	sadd.s32 $0x10, s16;
	(pc) =	sbr.rel @p1 .LBB2_6-.Ltmp2, $2  }
0xa8: {  	_ =	sdelay $0x2  }
0xa9: {  	[tilespmem:v6+s0+$0x0] =	vst.idx.msk $0xffff, v3  }
0xaa: {  	v5 =	vadd.s32 $0xFF, v5  }
0xab: {  	v7 =	vshra.s32 v5, $0x1F;
	v8 =	vand.u32 $0xFF, v5  }
0xac: {  	vm1 =	vlt.s32 v5, $0x1;
	vm0 =	vne.s32 v8, $0x0;
	v7 =	vshrl.u32 v7, $0x18  }
0xad: {  	v5 =	vadd.s32 v7, v5;
	vm0 =	vmand vm1, vm0  }
0xae: {  	v5 =	vshra.s32 v5, $0x8;
	v7 =	vsel vm0, $0xFFFFFFFF, v3  }
0xaf: {  	v5 =	vadd.s32 v7, v5  }
0xb0: {  	v5 =	vshll.u32 v5, $0x1  }
0xb1: {  	vm15 =	vgt.s32 v5, $0x2  }
0xb2: {  	[tilespmem:v6+s1+$0x0] =	vst.idx.msk $0xffff, v2;
	v5 =	vnsel vm15, $0x2, v5  }
0xb3: {  	s16 =	rddreg [dreg:$0x9];
	s17 =	simm.s32 $0x14200;
	[tilespmem:$0x14200] =	vst v5  }
0xb4: {  	[hbm4b:s16+s3] =	stream.linear.scatter [tilespmem:s17], [sflag:$0x2], $0x80, $0x38;
	[tilespmem:$0x16F80] =	vst v63  }
0xb5: {  	_ =	swait.ge [sflag:s28], $0x80  }
0xb6: {  	[sflag:s28] =	ssyncset.done $0x0  }
0xb7: {  	s19 =	rddreg [dreg:$0xa];
	[sflag:s28] =	ssyncadd.s32 $0xFFFFFF80  }
0xb8: {  	[hbm4b:s19+s31] =	stream.strided.scatter [tilespmem:s0], [sflag:$0x2], $0x5100, s30, s31, $0x38;
	[tilespmem:$0x16F80] =	vst v63  }
0xb9: {  	_ =	swait.ge [sflag:s28], $0x5100  }
0xba: {  	[sflag:s28] =	ssyncset.done $0x0  }
0xbb: {  	s20 =	rddreg [dreg:$0xb];
	[sflag:s28] =	ssyncadd.s32 $0xFFFFAF00  }
0xbc: {  	[hbm4b:s20+s31] =	stream.strided.scatter [tilespmem:s1], [sflag:$0x2], $0x5100, s30, s31, $0x38;
	[tilespmem:$0x16F80] =	vst v63  }
0xbd: {  	_ =	swait.ge [sflag:s28], $0x5100  }
0xbe: {  	[sflag:s28] =	ssyncset.done $0x0  }
0xbf: {  	s17 =	rddreg [dreg:$0xc];
	[sflag:s28] =	ssyncadd.s32 $0xFFFFAF00  }
0xc0: {  	[tilespmem:s6], [sflag:$0x2] =	stream.linear.gather [hbm4b:s17+s3], $0x200, $0x38;
	[tilespmem:$0x16F80] =	vst v63  }
0xc1: {  	_ =	swait.ge [sflag:s28], $0x200  }
0xc2: {  	[sflag:s28] =	ssyncset.done $0x0  }
0xc3: {  	[sflag:s28] =	ssyncadd.s32 $0xFFFFFE00  }
0xc4: {  	[tilespmem:s8], [sflag:$0x1] =	stream.indirect.gather [hbm4b:s4+s7], $0x80, s6, s7, $0xb8;
	[tilespmem:$0x16F80] =	vst v63  }
0xc5: {  	_ =	swait.ge [sflag:s10], $0x2800  }
0xc6: {  	[sflag:s10] =	ssyncset.done $0x0  }
0xc7: {  	s18 =	rddreg [dreg:$0xd];
	[sflag:s10] =	ssyncadd.s32 $0xFFFFD800  }
0xc8: {  	[hbm4b:s18+s3] =	stream.linear.scatter [tilespmem:s8], [sflag:$0x2], $0x2800, $0x38;
	[tilespmem:$0x16F80] =	vst v63  }
0xc9: {  	_ =	swait.ge [sflag:s28], $0x2800  }
0xca: {  	[sflag:s28] =	ssyncset.done $0x0  }
0xcb: {  	[sflag:s28] =	ssyncadd.s32 $0xFFFFD800  }
0xcc: {  	[tilespmem:s8], [sflag:$0x1] =	stream.indirect.gather [hbm4b:s4+s7], $0x80, s11, s7, $0xb8;
	[tilespmem:$0x16F80] =	vst v63  }
0xcd: {  	_ =	swait.ge [sflag:s10], $0x2800  }
0xce: {  	[sflag:s10] =	ssyncset.done $0x0  }
0xcf: {  	[sflag:s10] =	ssyncadd.s32 $0xFFFFD800  }
0xd0: {  	[hbm4b:s21+s3] =	stream.linear.scatter [tilespmem:s8], [sflag:$0x2], $0x2800, $0x38;
	[tilespmem:$0x16F80] =	vst v63  }
0xd1: {  	_ =	swait.ge [sflag:s28], $0x2800  }
0xd2: {  	[sflag:s28] =	ssyncset.done $0x0  }
0xd3: {  	[sflag:s28] =	ssyncadd.s32 $0xFFFFD800  }
0xd4: {  	[tilespmem:s8], [sflag:$0x1] =	stream.indirect.gather [hbm4b:s4+s7], $0x80, s12, s7, $0xb8;
	[tilespmem:$0x16F80] =	vst v63  }
0xd5: {  	_ =	swait.ge [sflag:s10], $0x2800  }
0xd6: {  	[sflag:s10] =	ssyncset.done $0x0  }
0xd7: {  	[sflag:s10] =	ssyncadd.s32 $0xFFFFD800  }
0xd8: {  	[hbm4b:s22+s3] =	stream.linear.scatter [tilespmem:s8], [sflag:$0x2], $0x2800, $0x38;
	[tilespmem:$0x16F80] =	vst v63  }
0xd9: {  	_ =	swait.ge [sflag:s28], $0x2800  }
0xda: {  	[sflag:s28] =	ssyncset.done $0x0  }
0xdb: {  	[sflag:s28] =	ssyncadd.s32 $0xFFFFD800  }
0xdc: {  	[tilespmem:s8], [sflag:$0x1] =	stream.indirect.gather [hbm4b:s4+s7], $0x80, s13, s7, $0xb8;
	[tilespmem:$0x16F80] =	vst v63  }
0xdd: {  	_ =	swait.ge [sflag:s10], $0x2800  }
0xde: {  	[sflag:s10] =	ssyncset.done $0x0  }
0xdf: {  	[sflag:s10] =	ssyncadd.s32 $0xFFFFD800  }
0xe0: {  	[hbm4b:s23+s3] =	stream.linear.scatter [tilespmem:s8], [sflag:$0x2], $0x2800, $0x38;
	[tilespmem:$0x16F80] =	vst v63  }
0xe1: {  	_ =	swait.ge [sflag:s28], $0x2800  }
0xe2: {  	[sflag:s28] =	ssyncset.done $0x0  }
0xe3: {  	s19 =	rddreg [dreg:$0xe];
	[sflag:s28] =	ssyncadd.s32 $0xFFFFD800  }
0xe4: {  	[tilespmem:s6], [sflag:$0x2] =	stream.linear.gather [hbm4b:s19+s3], $0x200, $0x38;
	[tilespmem:$0x16F80] =	vst v63  }
0xe5: {  	_ =	swait.ge [sflag:s28], $0x200  }
0xe6: {  	[sflag:s28] =	ssyncset.done $0x0  }
0xe7: {  	[sflag:s28] =	ssyncadd.s32 $0xFFFFFE00  }
0xe8: {  	[tilespmem:s8], [sflag:$0x1] =	stream.indirect.gather [hbm4b:s5+s7], $0x80, s6, s7, $0xb8;
	[tilespmem:$0x16F80] =	vst v63  }
0xe9: {  	_ =	swait.ge [sflag:s10], $0x2800  }
0xea: {  	[sflag:s10] =	ssyncset.done $0x0  }
0xeb: {  	s20 =	rddreg [dreg:$0xf];
	[sflag:s10] =	ssyncadd.s32 $0xFFFFD800  }
0xec: {  	[hbm4b:s20+s3] =	stream.linear.scatter [tilespmem:s8], [sflag:$0x2], $0x2800, $0x38;
	[tilespmem:$0x16F80] =	vst v63  }
0xed: {  	_ =	swait.ge [sflag:s28], $0x2800  }
0xee: {  	[sflag:s28] =	ssyncset.done $0x0  }
0xef: {  	[sflag:s28] =	ssyncadd.s32 $0xFFFFD800  }
0xf0: {  	[tilespmem:s8], [sflag:$0x1] =	stream.indirect.gather [hbm4b:s5+s7], $0x80, s11, s7, $0xb8;
	[tilespmem:$0x16F80] =	vst v63  }
0xf1: {  	_ =	swait.ge [sflag:s10], $0x2800  }
0xf2: {  	[sflag:s10] =	ssyncset.done $0x0  }
0xf3: {  	[sflag:s10] =	ssyncadd.s32 $0xFFFFD800  }
0xf4: {  	[hbm4b:s24+s3] =	stream.linear.scatter [tilespmem:s8], [sflag:$0x2], $0x2800, $0x38;
	[tilespmem:$0x16F80] =	vst v63  }
0xf5: {  	_ =	swait.ge [sflag:s28], $0x2800  }
0xf6: {  	[sflag:s28] =	ssyncset.done $0x0  }
0xf7: {  	[sflag:s28] =	ssyncadd.s32 $0xFFFFD800  }
0xf8: {  	[tilespmem:s8], [sflag:$0x1] =	stream.indirect.gather [hbm4b:s5+s7], $0x80, s12, s7, $0xb8;
	[tilespmem:$0x16F80] =	vst v63  }
0xf9: {  	_ =	swait.ge [sflag:s10], $0x2800  }
0xfa: {  	[sflag:s10] =	ssyncset.done $0x0  }
0xfb: {  	[sflag:s10] =	ssyncadd.s32 $0xFFFFD800  }
0xfc: {  	[hbm4b:s25+s3] =	stream.linear.scatter [tilespmem:s8], [sflag:$0x2], $0x2800, $0x38;
	[tilespmem:$0x16F80] =	vst v63  }
0xfd: {  	_ =	swait.ge [sflag:s28], $0x2800  }
0xfe: {  	[sflag:s28] =	ssyncset.done $0x0  }
0xff: {  	[sflag:s28] =	ssyncadd.s32 $0xFFFFD800  }
0x100: {  	[tilespmem:s8], [sflag:$0x1] =	stream.indirect.gather [hbm4b:s5+s7], $0x80, s13, s7, $0xb8;
	[tilespmem:$0x16F80] =	vst v63  }
0x101: {  	_ =	swait.ge [sflag:s10], $0x2800  }
0x102: {  	[sflag:s10] =	ssyncset.done $0x0  }
0x103: {  	[sflag:s10] =	ssyncadd.s32 $0xFFFFD800  }
0x104: {  	[hbm4b:s26+s3] =	stream.linear.scatter [tilespmem:s8], [sflag:$0x2], $0x2800, $0x38;
	[tilespmem:$0x16F80] =	vst v63  }
0x105: {  	_ =	swait.ge [sflag:s28], $0x2800  }
0x106: {  	[sflag:s28] =	ssyncset.done $0x0  }
0x107: {  	[sflag:s28] =	ssyncadd.s32 $0xFFFFD800  }
0x108: {  	[bflag:$0x0] =	sbarrier.arrive $0xFFFF  }
0x109: {  	s18 =	simm.s32 $0x10;
	s19 =	simm.s32 $0x20;
	s17 =	rddreg [dreg:$0x10]  }
0x10a: {  	[hbm:s17@s19], [sflag:s9] =	dma.strided [spmem:s15@s18], $0x50, s10, $0x10   }
0x10b: {  	_ =	swait.ge [sflag:s28], $0x50  }
0x10c: {  	s14 =	sadd.s32 $0x1, s14;
	s20 =	rddreg [dreg:$0x11]  }
0x10d: {  	p1 =	sne.s32 s14, s20  }
.Ltmp3:
0x10e: {  	_ = 	snop;
	(pc) =	sbr.rel @p1 .LBB2_1-.Ltmp3, $3  }
0x10f: {  	_ =	sdelay $0x1  }
0x110: {  	[sflag:s28] =	ssyncset.done $0x0  }
0x111: {  	[sflag:s28] =	ssyncadd.s32 $0xFFFFFFB0  }
0x112: {  	_ =	sfence.sel $0x180000  }
0x113: {  	[bflag:$0x0] =	sbarrier.arrive $0xFFFF  }
0x114: {  	_ =	strace $0x90000047  }
0x115: {  	s0 =	stileid.u32;
	[bflag:$0x2] =	sbarrier.arrive $0xFFFF  }
0x116: {  	p0 =	sne.s32 s0, $0x0;
	s0 =	rddreg [dreg:$0x3]  }
0x117: {  	s0 =	sadd.s32 @!p0 $0x100000, s0  }
0x118: {  	[sflag:s0] =	ssyncadd.tile.s32 @!p0 $0x1;
	_ =	shalt  }
.Lfunc_end2:
_tile_overlayer_lowered:
.L_overlay_start_2:
0x119: {  	(tag) =	ssettag $0x2  }
0x11a: {  	s0 =	rddreg [dreg:$0x0];
	s2 =	stileid.u32  }
0x11b: {  	s1 =	rddreg [dreg:$0x1];
	p0 =	sne.s32 s2, $0x0  }
0x11c: {  	s3 =	rddreg [dreg:$0x2];
	[bflag:$0x3] =	sbarrier.arrive $0xFFFF;
	s2 =	simm.s32 @!p0 $0x1C02  }
0x11d: {  	[timem:s3], [sflag:s2] =	dma.local @!p0 [hbm:s0], s1  }
0x11e: {  	s0 =	simm.s32 @!p0 $0x2  }
0x11f: {  	_ =	swait.ge @!p0 [sflag:s0], s1  }
0x120: {  	s1 =	ssub.s32 @!p0 $0x0, s1;
	[sflag:s0] =	ssyncset.done @!p0 $0x0  }
0x121: {  	[sflag:s0] =	ssyncadd.s32 @!p0 s1  }
0x122: {  	[bflag:$0x3] =	sbarrier.arrive $0xFFFF  }
0x123: {  	_ =	shalt  }

// kernel: kernel.13.cloned.1.call-start
scs
__scs_entry_jumppad:
0x0: {  	(pc) =	sbr.rel $0x88, $3  }
0x1: {  	(tag) =	ssettag $0x0;
	lr =	simm.s32 $0x1  }
0x2: {  	[smem:$0x3F91] =	sst lr;
	_ =	strace $0xD0000000  }
0x3: {  	_ = 	snop  }
0x4: {  	_ = 	snop  }
0x5: {  	_ = 	snop  }
0x6: {  	_ = 	snop  }
0x7: {  	_ = 	snop  }
__scs_overlays_trampoline_lowered:
0x8: {  	[smem:$0x3FA0] =	sst s0  }
0x9: {  	[smem:$0x3FA1] =	sst s1  }
0xa: {  	[smem:$0x3FA2] =	sst s2  }
0xb: {  	[smem:$0x3FA3] =	sst s3  }
0xc: {  	[smem:$0x3FA4] =	sst s4  }
0xd: {  	[smem:$0x3FA5] =	sst s5  }
0xe: {  	[smem:$0x3FA6] =	sst s6  }
0xf: {  	[smem:$0x3FA7] =	sst s7  }
0x10: {  	[smem:$0x3FA8] =	sst s8  }
0x11: {  	[smem:$0x3FA9] =	sst s9;
	s0 =	simm.s32 @!p0 $0x0  }
0x12: {  	s1 =	sld [smem:$0x3F8F];
	s0 =	simm.s32 @p0 $0x1  }
0x13: {  	[smem:$0x3FAA] =	sst s0;
	s0 =	simm.s32 @!p1 $0x0  }
0x14: {  	s2 =	sld [smem:$0x3F8E];
	s0 =	simm.s32 @p1 $0x1  }
0x15: {  	[smem:$0x3FAB] =	sst s0;
	s0 =	simm.s32 @!p2 $0x0  }
0x16: {  	s3 =	sld [smem:$0x3FDB];
	s0 =	simm.s32 @p2 $0x1  }
0x17: {  	s4 =	simm.s32 $0x1BF5;
	[smem:$0x3FAD] =	sst s0  }
0x18: {  	s0 =	sld [smem:$0x3F90];
	_ =	swait.ge [sflag:s4], $0x0  }
0x19: {  	s7 =	sld [smem:$0x3F91]  }
0x1a: {  	s8 =	sadd.s32 $0xFFFFE003, lr  }
0x1b: {  	s9 =	sadd.s32 $0xFFFFFEF7, lr;
	s5 =	simm.s32 $0xFFFFFFFF;
	p2 =	slt.u32 s8, $0xFFFFF086  }
0x1c: {  	p1 =	slt.u32 s9, $0xF7A;
	s5 =	simm.s32 @!p2 $0x0  }
0x1d: {  	s5 =	simm.s32 @p1 $0x1;
	p0 =	seq.s32 s7, s2  }
0x1e: {  	s7 =	smul.u32 @!p0 $0xF7A, s2;
	p2 =	seq.s32 @!p0 s5, $0x0  }
0x1f: {  	s9 =	smul.u32 $0xF7A, s1;
	s8 =	simm.s32 @!p0 $0x1BF5;
	p2 =	por !p2, p0  }
0x20: {  	[sflag:s8] =	ssyncset.s32 @!p0 $0xFFFFF086;
	s6 =	sadd.s32 @!p0 s3, s7;
	s7 =	simm.s32 @!p0 $0x108  }
0x21: {  	s3 =	sadd.s32 s3, s9;
	s6 =	sadd.s32 @!p0 $0x88, s6;
	s7 =	simm.s32 @p2 $0x1082  }
0x22: {  	[simem:s7], [sflag:s8] =	dma.local @!p0 [hbm:s6], $0xF7A  }
0x23: {  	s9 =	sor.u32 $0xD0000000, s2;
	s6 =	simm.s32 $0x108;
	_ =	swait.ge @!p0 [sflag:s8], $0x0  }
0x24: {  	s3 =	sadd.s32 $0x88, s3;
	s6 =	simm.s32 @!p1 $0x1082;
	[sflag:s4] =	ssyncset.s32 $0xFFFFF086  }
0x25: {  	[simem:s6], [sflag:s4] =	dma.local [hbm:s3], $0xF7A  }
0x26: {  	[smem:$0x3F91] =	sst s1;
	(tag) =	ssettag s2;
	_ =	strace s9  }
0x27: {  	s1 =	sld [smem:$0x3FA1]  }
0x28: {  	s2 =	sld [smem:$0x3FA2]  }
0x29: {  	s4 =	sld [smem:$0x3FA4]  }
0x2a: {  	p0 =	seq.s32 s5, $0x0;
	s5 =	sld [smem:$0x3FA5]  }
0x2b: {  	s6 =	sld [smem:$0x3FA6]  }
0x2c: {  	s7 =	sld [smem:$0x3FA7]  }
0x2d: {  	s3 =	simm.s32 $0x108;
	s8 =	sld [smem:$0x3FA8]  }
0x2e: {  	s3 =	simm.s32 @!p0 $0x1082;
	s9 =	sld [smem:$0x3FA9]  }
0x2f: {  	lr =	sadd.s32 s0, s3;
	s0 =	sld [smem:$0x3FA0]  }
0x30: {  	s3 =	sld [smem:$0x3FA3]  }
0x31: {  	[smem:$0x3FAC] =	sst s10  }
0x32: {  	s10 =	sld [smem:$0x3FAA];
	_ =	sdelay $0x3  }
0x33: {  	p0 =	seq.s32 s10, $0x1;
	s10 =	sld [smem:$0x3FAC];
	_ =	sdelay $0x3  }
0x34: {  	[smem:$0x3FAC] =	sst s10  }
0x35: {  	s10 =	sld [smem:$0x3FAB];
	_ =	sdelay $0x3  }
0x36: {  	p1 =	seq.s32 s10, $0x1;
	s10 =	sld [smem:$0x3FAC];
	_ =	sdelay $0x3  }
0x37: {  	[smem:$0x3FAC] =	sst s10  }
0x38: {  	s10 =	sld [smem:$0x3FAD]  }
0x39: {  	_ = 	snop;
	(pc) =	sbr.ind lr, $3  }
0x3a: {  	_ = 	snop  }
0x3b: {  	_ = 	snop  }
0x3c: {  	p2 =	seq.s32 s10, $0x1;
	s10 =	sld [smem:$0x3FAC]  }
0x3d: {  	_ =	shalt  }
0x3e: {  	_ =	shalt  }
0x3f: {  	_ =	shalt  }
0x40: {  	_ =	shalt  }
0x41: {  	_ =	shalt  }
0x42: {  	_ =	shalt  }
0x43: {  	_ =	shalt  }
0x44: {  	_ =	shalt  }
0x45: {  	_ =	shalt  }
0x46: {  	_ =	shalt  }
0x47: {  	_ =	shalt  }
0x48: {  	_ =	shalt  }
0x49: {  	_ =	shalt  }
0x4a: {  	_ =	shalt  }
0x4b: {  	_ =	shalt  }
0x4c: {  	_ =	shalt  }
0x4d: {  	_ =	shalt  }
0x4e: {  	_ =	shalt  }
0x4f: {  	_ =	shalt  }
0x50: {  	_ =	shalt  }
0x51: {  	_ =	shalt  }
0x52: {  	_ =	shalt  }
0x53: {  	_ =	shalt  }
0x54: {  	_ =	shalt  }
0x55: {  	_ =	shalt  }
0x56: {  	_ =	shalt  }
0x57: {  	_ =	shalt  }
0x58: {  	_ =	shalt  }
0x59: {  	_ =	shalt  }
0x5a: {  	_ =	shalt  }
0x5b: {  	_ =	shalt  }
0x5c: {  	_ =	shalt  }
0x5d: {  	_ =	shalt  }
0x5e: {  	_ =	shalt  }
0x5f: {  	_ =	shalt  }
0x60: {  	_ =	shalt  }
0x61: {  	_ =	shalt  }
0x62: {  	_ =	shalt  }
0x63: {  	_ =	shalt  }
0x64: {  	_ =	shalt  }
0x65: {  	_ =	shalt  }
0x66: {  	_ =	shalt  }
0x67: {  	_ =	shalt  }
0x68: {  	_ =	shalt  }
0x69: {  	_ =	shalt  }
0x6a: {  	_ =	shalt  }
0x6b: {  	_ =	shalt  }
0x6c: {  	_ =	shalt  }
0x6d: {  	_ =	shalt  }
0x6e: {  	_ =	shalt  }
0x6f: {  	_ =	shalt  }
0x70: {  	_ =	shalt  }
0x71: {  	_ =	shalt  }
0x72: {  	_ =	shalt  }
0x73: {  	_ =	shalt  }
0x74: {  	_ =	shalt  }
0x75: {  	_ =	shalt  }
0x76: {  	_ =	shalt  }
0x77: {  	_ =	shalt  }
0x78: {  	_ =	shalt  }
0x79: {  	_ =	shalt  }
0x7a: {  	_ =	shalt  }
0x7b: {  	_ =	shalt  }
0x7c: {  	_ =	shalt  }
0x7d: {  	_ =	shalt  }
0x7e: {  	_ =	shalt  }
0x7f: {  	_ =	shalt  }
0x80: {  	_ =	shalt  }
0x81: {  	_ =	shalt  }
0x82: {  	_ =	shalt  }
0x83: {  	_ =	shalt  }
0x84: {  	_ =	shalt  }
0x85: {  	_ =	shalt  }
0x86: {  	_ =	shalt  }
0x87: {  	_ =	shalt  }
.Lfunc_end0:
.L_simem_size_0:
called_computation.1_lowered:
.L_overlay_start_0:
0x88: {  	s2 =	sld [smem:$0x3FD9]  }
0x89: {  	s3 =	sld [smem:$0x3FFE];
	_ =	sdelay $0x1  }
0x8a: {  	s1 =	srdreg.scid  }
0x8b: {  	s0 =	sand.u32 $0x1, s1  }
0x8c: {  	s17 =	sshll.u32 s0, $0xA;
	s2 =	sadd.s32 s3, s2  }
0x8d: {  	s2 =	sadd.s32 s2, s17  }
0x8e: {  	[smem:$0x3FB8] =	sst s2  }
0x8f: {  	_ = 	snop  }
0x90: {  	s2 =	sld [smem:$0x3FD0];
	(tm) =	ssettm $0x1  }
0x91: {  	s18 =	sld [smem:$0x3FFB];
	_ =	sdelay $0x3  }
0x92: {  	_ =	strace s18  }
0x93: {  	s3 =	sld [smem:$0x3FFC];
	_ =	sdelay $0x3  }
0x94: {  	_ =	strace s3  }
0x95: {  	s3 =	sld [smem:$0x3FFD];
	_ =	sdelay $0x3  }
0x96: {  	_ =	strace s3  }
0x97: {  	_ =	strace $0x8FFFFFFF  }
0x98: {  	s19 =	sld [smem:$0x3FDB];
	_ =	sdelay $0x1  }
0x99: {  	s4 =	simm.s32 $_scs_section_size  }
0x9a: {  	s5 =	simm.s32 $_size__tile_overlayer_lowered;
	s6 =	simm.s32 $_tile_overlayer_lowered  }
0x9b: {  	s22 =	simm.s32 $0x1BFF;
	s21 =	sshll.u32 s6, $0x1;
	s3 =	sadd.s32 s4, s19  }
0x9c: {  	s7 =	simm.s32 $0x0;
	s20 =	sshll.u32 s5, $0x1;
	s5 =	sadd.s32 s21, s3  }
0x9d: {  	[timem:s7], [sflag:s22] =	dma.local [hbm:s5], s20  }
0x9e: {  	_ =	swait.ge [sflag:s22], s20  }
0x9f: {  	s4 =	ssub.s32 $0x0, s20;
	[sflag:s22] =	ssyncset.done $0x0  }
0xa0: {  	[sflag:s22] =	ssyncadd.s32 s4;
	_ =	sdelay $0x1  }
0xa1: {  	s23 =	simm.s32 $0x1B8B  }
0xa2: {  	_ =	swait.ge [sflag:s23], $0x1  }
0xa3: {  	[sflag:s23] =	ssyncset.done $0x0  }
0xa4: {  	s25 =	simm.s32 $0x1B8E;
	s24 =	sld [smem:$0x3FFE];
	[sflag:s23] =	ssyncadd.s32 $0xFFFFFFFF  }
0xa5: {  	s26 =	simm.s32 $execute0_lowered;
	[smem:$0x3FD2] =	sst s25  }
0xa6: {  	s5 =	sshll.u32 s26, $0x1;
	_ =	strace $0x80000049;
	[dreg:$0x1] =	wrdreg $0xFFFFFFFF  }
0xa7: {  	s28 =	simm.s32 $_size_execute0_lowered;
	s3 =	sadd.s32 s3, s5;
	[dreg:$0x0] =	wrdreg $0x0  }
0xa8: {  	s5 =	sshll.u32 s28, $0x1;
	[dreg:$0x2] =	wrdreg s3  }
0xa9: {  	[dreg:$0x3] =	wrdreg s5  }
0xaa: {  	[dreg:$0x4] =	wrdreg $0xC0  }
0xab: {  	_ =	task [dreg:s7], $0x5FFFF  }
0xac: {  	[dreg:$0x1] =	wrdreg $0xFFFFFFFF  }
0xad: {  	[dreg:$0x0] =	wrdreg $0x60  }
0xae: {  	[dreg:$0x2] =	wrdreg s24  }
0xaf: {  	[dreg:$0x3] =	wrdreg s2  }
0xb0: {  	[dreg:$0x4] =	wrdreg $0x128800  }
0xb1: {  	[dreg:$0x5] =	wrdreg $0x9  }
0xb2: {  	_ =	task.clear_ibuf [dreg:s7], $0x6FFFF;
	_ =	strace $0x90000049  }
0xb3: {  	s29 =	simm.s32 $0x9;
	_ =	strace $0x8000004B  }
0xb4: {  	_ =	swait.ge [sflag:s29], $0x1  }
0xb5: {  	[sflag:s29] =	ssyncadd.s32 $0xFFFFFFFF  }
0xb6: {  	_ =	strace $0x9000004B  }
0xb7: {  	_ =	sfence  }
0xb8: {  	s30 =	sld [smem:$0x0];
	_ =	sdelay $0x2  }
0xb9: {  	s31 =	sshll.u32 s1, $0xD;
	s1 =	sshrl.u32 s1, $0x2  }
0xba: {  	s3 =	sand.u32 $0x4000, s31;
	s1 =	sadd.s32 s1, s30  }
0xbb: {  	s0 =	sor.u32 s3, s0;
	s1 =	sshll.u32 s1, $0x11  }
0xbc: {  	s0 =	sor.u32 s1, s0  }
0xbd: {  	s0 =	sadd.s32 $0x8F2B, s0  }
0xbe: {  	[sflag:s0] =	ssyncadd.remote.s32 $0x1  }
0xbf: {  	_ =	sfence.sel $0xFFFF  }
0xc0: {  	[dreg:$0x0] =	wrdreg $0xFFFFFFFF;
	(pc) =	sbr.abs _section_cstart, $3  }
0xc1: {  	[dreg:$0x1] =	wrdreg $0xFFFFFFFF  }
0xc2: {  	_ =	task.clear_ibuf [dreg:s7], $0x2FFFF;
	_ =	strace $0x9FFFFFFF  }
0xc3: {  	(tm) =	ssettm $0x7FFFFFFF  }
tec
execute0_lowered:
.L_overlay_start_1:
0x0: {  	(tag) =	ssettag $0x1  }
0x1: {  	s0 =	rddreg [dreg:$0x0]  }
0x2: {  	s1 =	srdreg.scid;
	s13 =	stileid.u32  }
0x3: {  	s2 =	rddreg [dreg:$0x1];
	s6 =	smul.u32 $0x5400, s13  }
0x4: {  	s3 =	rddreg [dreg:$0x2];
	s8 =	smul.u32 $0xA000, s13  }
0x5: {  	s4 =	simm.s32 $0x0;
	s1 =	sand.u32 $0x1, s1;
	s10 =	smul.u32 $0x30000, s13  }
0x6: {  	[smem:$0x7FF] =	sst s4;
	s9 =	sshll.u32 s13, $0x4;
	s24 =	smul.u32 $0x28000, s13  }
0x7: {  	s23 =	sshll.u32 s13, $0x6;
	s13 =	simm.s32 $0x5;
	s5 =	smul.u32 $0x54000, s1  }
0x8: {  	s20 =	smul.u32 $0xA0000, s1;
	_ =	strace $0x8000004A;
	s21 =	ssub.s32 $0x2, s1  }
0x9: {  	s9 =	sadd.s32 s9, s0;
	s1 =	sshll.u32 s1, $0x8;
	s11 =	sshrl.u32 s21, $0x1  }
0xa: {  	s22 =	sshrl.u32 s10, $0x2;
	s1 =	sadd.s32 s1, s9;
	s26 =	sshrl.u32 s24, $0x2  }
0xb: {  	s24 =	simm.s32 $0x4;
	s5 =	sadd.s32 s6, s5;
	s6 =	sadd.s32 s8, s20  }
0xc: {  	s11 =	ssub.s32 s21, s11;
	s12 =	sadd.s32 s22, s3;
	s1 =	sadd.s32 $0x93C00, s1  }
0xd: {  	s28 =	sadd.s32 s26, s3;
	s26 =	simm.s32 $0x0;
	s7 =	sshrl.u32 s5, $0x3  }
0xe: {  	s5 =	sadd.s32 $0x2DE00, s0;
	s6 =	sshrl.u32 s6, $0x3;
	[dreg:$0x6] =	wrdreg s1  }
0xf: {  	s29 =	smax.u32 s11, $0x1;
	s30 =	sadd.s32 $0x2000, s12;
	s31 =	sadd.s32 $0x4000, s12  }
0x10: {  	s16 =	sadd.s32 $0x6000, s12;
	s17 =	sadd.s32 $0x8000, s12;
	s18 =	sadd.s32 $0xA000, s12  }
0x11: {  	s12 =	sshrl.u32 s12, $0x3;
	s7 =	sadd.s32 s7, s0;
	s0 =	sadd.s32 s6, s0  }
0x12: {  	s6 =	sor.u32 $0x1C05, s23;
	[dreg:$0x8] =	wrdreg s29;
	s14 =	sshrl.u32 s30, $0x3  }
0x13: {  	s15 =	sshrl.u32 s31, $0x3;
	s16 =	sshrl.u32 s16, $0x3;
	s25 =	sadd.s32 $0x3E00, s7  }
0x14: {  	s17 =	sshrl.u32 s17, $0x3;
	s7 =	sadd.s32 $0x18E00, s7;
	[dreg:$0x4] =	wrdreg s25  }
0x15: {  	s18 =	sshrl.u32 s18, $0x3;
	s0 =	sadd.s32 $0x55E00, s0;
	[dreg:$0x5] =	wrdreg s7  }
0x16: {  	v0 =	vimm.f32 $0.0e+00;
	s23 =	simm.s32 $0x3;
	[dreg:$0x7] =	wrdreg s0;
	s25 =	sshrl.u32 s28, $0x3  }
.LBB2_1:
0x17: {  	[spmem:s12], [sflag:s6] =	dma.local [hbm:s2], $0x400  }
0x18: {  	_ =	swait.ge [sflag:s13], $0x400  }
0x19: {  	[sflag:s13] =	ssyncset.done $0x0  }
0x1a: {  	[sflag:s13] =	ssyncadd.s32 $0xFFFFFC00  }
0x1b: {  	[spmem:s14], [sflag:s6] =	dma.local [hbm:s2], $0x400  }
0x1c: {  	_ =	swait.ge [sflag:s13], $0x400  }
0x1d: {  	[sflag:s13] =	ssyncset.done $0x0  }
0x1e: {  	[sflag:s13] =	ssyncadd.s32 $0xFFFFFC00  }
0x1f: {  	[spmem:s15], [sflag:s6] =	dma.local [hbm:s2], $0x400  }
0x20: {  	_ =	swait.ge [sflag:s13], $0x400  }
0x21: {  	[sflag:s13] =	ssyncset.done $0x0  }
0x22: {  	[sflag:s13] =	ssyncadd.s32 $0xFFFFFC00  }
0x23: {  	[spmem:s16], [sflag:s6] =	dma.local [hbm:s2], $0x400  }
0x24: {  	_ =	swait.ge [sflag:s13], $0x400  }
0x25: {  	[sflag:s13] =	ssyncset.done $0x0  }
0x26: {  	[sflag:s13] =	ssyncadd.s32 $0xFFFFFC00  }
0x27: {  	[spmem:s17], [sflag:s6] =	dma.local [hbm:s2], $0x400  }
0x28: {  	_ =	swait.ge [sflag:s13], $0x400  }
0x29: {  	[sflag:s13] =	ssyncset.done $0x0  }
0x2a: {  	[sflag:s13] =	ssyncadd.s32 $0xFFFFFC00  }
0x2b: {  	[spmem:s18], [sflag:s6] =	dma.local [hbm:s2], $0x400  }
0x2c: {  	_ =	swait.ge [sflag:s13], $0x400  }
0x2d: {  	[sflag:s13] =	ssyncset.done $0x0  }
0x2e: {  	s0 =	rddreg [dreg:$0x4];
	[sflag:s13] =	ssyncadd.s32 $0xFFFFFC00  }
0x2f: {  	[tilespmem:s4], [sflag:$0x5] =	stream.linear.gather [hbm4b:s0+s4], $0x5100, $0x38;
	[tilespmem:$0x1E880] =	vst v63  }
0x30: {  	_ =	swait.ge [sflag:s13], $0x5100  }
0x31: {  	[sflag:s13] =	ssyncset.done $0x0  }
0x32: {  	s1 =	simm.s32 $0x5400;
	s7 =	rddreg [dreg:$0x5];
	[sflag:s13] =	ssyncadd.s32 $0xFFFFAF00  }
0x33: {  	[tilespmem:s1], [sflag:$0x5] =	stream.linear.gather [hbm4b:s7+s4], $0x5100, $0x38;
	[tilespmem:$0x1E880] =	vst v63  }
0x34: {  	_ =	swait.ge [sflag:s13], $0x5100  }
0x35: {  	[sflag:s13] =	ssyncset.done $0x0  }
0x36: {  	s9 =	simm.s32 $0xA800;
	s8 =	rddreg [dreg:$0x6];
	[sflag:s13] =	ssyncadd.s32 $0xFFFFAF00  }
0x37: {  	[tilespmem:s9], [sflag:$0x5] =	stream.linear.gather [hbm4b:s8+s4], $0x80, $0x38;
	[tilespmem:$0x1E880] =	vst v63  }
0x38: {  	_ =	swait.ge [sflag:s13], $0x80  }
0x39: {  	[sflag:s13] =	ssyncset.done $0x0  }
0x3a: {  	[sflag:s13] =	ssyncadd.s32 $0xFFFFFF80  }
0x3b: {  	v1 =	vld [tilespmem:$0xA800];
	_ =	sdelay $0x3  }
0x3c: {  	v2 =	vmov s4  }
0x3d: {  	vm0 =	vlt.s32 v2, v1  }
0x3e: {  	[bflag:$0x0] =	sbarrier.arrive $0xFFFF;
	v2 =	vsel vm0, $0x3F800000, v0  }
0x3f: {  	(xrf0) =	vmax.scan.msk.f32 $0xffff, v2;
	_ =	sdelay $0x5  }
0x40: {  	v2, _, _ =	vpop (xrf0)  }
0x41: {  	(v2sf) =	vpush v2, $0xF;
	_ =	sdelay $0x5  }
0x42: {  	s10 =	simm.s32 $0x2  }
0x43: {  	v2 =	vmov s10  }
0x44: {  	vm13 =	vlt.s32 v2, v1  }
0x45: {  	v2 =	vsel vm13, $0x3F800000, v0  }
0x46: {  	(xrf0) =	vmax.scan.msk.f32 $0xffff, v2;
	_ =	sdelay $0x4  }
0x47: {  	s11 =	spop (v2sf)  }
0x48: {  	v2, _, _ =	vpop (xrf0);
	p2 =	sgt.f32 s11, $0.0e+00  }
0x49: {  	(v2sf) =	vpush v2, $0xF  }
0x4a: {  	s0 =	simm.s32 @p2 $0x2  }
0x4b: {  	v2 =	vmov @p2 s0  }
0x4c: {  	vm0 =	vlt.s32 @p2 v2, v1;
	v2 =	vimm.f32 @p2 $0.0e+00  }
0x4d: {  	v2 =	vsel @p2 vm0, $0x3F800000, v2  }
0x4e: {  	(xrf0) =	vmax.scan.msk.f32 @p2 $0xffff, v2;
	_ =	sdelay $0x5  }
0x4f: {  	s31 =	simm.s32 $0x4;
	p1 =	por p2, p2;
	v2, _, _ =	vpop @p2 (xrf0)  }
0x50: {  	(v2sf) =	vpush @p1 v2, $0xF;
	v2 =	vmov s31  }
0x51: {  	vm14 =	vlt.s32 v2, v1  }
0x52: {  	v2 =	vsel vm14, $0x3F800000, v0  }
0x53: {  	s19 =	spop (v2sf);
	(xrf0) =	vmax.scan.msk.f32 $0xffff, v2  }
0x54: {  	p0 =	sgt.f32 s19, $0.0e+00;
	_ =	sdelay $0x1  }
0x55: {  	s20 =	simm.s32 $0x80;
	s21 =	simm.s32 $0xA880;
	s0 =	simm.s32 @p0 $0x4  }
0x56: {  	[tilespmem:s21], [sflag:$0x1] =	stream.indirect.gather [hbm4b:s5+s20], $0x80, s4, s20, $0xb8;
	v2 =	vmov @p0 s0;
	[tilespmem:$0x1E880] =	vst v63  }
0x57: {  	p3 =	por @p1 $0x1, $0x1;
	vm0 =	vlt.s32 @p0 v2, v1;
	v2 =	vimm.f32 @p0 $0.0e+00  }
0x58: {  	p3 =	por p3, !p1;
	v2 =	vsel @p0 vm0, $0x3F800000, v2;
	v3, _, _ =	vpop (xrf0)  }
0x59: {  	s0 =	simm.s32 @!p3 $0x4;
	(xrf0) =	vmax.scan.msk.f32 @p0 $0xffff, v2;
	(v2sf) =	vpush v3, $0xF  }
0x5a: {  	p1 =	por p1, p1;
	_ =	swait.ge @!p3 [sflag:s0], $0x4000  }
0x5b: {  	s19 =	simm.s32 @p1 $0x80;
	[sflag:s0] =	ssyncset.done @!p3 $0x0  }
0x5c: {  	s20 =	simm.s32 @p1 $0x80;
	[sflag:s0] =	ssyncadd.s32 @!p3 $0xFFFFC000;
	s0 =	simm.s32 @p1 $0xE880  }
0x5d: {  	[tilespmem:s0], [sflag:$0x2] =	stream.indirect.gather @p1 [hbm4b:s5+s19], $0x80, s20, s19, $0xb8;
	[tilespmem:$0x1E880] =	vst v63  }
0x5e: {  	s30 =	simm.s32 $0x6;
	s7 =	spop @p2 (v2sf)  }
0x5f: {  	s1 =	simm.s32 @p1 $0x1;
	v2 =	vmov s30;
	v3, _, _ =	vpop @p0 (xrf0);
	p3 =	sgt.f32 @p1 s7, $0.0e+00  }
0x60: {  	vm15 =	vlt.s32 v2, v1;
	p2 =	por p0, p0;
	_ =	swait.ge @p1 [sflag:s1], $0x4000  }
0x61: {  	v2 =	vsel vm15, $0x3F800000, v0;
	s7 =	simm.s32 @p1 $0x5400;
	[sflag:s1] =	ssyncset.done @p1 $0x0;
	p3 =	por !p3, !p1  }
0x62: {  	(xrf0) =	vmax.scan.msk.f32 $0xffff, v2;
	[sflag:s1] =	ssyncadd.s32 @p1 $0xFFFFC000;
	s1 =	simm.s32 @p1 $0xA880;
	s20 =	simm.s32 @!p3 $0x3  }
0x63: {  	(v2sf) =	vpush @p2 v3, $0xF;
	[spmem:s3] =	stream.indirect.scatter.add.f32 @p1 [tilespmem:s1], [sflag:$0x3], $0x80, s7, s19, $0xb8;
	[tilespmem:$0x1E880] =	vst v63  }
0x64: {  	_ =	swait.ge @!p3 [sflag:s20], $0x4000  }
0x65: {  	s7 =	simm.s32 @!p3 $0x100;
	[sflag:s20] =	ssyncset.done @!p3 $0x0  }
0x66: {  	s21 =	simm.s32 @!p3 $0x80;
	[sflag:s20] =	ssyncadd.s32 @!p3 $0xFFFFC000;
	s20 =	simm.s32 @!p3 $0xA880  }
0x67: {  	[tilespmem:s20], [sflag:$0x1] =	stream.indirect.gather @!p3 [hbm4b:s5+s21], $0x80, s7, s21, $0xb8;
	[tilespmem:$0x1E880] =	vst v63  }
0x68: {  	s29 =	simm.s32 $0x800;
	s28 =	simm.s32 $0xC00;
	s22 =	spop (v2sf)  }
0x69: {  	p6 =	por @p2 $0x0, $0x0;
	s1 =	simm.s32 $0x400;
	p3 =	sgt.f32 s22, $0.0e+00  }
0x6a: {  	s20 =	simm.s32 $0x1000;
	s21 =	simm.s32 @p1 $0x5480;
	s7 =	simm.s32 @p1 $0x2  }
.LBB2_2:
0x6b: {  	p5 =	por p0, p0;
	p0 =	por p3, p3  }
0x6c: {  	s8 =	sadd.s32 @p3 $0x2, s31;
	p3 =	por p6, !p2;
	v2, _, _ =	vpop (xrf0)  }
0x6d: {  	s22 =	smov.u32 s20;
	s31 =	smov.u32 s30;
	_ =	swait.ge @p1 [sflag:s7], $0x4000  }
0x6e: {  	s20 =	sadd.s32 $0x400, s20;
	(v2sf) =	vpush v2, $0xF;
	v2 =	vmov @p0 s8;
	s8 =	simm.s32 @!p3 $0x4;
	[sflag:s7] =	ssyncset.done @p1 $0x0  }
0x6f: {  	p4 =	sne.s32 s20, $0x14000;
	vm0 =	vlt.s32 @p0 v2, v1;
	v2 =	vimm.f32 @p0 $0.0e+00;
	[sflag:s7] =	ssyncadd.s32 @p1 $0xFFFFC000  }
0x70: {  	v2 =	vsel @p0 vm0, $0x3F800000, v2;
	[spmem:s3] =	stream.indirect.scatter.add.f32 @p1 [tilespmem:s0], [sflag:$0x4], $0x80, s21, s19, $0xb8;
	[tilespmem:$0x1E880] =	vst v63  }
0x71: {  	(xrf0) =	vmax.scan.msk.f32 @p0 $0xffff, v2  }
0x72: {  	p1 =	por p2, p2;
	p2 =	por p0, p0;
	_ =	swait.ge @!p3 [sflag:s8], $0x4000  }
0x73: {  	s7 =	simm.s32 @p1 $0x1;
	[sflag:s8] =	ssyncset.done @!p3 $0x0  }
0x74: {  	s30 =	sadd.s32 $0x2, s30;
	s0 =	simm.s32 @p1 $0xE880;
	[sflag:s8] =	ssyncadd.s32 @!p3 $0xFFFFC000  }
0x75: {  	s19 =	simm.s32 @p1 $0x80;
	s8 =	sshra.s32 @p1 s1, $0x2;
	s21 =	spop @p5 (v2sf)  }
0x76: {  	s9 =	sadd.s32 @p1 $0x80, s8;
	p3 =	sgt.f32 @p1 s21, $0.0e+00;
	s21 =	sadd.s32 @p1 $0x5480, s8  }
0x77: {  	[tilespmem:s0], [sflag:$0x2] =	stream.indirect.gather @p1 [hbm4b:s5+s19], $0x80, s9, s19, $0xb8;
	[tilespmem:$0x1E880] =	vst v63  }
0x78: {  	v3, _, _ =	vpop @p0 (xrf0)  }
0x79: {  	v2 =	vmov s30;
	s8 =	sadd.s32 @p1 $0x5400, s8;
	p5 =	por !p3, !p1;
	_ =	swait.ge @p1 [sflag:s7], $0x4000  }
0x7a: {  	vm0 =	vlt.s32 v2, v1;
	s9 =	simm.s32 @!p5 $0x3;
	s1 =	sshra.s32 @!p5 s1, $0x2;
	(v2sf) =	vpush @p2 v3, $0xF;
	[sflag:s7] =	ssyncset.done @p1 $0x0  }
0x7b: {  	v2 =	vsel vm0, $0x3F800000, v0;
	s10 =	sadd.s32 @!p5 $0x100, s1;
	[sflag:s7] =	ssyncadd.s32 @p1 $0xFFFFC000;
	s7 =	simm.s32 @p1 $0xA880  }
0x7c: {  	s11 =	simm.s32 @!p5 $0xA880;
	(xrf0) =	vmax.scan.msk.f32 $0xffff, v2  }
0x7d: {  	[spmem:s3] =	stream.indirect.scatter.add.f32 @p1 [tilespmem:s7], [sflag:$0x3], $0x80, s8, s19, $0xb8;
	[tilespmem:$0x1E880] =	vst v63  }
.Ltmp0:
0x7e: {  	s8 =	simm.s32 @!p5 $0x80;
	_ =	swait.ge @!p5 [sflag:s9], $0x4000;
	(pc) =	sbr.rel @p4 .LBB2_2-.Ltmp0, $4  }
0x7f: {  	s1 =	smov.u32 s29;
	s29 =	smov.u32 s28;
	[sflag:s9] =	ssyncset.done @!p5 $0x0  }
0x80: {  	s28 =	smov.u32 s22;
	s7 =	spop (v2sf);
	[sflag:s9] =	ssyncadd.s32 @!p5 $0xFFFFC000  }
0x81: {  	p6 =	seq.s32 @p2 s1, $0x0;
	p3 =	sgt.f32 s7, $0.0e+00;
	s7 =	simm.s32 @p1 $0x2  }
0x82: {  	[tilespmem:s11], [sflag:$0x1] =	stream.indirect.gather @!p5 [hbm4b:s5+s8], $0x80, s10, s8, $0xb8;
	[tilespmem:$0x1E880] =	vst v63  }
0x83: {  	v2, _, _ =	vpop (xrf0)  }
0x84: {  	s8 =	sadd.s32 @p3 $0x2, s31;
	_ =	swait.ge @p1 [sflag:s7], $0x4000  }
0x85: {  	(v2sf) =	vpush v2, $0xF;
	v2 =	vmov @p3 s8;
	[sflag:s7] =	ssyncset.done @p1 $0x0  }
0x86: {  	vm0 =	vlt.s32 @p3 v2, v1;
	v2 =	vimm.f32 @p3 $0.0e+00;
	[sflag:s7] =	ssyncadd.s32 @p1 $0xFFFFC000  }
0x87: {  	v2 =	vsel @p3 vm0, $0x3F800000, v2;
	[spmem:s3] =	stream.indirect.scatter.add.f32 @p1 [tilespmem:s0], [sflag:$0x4], $0x80, s21, s19, $0xb8;
	[tilespmem:$0x1E880] =	vst v63  }
0x88: {  	(xrf0) =	vmax.scan.msk.f32 @p3 $0xffff, v2  }
0x89: {  	p4 =	por p6, !p2;
	p1 =	por p2, p2  }
0x8a: {  	s0 =	simm.s32 @!p4 $0x4;
	s7 =	simm.s32 @p1 $0x1  }
0x8b: {  	s8 =	sshra.s32 @p1 s1, $0x2;
	s10 =	simm.s32 @p1 $0x80;
	_ =	swait.ge @!p4 [sflag:s0], $0x4000  }
0x8c: {  	s11 =	sadd.s32 @p1 $0x80, s8;
	[sflag:s0] =	ssyncset.done @!p4 $0x0;
	s9 =	spop @p0 (v2sf)  }
0x8d: {  	[sflag:s0] =	ssyncadd.s32 @!p4 $0xFFFFC000;
	s0 =	simm.s32 @p1 $0xE880;
	p0 =	sgt.f32 @p1 s9, $0.0e+00  }
0x8e: {  	[tilespmem:s0], [sflag:$0x2] =	stream.indirect.gather @p1 [hbm4b:s5+s10], $0x80, s11, s10, $0xb8;
	v2, _, _ =	vpop @p3 (xrf0);
	[tilespmem:$0x1E880] =	vst v63  }
0x8f: {  	p2 =	por p3, p3;
	_ =	swait.ge @p1 [sflag:s7], $0x4000  }
0x90: {  	s9 =	sadd.s32 @p1 $0x5400, s8;
	p4 =	por !p0, !p1;
	[sflag:s7] =	ssyncset.done @p1 $0x0  }
0x91: {  	s11 =	simm.s32 @!p4 $0x3;
	(v2sf) =	vpush @p2 v2, $0xF;
	[sflag:s7] =	ssyncadd.s32 @p1 $0xFFFFC000;
	s7 =	simm.s32 @p1 $0xA880  }
0x92: {  	[spmem:s3] =	stream.indirect.scatter.add.f32 @p1 [tilespmem:s7], [sflag:$0x3], $0x80, s9, s10, $0xb8;
	[tilespmem:$0x1E880] =	vst v63  }
0x93: {  	_ =	swait.ge @!p4 [sflag:s11], $0x4000  }
0x94: {  	s1 =	sshra.s32 @!p4 s1, $0x2;
	s22 =	spop (v2sf)  }
0x95: {  	s1 =	sadd.s32 @!p4 $0x100, s1;
	p0 =	sgt.f32 s22, $0.0e+00  }
0x96: {  	s7 =	simm.s32 @!p4 $0x80;
	s9 =	simm.s32 @!p4 $0xA880;
	[sflag:s11] =	ssyncset.done @!p4 $0x0  }
0x97: {  	[sflag:s11] =	ssyncadd.s32 @!p4 $0xFFFFC000;
	s11 =	simm.s32 @p1 $0x2;
	s19 =	sadd.s32 @p0 $0x2, s30  }
0x98: {  	[tilespmem:s9], [sflag:$0x1] =	stream.indirect.gather @!p4 [hbm4b:s5+s7], $0x80, s1, s7, $0xb8;
	v2 =	vmov @p0 s19;
	[tilespmem:$0x1E880] =	vst v63  }
0x99: {  	p4 =	seq.s32 @p2 s29, $0x0;
	_ =	swait.ge @p1 [sflag:s11], $0x4000;
	vm0 =	vlt.s32 @p0 v2, v1;
	v1 =	vimm.f32 @p0 $0.0e+00  }
0x9a: {  	p4 =	por p4, !p2;
	[sflag:s11] =	ssyncset.done @p1 $0x0;
	v1 =	vsel @p0 vm0, $0x3F800000, v1  }
0x9b: {  	s1 =	sadd.s32 @p1 $0x5480, s8;
	s7 =	simm.s32 @!p4 $0x4;
	[sflag:s11] =	ssyncadd.s32 @p1 $0xFFFFC000;
	(xrf0) =	vmax.scan.msk.f32 @p0 $0xffff, v1  }
0x9c: {  	[spmem:s3] =	stream.indirect.scatter.add.f32 @p1 [tilespmem:s0], [sflag:$0x4], $0x80, s1, s10, $0xb8;
	[tilespmem:$0x1E880] =	vst v63  }
0x9d: {  	p1 =	por p2, p2;
	_ =	swait.ge @!p4 [sflag:s7], $0x4000  }
0x9e: {  	s0 =	simm.s32 @p1 $0x1;
	[sflag:s7] =	ssyncset.done @!p4 $0x0  }
0x9f: {  	s1 =	simm.s32 @p1 $0xE880;
	[sflag:s7] =	ssyncadd.s32 @!p4 $0xFFFFC000;
	s7 =	sshra.s32 @p1 s29, $0x2  }
0xa0: {  	s8 =	simm.s32 @p1 $0x80;
	s9 =	spop @p3 (v2sf);
	s10 =	sadd.s32 @p1 $0x80, s7  }
0xa1: {  	[tilespmem:s1], [sflag:$0x2] =	stream.indirect.gather @p1 [hbm4b:s5+s8], $0x80, s10, s8, $0xb8;
	v1, _, _ =	vpop @p0 (xrf0);
	[tilespmem:$0x1E880] =	vst v63  }
0xa2: {  	p2 =	por p0, p0;
	p3 =	sgt.f32 @p1 s9, $0.0e+00;
	_ =	swait.ge @p1 [sflag:s0], $0x4000  }
0xa3: {  	(v2sf) =	vpush @p2 v1, $0xF  }
0xa4: {  	s9 =	sadd.s32 @p1 $0x5400, s7;
	p3 =	por !p3, !p1;
	[sflag:s0] =	ssyncset.done @p1 $0x0  }
0xa5: {  	s10 =	simm.s32 @!p3 $0x3;
	[sflag:s0] =	ssyncadd.s32 @p1 $0xFFFFC000;
	s0 =	simm.s32 @p1 $0xA880  }
0xa6: {  	[spmem:s3] =	stream.indirect.scatter.add.f32 @p1 [tilespmem:s0], [sflag:$0x3], $0x80, s9, s8, $0xb8;
	[tilespmem:$0x1E880] =	vst v63  }
0xa7: {  	s11 =	simm.s32 @!p3 $0xA880;
	_ =	swait.ge @!p3 [sflag:s10], $0x4000  }
0xa8: {  	s0 =	sshra.s32 @!p3 s29, $0x2;
	s9 =	simm.s32 @!p3 $0x80;
	[sflag:s10] =	ssyncset.done @!p3 $0x0  }
0xa9: {  	s0 =	sadd.s32 @!p3 $0x100, s0;
	[sflag:s10] =	ssyncadd.s32 @!p3 $0xFFFFC000;
	s10 =	simm.s32 @p1 $0x2  }
0xaa: {  	[tilespmem:s11], [sflag:$0x1] =	stream.indirect.gather @!p3 [hbm4b:s5+s9], $0x80, s0, s9, $0xb8;
	[tilespmem:$0x1E880] =	vst v63  }
0xab: {  	p3 =	seq.s32 @p2 s28, $0x0;
	_ =	swait.ge @p1 [sflag:s10], $0x4000  }
0xac: {  	p3 =	por p3, !p2;
	[sflag:s10] =	ssyncset.done @p1 $0x0  }
0xad: {  	s0 =	sadd.s32 @p1 $0x5480, s7;
	s7 =	simm.s32 @!p3 $0x4;
	[sflag:s10] =	ssyncadd.s32 @p1 $0xFFFFC000  }
0xae: {  	[spmem:s3] =	stream.indirect.scatter.add.f32 @p1 [tilespmem:s1], [sflag:$0x4], $0x80, s0, s8, $0xb8;
	[tilespmem:$0x1E880] =	vst v63  }
0xaf: {  	_ =	swait.ge @!p3 [sflag:s7], $0x4000  }
0xb0: {  	p1 =	por p2, p2;
	[sflag:s7] =	ssyncset.done @!p3 $0x0  }
0xb1: {  	s1 =	simm.s32 @p1 $0xE880;
	[sflag:s7] =	ssyncadd.s32 @!p3 $0xFFFFC000;
	s7 =	sshra.s32 @p1 s28, $0x2  }
0xb2: {  	s9 =	simm.s32 @p1 $0x80;
	s10 =	sadd.s32 @p1 $0x80, s7;
	s8 =	spop @p0 (v2sf)  }
0xb3: {  	[tilespmem:s1], [sflag:$0x2] =	stream.indirect.gather @p1 [hbm4b:s5+s9], $0x80, s10, s9, $0xb8;
	[tilespmem:$0x1E880] =	vst v63  }
0xb4: {  	s0 =	simm.s32 @p1 $0x1;
	p0 =	sgt.f32 @p1 s8, $0.0e+00  }
0xb5: {  	_ =	swait.ge @p1 [sflag:s0], $0x4000  }
0xb6: {  	s8 =	sadd.s32 @p1 $0x5400, s7;
	[sflag:s0] =	ssyncset.done @p1 $0x0;
	p0 =	por !p0, !p1  }
0xb7: {  	[sflag:s0] =	ssyncadd.s32 @p1 $0xFFFFC000;
	s0 =	simm.s32 @p1 $0xA880;
	s10 =	simm.s32 @!p0 $0x3  }
0xb8: {  	[spmem:s3] =	stream.indirect.scatter.add.f32 @p1 [tilespmem:s0], [sflag:$0x3], $0x80, s8, s9, $0xb8;
	[tilespmem:$0x1E880] =	vst v63  }
0xb9: {  	s0 =	sshra.s32 @!p0 s28, $0x2;
	_ =	swait.ge @!p0 [sflag:s10], $0x4000  }
0xba: {  	s8 =	simm.s32 @!p0 $0x80;
	s11 =	simm.s32 @!p0 $0xA880;
	[sflag:s10] =	ssyncset.done @!p0 $0x0  }
0xbb: {  	s0 =	sadd.s32 @!p0 $0x100, s0;
	[sflag:s10] =	ssyncadd.s32 @!p0 $0xFFFFC000;
	s10 =	simm.s32 @p1 $0x2  }
0xbc: {  	[tilespmem:s11], [sflag:$0x1] =	stream.indirect.gather @!p0 [hbm4b:s5+s8], $0x80, s0, s8, $0xb8;
	[tilespmem:$0x1E880] =	vst v63  }
0xbd: {  	_ =	swait.ge @p1 [sflag:s10], $0x4000  }
0xbe: {  	[sflag:s10] =	ssyncset.done @p1 $0x0  }
0xbf: {  	s0 =	sadd.s32 @p1 $0x5480, s7;
	[sflag:s10] =	ssyncadd.s32 @p1 $0xFFFFC000  }
0xc0: {  	[spmem:s3] =	stream.indirect.scatter.add.f32 @p1 [tilespmem:s1], [sflag:$0x4], $0x80, s0, s9, $0xb8;
	[tilespmem:$0x1E880] =	vst v63  }
0xc1: {  	_ =	swait.ge [sflag:s23], $0x4000  }
0xc2: {  	[sflag:s23] =	ssyncset.done $0x0  }
0xc3: {  	[sflag:s23] =	ssyncadd.s32 $0xFFFFC000  }
0xc4: {  	_ =	swait.ge [sflag:s24], $0x4000  }
0xc5: {  	[sflag:s24] =	ssyncset.done $0x0  }
0xc6: {  	[sflag:s24] =	ssyncadd.s32 $0xFFFFC000  }
0xc7: {  	[bflag:$0x0] =	sbarrier.arrive $0xFFFF  }
0xc8: {  	s30 =	rddreg [dreg:$0x7]  }
0xc9: {  	[hbm:s30], [sflag:s6] =	dma.local [spmem:s25], $0x1400  }
0xca: {  	_ =	swait.ge [sflag:s13], $0x1400  }
0xcb: {  	s26 =	sadd.s32 $0x1, s26;
	s31 =	rddreg [dreg:$0x8]  }
0xcc: {  	p0 =	sne.s32 s26, s31  }
.Ltmp1:
0xcd: {  	_ = 	snop;
	(pc) =	sbr.rel @p0 .LBB2_1-.Ltmp1, $3  }
0xce: {  	_ =	sdelay $0x1  }
0xcf: {  	[sflag:s13] =	ssyncset.done $0x0  }
0xd0: {  	[sflag:s13] =	ssyncadd.s32 $0xFFFFEC00  }
0xd1: {  	_ =	sfence.sel $0x180000  }
0xd2: {  	[bflag:$0x0] =	sbarrier.arrive $0xFFFF  }
0xd3: {  	_ =	strace $0x9000004A  }
0xd4: {  	s0 =	stileid.u32;
	[bflag:$0x2] =	sbarrier.arrive $0xFFFF  }
0xd5: {  	p0 =	sne.s32 s0, $0x0;
	s0 =	rddreg [dreg:$0x3]  }
0xd6: {  	s0 =	sadd.s32 @!p0 $0x100000, s0  }
0xd7: {  	[sflag:s0] =	ssyncadd.tile.s32 @!p0 $0x1;
	_ =	shalt  }
.Lfunc_end2:
_tile_overlayer_lowered:
.L_overlay_start_2:
0xd8: {  	(tag) =	ssettag $0x2  }
0xd9: {  	s0 =	rddreg [dreg:$0x0];
	s2 =	stileid.u32  }
0xda: {  	s1 =	rddreg [dreg:$0x1];
	p0 =	sne.s32 s2, $0x0  }
0xdb: {  	s3 =	rddreg [dreg:$0x2];
	[bflag:$0x3] =	sbarrier.arrive $0xFFFF;
	s2 =	simm.s32 @!p0 $0x1C05  }
0xdc: {  	[timem:s3], [sflag:s2] =	dma.local @!p0 [hbm:s0], s1  }
0xdd: {  	s0 =	simm.s32 @!p0 $0x5  }
0xde: {  	_ =	swait.ge @!p0 [sflag:s0], s1  }
0xdf: {  	s1 =	ssub.s32 @!p0 $0x0, s1;
	[sflag:s0] =	ssyncset.done @!p0 $0x0  }
0xe0: {  	[sflag:s0] =	ssyncadd.s32 @!p0 s1  }
0xe1: {  	[bflag:$0x3] =	sbarrier.arrive $0xFFFF  }
0xe2: {  	_ =	shalt  }

// kernel: kernel.16.cloned.1.call-start
scs
__scs_entry_jumppad:
0x0: {  	(pc) =	sbr.rel $0x88, $3  }
0x1: {  	(tag) =	ssettag $0x0;
	lr =	simm.s32 $0x1  }
0x2: {  	[smem:$0x3F91] =	sst lr;
	_ =	strace $0xD0000000  }
0x3: {  	_ = 	snop  }
0x4: {  	_ = 	snop  }
0x5: {  	_ = 	snop  }
0x6: {  	_ = 	snop  }
0x7: {  	_ = 	snop  }
__scs_overlays_trampoline_lowered:
0x8: {  	[smem:$0x3FA0] =	sst s0  }
0x9: {  	[smem:$0x3FA1] =	sst s1  }
0xa: {  	[smem:$0x3FA2] =	sst s2  }
0xb: {  	[smem:$0x3FA3] =	sst s3  }
0xc: {  	[smem:$0x3FA4] =	sst s4  }
0xd: {  	[smem:$0x3FA5] =	sst s5  }
0xe: {  	[smem:$0x3FA6] =	sst s6  }
0xf: {  	[smem:$0x3FA7] =	sst s7  }
0x10: {  	[smem:$0x3FA8] =	sst s8  }
0x11: {  	[smem:$0x3FA9] =	sst s9;
	s0 =	simm.s32 @!p0 $0x0  }
0x12: {  	s1 =	sld [smem:$0x3F8F];
	s0 =	simm.s32 @p0 $0x1  }
0x13: {  	[smem:$0x3FAA] =	sst s0;
	s0 =	simm.s32 @!p1 $0x0  }
0x14: {  	s2 =	sld [smem:$0x3F8E];
	s0 =	simm.s32 @p1 $0x1  }
0x15: {  	[smem:$0x3FAB] =	sst s0;
	s0 =	simm.s32 @!p2 $0x0  }
0x16: {  	s3 =	sld [smem:$0x3FDB];
	s0 =	simm.s32 @p2 $0x1  }
0x17: {  	s4 =	simm.s32 $0x1BF5;
	[smem:$0x3FAD] =	sst s0  }
0x18: {  	s0 =	sld [smem:$0x3F90];
	_ =	swait.ge [sflag:s4], $0x0  }
0x19: {  	s7 =	sld [smem:$0x3F91]  }
0x1a: {  	s8 =	sadd.s32 $0xFFFFE003, lr  }
0x1b: {  	s9 =	sadd.s32 $0xFFFFFEF7, lr;
	s5 =	simm.s32 $0xFFFFFFFF;
	p2 =	slt.u32 s8, $0xFFFFF086  }
0x1c: {  	p1 =	slt.u32 s9, $0xF7A;
	s5 =	simm.s32 @!p2 $0x0  }
0x1d: {  	s5 =	simm.s32 @p1 $0x1;
	p0 =	seq.s32 s7, s2  }
0x1e: {  	s7 =	smul.u32 @!p0 $0xF7A, s2;
	p2 =	seq.s32 @!p0 s5, $0x0  }
0x1f: {  	s9 =	smul.u32 $0xF7A, s1;
	s8 =	simm.s32 @!p0 $0x1BF5;
	p2 =	por !p2, p0  }
0x20: {  	[sflag:s8] =	ssyncset.s32 @!p0 $0xFFFFF086;
	s6 =	sadd.s32 @!p0 s3, s7;
	s7 =	simm.s32 @!p0 $0x108  }
0x21: {  	s3 =	sadd.s32 s3, s9;
	s6 =	sadd.s32 @!p0 $0x88, s6;
	s7 =	simm.s32 @p2 $0x1082  }
0x22: {  	[simem:s7], [sflag:s8] =	dma.local @!p0 [hbm:s6], $0xF7A  }
0x23: {  	s9 =	sor.u32 $0xD0000000, s2;
	s6 =	simm.s32 $0x108;
	_ =	swait.ge @!p0 [sflag:s8], $0x0  }
0x24: {  	s3 =	sadd.s32 $0x88, s3;
	s6 =	simm.s32 @!p1 $0x1082;
	[sflag:s4] =	ssyncset.s32 $0xFFFFF086  }
0x25: {  	[simem:s6], [sflag:s4] =	dma.local [hbm:s3], $0xF7A  }
0x26: {  	[smem:$0x3F91] =	sst s1;
	(tag) =	ssettag s2;
	_ =	strace s9  }
0x27: {  	s1 =	sld [smem:$0x3FA1]  }
0x28: {  	s2 =	sld [smem:$0x3FA2]  }
0x29: {  	s4 =	sld [smem:$0x3FA4]  }
0x2a: {  	p0 =	seq.s32 s5, $0x0;
	s5 =	sld [smem:$0x3FA5]  }
0x2b: {  	s6 =	sld [smem:$0x3FA6]  }
0x2c: {  	s7 =	sld [smem:$0x3FA7]  }
0x2d: {  	s3 =	simm.s32 $0x108;
	s8 =	sld [smem:$0x3FA8]  }
0x2e: {  	s3 =	simm.s32 @!p0 $0x1082;
	s9 =	sld [smem:$0x3FA9]  }
0x2f: {  	lr =	sadd.s32 s0, s3;
	s0 =	sld [smem:$0x3FA0]  }
0x30: {  	s3 =	sld [smem:$0x3FA3]  }
0x31: {  	[smem:$0x3FAC] =	sst s10  }
0x32: {  	s10 =	sld [smem:$0x3FAA];
	_ =	sdelay $0x3  }
0x33: {  	p0 =	seq.s32 s10, $0x1;
	s10 =	sld [smem:$0x3FAC];
	_ =	sdelay $0x3  }
0x34: {  	[smem:$0x3FAC] =	sst s10  }
0x35: {  	s10 =	sld [smem:$0x3FAB];
	_ =	sdelay $0x3  }
0x36: {  	p1 =	seq.s32 s10, $0x1;
	s10 =	sld [smem:$0x3FAC];
	_ =	sdelay $0x3  }
0x37: {  	[smem:$0x3FAC] =	sst s10  }
0x38: {  	s10 =	sld [smem:$0x3FAD]  }
0x39: {  	_ = 	snop;
	(pc) =	sbr.ind lr, $3  }
0x3a: {  	_ = 	snop  }
0x3b: {  	_ = 	snop  }
0x3c: {  	p2 =	seq.s32 s10, $0x1;
	s10 =	sld [smem:$0x3FAC]  }
0x3d: {  	_ =	shalt  }
0x3e: {  	_ =	shalt  }
0x3f: {  	_ =	shalt  }
0x40: {  	_ =	shalt  }
0x41: {  	_ =	shalt  }
0x42: {  	_ =	shalt  }
0x43: {  	_ =	shalt  }
0x44: {  	_ =	shalt  }
0x45: {  	_ =	shalt  }
0x46: {  	_ =	shalt  }
0x47: {  	_ =	shalt  }
0x48: {  	_ =	shalt  }
0x49: {  	_ =	shalt  }
0x4a: {  	_ =	shalt  }
0x4b: {  	_ =	shalt  }
0x4c: {  	_ =	shalt  }
0x4d: {  	_ =	shalt  }
0x4e: {  	_ =	shalt  }
0x4f: {  	_ =	shalt  }
0x50: {  	_ =	shalt  }
0x51: {  	_ =	shalt  }
0x52: {  	_ =	shalt  }
0x53: {  	_ =	shalt  }
0x54: {  	_ =	shalt  }
0x55: {  	_ =	shalt  }
0x56: {  	_ =	shalt  }
0x57: {  	_ =	shalt  }
0x58: {  	_ =	shalt  }
0x59: {  	_ =	shalt  }
0x5a: {  	_ =	shalt  }
0x5b: {  	_ =	shalt  }
0x5c: {  	_ =	shalt  }
0x5d: {  	_ =	shalt  }
0x5e: {  	_ =	shalt  }
0x5f: {  	_ =	shalt  }
0x60: {  	_ =	shalt  }
0x61: {  	_ =	shalt  }
0x62: {  	_ =	shalt  }
0x63: {  	_ =	shalt  }
0x64: {  	_ =	shalt  }
0x65: {  	_ =	shalt  }
0x66: {  	_ =	shalt  }
0x67: {  	_ =	shalt  }
0x68: {  	_ =	shalt  }
0x69: {  	_ =	shalt  }
0x6a: {  	_ =	shalt  }
0x6b: {  	_ =	shalt  }
0x6c: {  	_ =	shalt  }
0x6d: {  	_ =	shalt  }
0x6e: {  	_ =	shalt  }
0x6f: {  	_ =	shalt  }
0x70: {  	_ =	shalt  }
0x71: {  	_ =	shalt  }
0x72: {  	_ =	shalt  }
0x73: {  	_ =	shalt  }
0x74: {  	_ =	shalt  }
0x75: {  	_ =	shalt  }
0x76: {  	_ =	shalt  }
0x77: {  	_ =	shalt  }
0x78: {  	_ =	shalt  }
0x79: {  	_ =	shalt  }
0x7a: {  	_ =	shalt  }
0x7b: {  	_ =	shalt  }
0x7c: {  	_ =	shalt  }
0x7d: {  	_ =	shalt  }
0x7e: {  	_ =	shalt  }
0x7f: {  	_ =	shalt  }
0x80: {  	_ =	shalt  }
0x81: {  	_ =	shalt  }
0x82: {  	_ =	shalt  }
0x83: {  	_ =	shalt  }
0x84: {  	_ =	shalt  }
0x85: {  	_ =	shalt  }
0x86: {  	_ =	shalt  }
0x87: {  	_ =	shalt  }
.Lfunc_end0:
.L_simem_size_0:
called_computation.2_lowered:
.L_overlay_start_0:
0x88: {  	s2 =	sld [smem:$0x3FD9]  }
0x89: {  	s3 =	sld [smem:$0x3FFE];
	_ =	sdelay $0x1  }
0x8a: {  	s1 =	srdreg.scid  }
0x8b: {  	s0 =	sand.u32 $0x1, s1  }
0x8c: {  	s17 =	sshll.u32 s0, $0xA;
	s2 =	sadd.s32 s3, s2  }
0x8d: {  	s2 =	sadd.s32 s2, s17  }
0x8e: {  	[smem:$0x3FB8] =	sst s2  }
0x8f: {  	_ = 	snop  }
0x90: {  	s2 =	sld [smem:$0x3FD0];
	(tm) =	ssettm $0x1  }
0x91: {  	s18 =	sld [smem:$0x3FFB];
	_ =	sdelay $0x3  }
0x92: {  	_ =	strace s18  }
0x93: {  	s3 =	sld [smem:$0x3FFC];
	_ =	sdelay $0x3  }
0x94: {  	_ =	strace s3  }
0x95: {  	s3 =	sld [smem:$0x3FFD];
	_ =	sdelay $0x3  }
0x96: {  	_ =	strace s3  }
0x97: {  	_ =	strace $0x8FFFFFFF  }
0x98: {  	s19 =	sld [smem:$0x3FDB];
	_ =	sdelay $0x1  }
0x99: {  	s4 =	simm.s32 $_scs_section_size  }
0x9a: {  	s5 =	simm.s32 $_size__tile_overlayer_lowered;
	s6 =	simm.s32 $_tile_overlayer_lowered  }
0x9b: {  	s22 =	simm.s32 $0x1BFF;
	s21 =	sshll.u32 s6, $0x1;
	s3 =	sadd.s32 s4, s19  }
0x9c: {  	s7 =	simm.s32 $0x0;
	s20 =	sshll.u32 s5, $0x1;
	s5 =	sadd.s32 s21, s3  }
0x9d: {  	[timem:s7], [sflag:s22] =	dma.local [hbm:s5], s20  }
0x9e: {  	_ =	swait.ge [sflag:s22], s20  }
0x9f: {  	s4 =	ssub.s32 $0x0, s20;
	[sflag:s22] =	ssyncset.done $0x0  }
0xa0: {  	[sflag:s22] =	ssyncadd.s32 s4;
	_ =	sdelay $0x1  }
0xa1: {  	s23 =	simm.s32 $0x1B8B  }
0xa2: {  	_ =	swait.ge [sflag:s23], $0x1  }
0xa3: {  	[sflag:s23] =	ssyncset.done $0x0  }
0xa4: {  	s25 =	simm.s32 $0x1B8E;
	s24 =	sld [smem:$0x3FFE];
	[sflag:s23] =	ssyncadd.s32 $0xFFFFFFFF  }
0xa5: {  	s26 =	simm.s32 $execute0_lowered;
	[smem:$0x3FD2] =	sst s25  }
0xa6: {  	s5 =	sshll.u32 s26, $0x1;
	_ =	strace $0x8000004C;
	[dreg:$0x1] =	wrdreg $0xFFFFFFFF  }
0xa7: {  	s28 =	simm.s32 $_size_execute0_lowered;
	s3 =	sadd.s32 s3, s5;
	[dreg:$0x0] =	wrdreg $0x0  }
0xa8: {  	s5 =	sshll.u32 s28, $0x1;
	[dreg:$0x2] =	wrdreg s3  }
0xa9: {  	[dreg:$0x3] =	wrdreg s5  }
0xaa: {  	[dreg:$0x4] =	wrdreg $0xC0  }
0xab: {  	_ =	task [dreg:s7], $0x5FFFF  }
0xac: {  	[dreg:$0x1] =	wrdreg $0xFFFFFFFF  }
0xad: {  	[dreg:$0x0] =	wrdreg $0x60  }
0xae: {  	[dreg:$0x2] =	wrdreg s24  }
0xaf: {  	[dreg:$0x3] =	wrdreg s2  }
0xb0: {  	[dreg:$0x4] =	wrdreg $0x128800  }
0xb1: {  	[dreg:$0x5] =	wrdreg $0x9  }
0xb2: {  	_ =	task.clear_ibuf [dreg:s7], $0x6FFFF;
	_ =	strace $0x9000004C  }
0xb3: {  	s29 =	simm.s32 $0x9;
	_ =	strace $0x8000004E  }
0xb4: {  	_ =	swait.ge [sflag:s29], $0x1  }
0xb5: {  	[sflag:s29] =	ssyncadd.s32 $0xFFFFFFFF  }
0xb6: {  	_ =	strace $0x9000004E  }
0xb7: {  	_ =	sfence  }
0xb8: {  	s30 =	sld [smem:$0x0];
	_ =	sdelay $0x2  }
0xb9: {  	s31 =	sshll.u32 s1, $0xD;
	s1 =	sshrl.u32 s1, $0x2  }
0xba: {  	s3 =	sand.u32 $0x4000, s31;
	s1 =	sadd.s32 s1, s30  }
0xbb: {  	s0 =	sor.u32 s3, s0;
	s1 =	sshll.u32 s1, $0x11  }
0xbc: {  	s0 =	sor.u32 s1, s0  }
0xbd: {  	s0 =	sadd.s32 $0x8F2B, s0  }
0xbe: {  	[sflag:s0] =	ssyncadd.remote.s32 $0x1  }
0xbf: {  	_ =	sfence.sel $0xFFFF  }
0xc0: {  	[dreg:$0x0] =	wrdreg $0xFFFFFFFF;
	(pc) =	sbr.abs _section_cstart, $3  }
0xc1: {  	[dreg:$0x1] =	wrdreg $0xFFFFFFFF  }
0xc2: {  	_ =	task.clear_ibuf [dreg:s7], $0x2FFFF;
	_ =	strace $0x9FFFFFFF  }
0xc3: {  	(tm) =	ssettm $0x7FFFFFFF  }
tec
execute0_lowered:
.L_overlay_start_1:
0x0: {  	(tag) =	ssettag $0x1  }
0x1: {  	s0 =	rddreg [dreg:$0x0]  }
0x2: {  	s1 =	srdreg.scid;
	s13 =	stileid.u32  }
0x3: {  	s2 =	rddreg [dreg:$0x1];
	s6 =	smul.u32 $0x5400, s13  }
0x4: {  	s3 =	rddreg [dreg:$0x2];
	s8 =	smul.u32 $0xA000, s13  }
0x5: {  	s4 =	simm.s32 $0x0;
	s1 =	sand.u32 $0x1, s1;
	s10 =	smul.u32 $0x30000, s13  }
0x6: {  	[smem:$0x7FF] =	sst s4;
	s9 =	sshll.u32 s13, $0x4;
	s24 =	smul.u32 $0x28000, s13  }
0x7: {  	s23 =	sshll.u32 s13, $0x6;
	s13 =	simm.s32 $0x5;
	s5 =	smul.u32 $0x54000, s1  }
0x8: {  	s20 =	smul.u32 $0xA0000, s1;
	_ =	strace $0x8000004D;
	s21 =	ssub.s32 $0x2, s1  }
0x9: {  	s9 =	sadd.s32 s9, s0;
	s1 =	sshll.u32 s1, $0x8;
	s11 =	sshrl.u32 s21, $0x1  }
0xa: {  	s22 =	sshrl.u32 s10, $0x2;
	s1 =	sadd.s32 s1, s9;
	s26 =	sshrl.u32 s24, $0x2  }
0xb: {  	s24 =	simm.s32 $0x4;
	s5 =	sadd.s32 s6, s5;
	s6 =	sadd.s32 s8, s20  }
0xc: {  	s11 =	ssub.s32 s21, s11;
	s12 =	sadd.s32 s22, s3;
	s1 =	sadd.s32 $0x93C00, s1  }
0xd: {  	s28 =	sadd.s32 s26, s3;
	s26 =	simm.s32 $0x0;
	s7 =	sshrl.u32 s5, $0x3  }
0xe: {  	s5 =	sadd.s32 $0x2DE00, s0;
	s6 =	sshrl.u32 s6, $0x3;
	[dreg:$0x6] =	wrdreg s1  }
0xf: {  	s29 =	smax.u32 s11, $0x1;
	s30 =	sadd.s32 $0x2000, s12;
	s31 =	sadd.s32 $0x4000, s12  }
0x10: {  	s16 =	sadd.s32 $0x6000, s12;
	s17 =	sadd.s32 $0x8000, s12;
	s18 =	sadd.s32 $0xA000, s12  }
0x11: {  	s12 =	sshrl.u32 s12, $0x3;
	s7 =	sadd.s32 s7, s0;
	s0 =	sadd.s32 s6, s0  }
0x12: {  	s6 =	sor.u32 $0x1C05, s23;
	[dreg:$0x8] =	wrdreg s29;
	s14 =	sshrl.u32 s30, $0x3  }
0x13: {  	s15 =	sshrl.u32 s31, $0x3;
	s16 =	sshrl.u32 s16, $0x3;
	s25 =	sadd.s32 $0x3E00, s7  }
0x14: {  	s17 =	sshrl.u32 s17, $0x3;
	s7 =	sadd.s32 $0x18E00, s7;
	[dreg:$0x4] =	wrdreg s25  }
0x15: {  	s18 =	sshrl.u32 s18, $0x3;
	s0 =	sadd.s32 $0x55E00, s0;
	[dreg:$0x5] =	wrdreg s7  }
0x16: {  	v0 =	vimm.f32 $0.0e+00;
	s23 =	simm.s32 $0x3;
	[dreg:$0x7] =	wrdreg s0;
	s25 =	sshrl.u32 s28, $0x3  }
.LBB2_1:
0x17: {  	[spmem:s12], [sflag:s6] =	dma.local [hbm:s2], $0x400  }
0x18: {  	_ =	swait.ge [sflag:s13], $0x400  }
0x19: {  	[sflag:s13] =	ssyncset.done $0x0  }
0x1a: {  	[sflag:s13] =	ssyncadd.s32 $0xFFFFFC00  }
0x1b: {  	[spmem:s14], [sflag:s6] =	dma.local [hbm:s2], $0x400  }
0x1c: {  	_ =	swait.ge [sflag:s13], $0x400  }
0x1d: {  	[sflag:s13] =	ssyncset.done $0x0  }
0x1e: {  	[sflag:s13] =	ssyncadd.s32 $0xFFFFFC00  }
0x1f: {  	[spmem:s15], [sflag:s6] =	dma.local [hbm:s2], $0x400  }
0x20: {  	_ =	swait.ge [sflag:s13], $0x400  }
0x21: {  	[sflag:s13] =	ssyncset.done $0x0  }
0x22: {  	[sflag:s13] =	ssyncadd.s32 $0xFFFFFC00  }
0x23: {  	[spmem:s16], [sflag:s6] =	dma.local [hbm:s2], $0x400  }
0x24: {  	_ =	swait.ge [sflag:s13], $0x400  }
0x25: {  	[sflag:s13] =	ssyncset.done $0x0  }
0x26: {  	[sflag:s13] =	ssyncadd.s32 $0xFFFFFC00  }
0x27: {  	[spmem:s17], [sflag:s6] =	dma.local [hbm:s2], $0x400  }
0x28: {  	_ =	swait.ge [sflag:s13], $0x400  }
0x29: {  	[sflag:s13] =	ssyncset.done $0x0  }
0x2a: {  	[sflag:s13] =	ssyncadd.s32 $0xFFFFFC00  }
0x2b: {  	[spmem:s18], [sflag:s6] =	dma.local [hbm:s2], $0x400  }
0x2c: {  	_ =	swait.ge [sflag:s13], $0x400  }
0x2d: {  	[sflag:s13] =	ssyncset.done $0x0  }
0x2e: {  	s0 =	rddreg [dreg:$0x4];
	[sflag:s13] =	ssyncadd.s32 $0xFFFFFC00  }
0x2f: {  	[tilespmem:s4], [sflag:$0x5] =	stream.linear.gather [hbm4b:s0+s4], $0x5100, $0x38;
	[tilespmem:$0x1E880] =	vst v63  }
0x30: {  	_ =	swait.ge [sflag:s13], $0x5100  }
0x31: {  	[sflag:s13] =	ssyncset.done $0x0  }
0x32: {  	s1 =	simm.s32 $0x5400;
	s7 =	rddreg [dreg:$0x5];
	[sflag:s13] =	ssyncadd.s32 $0xFFFFAF00  }
0x33: {  	[tilespmem:s1], [sflag:$0x5] =	stream.linear.gather [hbm4b:s7+s4], $0x5100, $0x38;
	[tilespmem:$0x1E880] =	vst v63  }
0x34: {  	_ =	swait.ge [sflag:s13], $0x5100  }
0x35: {  	[sflag:s13] =	ssyncset.done $0x0  }
0x36: {  	s9 =	simm.s32 $0xA800;
	s8 =	rddreg [dreg:$0x6];
	[sflag:s13] =	ssyncadd.s32 $0xFFFFAF00  }
0x37: {  	[tilespmem:s9], [sflag:$0x5] =	stream.linear.gather [hbm4b:s8+s4], $0x80, $0x38;
	[tilespmem:$0x1E880] =	vst v63  }
0x38: {  	_ =	swait.ge [sflag:s13], $0x80  }
0x39: {  	[sflag:s13] =	ssyncset.done $0x0  }
0x3a: {  	[sflag:s13] =	ssyncadd.s32 $0xFFFFFF80  }
0x3b: {  	v1 =	vld [tilespmem:$0xA800];
	_ =	sdelay $0x3  }
0x3c: {  	v2 =	vmov s4  }
0x3d: {  	vm0 =	vlt.s32 v2, v1  }
0x3e: {  	[bflag:$0x0] =	sbarrier.arrive $0xFFFF;
	v2 =	vsel vm0, $0x3F800000, v0  }
0x3f: {  	(xrf0) =	vmax.scan.msk.f32 $0xffff, v2;
	_ =	sdelay $0x5  }
0x40: {  	v2, _, _ =	vpop (xrf0)  }
0x41: {  	(v2sf) =	vpush v2, $0xF;
	_ =	sdelay $0x5  }
0x42: {  	s10 =	simm.s32 $0x2  }
0x43: {  	v2 =	vmov s10  }
0x44: {  	vm13 =	vlt.s32 v2, v1  }
0x45: {  	v2 =	vsel vm13, $0x3F800000, v0  }
0x46: {  	(xrf0) =	vmax.scan.msk.f32 $0xffff, v2;
	_ =	sdelay $0x4  }
0x47: {  	s11 =	spop (v2sf)  }
0x48: {  	v2, _, _ =	vpop (xrf0);
	p2 =	sgt.f32 s11, $0.0e+00  }
0x49: {  	(v2sf) =	vpush v2, $0xF  }
0x4a: {  	s0 =	simm.s32 @p2 $0x2  }
0x4b: {  	v2 =	vmov @p2 s0  }
0x4c: {  	vm0 =	vlt.s32 @p2 v2, v1;
	v2 =	vimm.f32 @p2 $0.0e+00  }
0x4d: {  	v2 =	vsel @p2 vm0, $0x3F800000, v2  }
0x4e: {  	(xrf0) =	vmax.scan.msk.f32 @p2 $0xffff, v2;
	_ =	sdelay $0x5  }
0x4f: {  	s31 =	simm.s32 $0x4;
	p1 =	por p2, p2;
	v2, _, _ =	vpop @p2 (xrf0)  }
0x50: {  	(v2sf) =	vpush @p1 v2, $0xF;
	v2 =	vmov s31  }
0x51: {  	vm14 =	vlt.s32 v2, v1  }
0x52: {  	v2 =	vsel vm14, $0x3F800000, v0  }
0x53: {  	s19 =	spop (v2sf);
	(xrf0) =	vmax.scan.msk.f32 $0xffff, v2  }
0x54: {  	p0 =	sgt.f32 s19, $0.0e+00;
	_ =	sdelay $0x1  }
0x55: {  	s20 =	simm.s32 $0x80;
	s21 =	simm.s32 $0xA880;
	s0 =	simm.s32 @p0 $0x4  }
0x56: {  	[tilespmem:s21], [sflag:$0x1] =	stream.indirect.gather [hbm4b:s5+s20], $0x80, s4, s20, $0xb8;
	v2 =	vmov @p0 s0;
	[tilespmem:$0x1E880] =	vst v63  }
0x57: {  	p3 =	por @p1 $0x1, $0x1;
	vm0 =	vlt.s32 @p0 v2, v1;
	v2 =	vimm.f32 @p0 $0.0e+00  }
0x58: {  	p3 =	por p3, !p1;
	v2 =	vsel @p0 vm0, $0x3F800000, v2;
	v3, _, _ =	vpop (xrf0)  }
0x59: {  	s0 =	simm.s32 @!p3 $0x4;
	(xrf0) =	vmax.scan.msk.f32 @p0 $0xffff, v2;
	(v2sf) =	vpush v3, $0xF  }
0x5a: {  	p1 =	por p1, p1;
	_ =	swait.ge @!p3 [sflag:s0], $0x4000  }
0x5b: {  	s19 =	simm.s32 @p1 $0x80;
	[sflag:s0] =	ssyncset.done @!p3 $0x0  }
0x5c: {  	s20 =	simm.s32 @p1 $0x80;
	[sflag:s0] =	ssyncadd.s32 @!p3 $0xFFFFC000;
	s0 =	simm.s32 @p1 $0xE880  }
0x5d: {  	[tilespmem:s0], [sflag:$0x2] =	stream.indirect.gather @p1 [hbm4b:s5+s19], $0x80, s20, s19, $0xb8;
	[tilespmem:$0x1E880] =	vst v63  }
0x5e: {  	s30 =	simm.s32 $0x6;
	s7 =	spop @p2 (v2sf)  }
0x5f: {  	s1 =	simm.s32 @p1 $0x1;
	v2 =	vmov s30;
	v3, _, _ =	vpop @p0 (xrf0);
	p3 =	sgt.f32 @p1 s7, $0.0e+00  }
0x60: {  	vm15 =	vlt.s32 v2, v1;
	p2 =	por p0, p0;
	_ =	swait.ge @p1 [sflag:s1], $0x4000  }
0x61: {  	v2 =	vsel vm15, $0x3F800000, v0;
	s7 =	simm.s32 @p1 $0x5400;
	[sflag:s1] =	ssyncset.done @p1 $0x0;
	p3 =	por !p3, !p1  }
0x62: {  	(xrf0) =	vmax.scan.msk.f32 $0xffff, v2;
	[sflag:s1] =	ssyncadd.s32 @p1 $0xFFFFC000;
	s1 =	simm.s32 @p1 $0xA880;
	s20 =	simm.s32 @!p3 $0x3  }
0x63: {  	(v2sf) =	vpush @p2 v3, $0xF;
	[spmem:s3] =	stream.indirect.scatter.add.f32 @p1 [tilespmem:s1], [sflag:$0x3], $0x80, s7, s19, $0xb8;
	[tilespmem:$0x1E880] =	vst v63  }
0x64: {  	_ =	swait.ge @!p3 [sflag:s20], $0x4000  }
0x65: {  	s7 =	simm.s32 @!p3 $0x100;
	[sflag:s20] =	ssyncset.done @!p3 $0x0  }
0x66: {  	s21 =	simm.s32 @!p3 $0x80;
	[sflag:s20] =	ssyncadd.s32 @!p3 $0xFFFFC000;
	s20 =	simm.s32 @!p3 $0xA880  }
0x67: {  	[tilespmem:s20], [sflag:$0x1] =	stream.indirect.gather @!p3 [hbm4b:s5+s21], $0x80, s7, s21, $0xb8;
	[tilespmem:$0x1E880] =	vst v63  }
0x68: {  	s29 =	simm.s32 $0x800;
	s28 =	simm.s32 $0xC00;
	s22 =	spop (v2sf)  }
0x69: {  	p6 =	por @p2 $0x0, $0x0;
	s1 =	simm.s32 $0x400;
	p3 =	sgt.f32 s22, $0.0e+00  }
0x6a: {  	s20 =	simm.s32 $0x1000;
	s21 =	simm.s32 @p1 $0x5480;
	s7 =	simm.s32 @p1 $0x2  }
.LBB2_2:
0x6b: {  	p5 =	por p0, p0;
	p0 =	por p3, p3  }
0x6c: {  	s8 =	sadd.s32 @p3 $0x2, s31;
	p3 =	por p6, !p2;
	v2, _, _ =	vpop (xrf0)  }
0x6d: {  	s22 =	smov.u32 s20;
	s31 =	smov.u32 s30;
	_ =	swait.ge @p1 [sflag:s7], $0x4000  }
0x6e: {  	s20 =	sadd.s32 $0x400, s20;
	(v2sf) =	vpush v2, $0xF;
	v2 =	vmov @p0 s8;
	s8 =	simm.s32 @!p3 $0x4;
	[sflag:s7] =	ssyncset.done @p1 $0x0  }
0x6f: {  	p4 =	sne.s32 s20, $0x14000;
	vm0 =	vlt.s32 @p0 v2, v1;
	v2 =	vimm.f32 @p0 $0.0e+00;
	[sflag:s7] =	ssyncadd.s32 @p1 $0xFFFFC000  }
0x70: {  	v2 =	vsel @p0 vm0, $0x3F800000, v2;
	[spmem:s3] =	stream.indirect.scatter.add.f32 @p1 [tilespmem:s0], [sflag:$0x4], $0x80, s21, s19, $0xb8;
	[tilespmem:$0x1E880] =	vst v63  }
0x71: {  	(xrf0) =	vmax.scan.msk.f32 @p0 $0xffff, v2  }
0x72: {  	p1 =	por p2, p2;
	p2 =	por p0, p0;
	_ =	swait.ge @!p3 [sflag:s8], $0x4000  }
0x73: {  	s7 =	simm.s32 @p1 $0x1;
	[sflag:s8] =	ssyncset.done @!p3 $0x0  }
0x74: {  	s30 =	sadd.s32 $0x2, s30;
	s0 =	simm.s32 @p1 $0xE880;
	[sflag:s8] =	ssyncadd.s32 @!p3 $0xFFFFC000  }
0x75: {  	s19 =	simm.s32 @p1 $0x80;
	s8 =	sshra.s32 @p1 s1, $0x2;
	s21 =	spop @p5 (v2sf)  }
0x76: {  	s9 =	sadd.s32 @p1 $0x80, s8;
	p3 =	sgt.f32 @p1 s21, $0.0e+00;
	s21 =	sadd.s32 @p1 $0x5480, s8  }
0x77: {  	[tilespmem:s0], [sflag:$0x2] =	stream.indirect.gather @p1 [hbm4b:s5+s19], $0x80, s9, s19, $0xb8;
	[tilespmem:$0x1E880] =	vst v63  }
0x78: {  	v3, _, _ =	vpop @p0 (xrf0)  }
0x79: {  	v2 =	vmov s30;
	s8 =	sadd.s32 @p1 $0x5400, s8;
	p5 =	por !p3, !p1;
	_ =	swait.ge @p1 [sflag:s7], $0x4000  }
0x7a: {  	vm0 =	vlt.s32 v2, v1;
	s9 =	simm.s32 @!p5 $0x3;
	s1 =	sshra.s32 @!p5 s1, $0x2;
	(v2sf) =	vpush @p2 v3, $0xF;
	[sflag:s7] =	ssyncset.done @p1 $0x0  }
0x7b: {  	v2 =	vsel vm0, $0x3F800000, v0;
	s10 =	sadd.s32 @!p5 $0x100, s1;
	[sflag:s7] =	ssyncadd.s32 @p1 $0xFFFFC000;
	s7 =	simm.s32 @p1 $0xA880  }
0x7c: {  	s11 =	simm.s32 @!p5 $0xA880;
	(xrf0) =	vmax.scan.msk.f32 $0xffff, v2  }
0x7d: {  	[spmem:s3] =	stream.indirect.scatter.add.f32 @p1 [tilespmem:s7], [sflag:$0x3], $0x80, s8, s19, $0xb8;
	[tilespmem:$0x1E880] =	vst v63  }
.Ltmp0:
0x7e: {  	s8 =	simm.s32 @!p5 $0x80;
	_ =	swait.ge @!p5 [sflag:s9], $0x4000;
	(pc) =	sbr.rel @p4 .LBB2_2-.Ltmp0, $4  }
0x7f: {  	s1 =	smov.u32 s29;
	s29 =	smov.u32 s28;
	[sflag:s9] =	ssyncset.done @!p5 $0x0  }
0x80: {  	s28 =	smov.u32 s22;
	s7 =	spop (v2sf);
	[sflag:s9] =	ssyncadd.s32 @!p5 $0xFFFFC000  }
0x81: {  	p6 =	seq.s32 @p2 s1, $0x0;
	p3 =	sgt.f32 s7, $0.0e+00;
	s7 =	simm.s32 @p1 $0x2  }
0x82: {  	[tilespmem:s11], [sflag:$0x1] =	stream.indirect.gather @!p5 [hbm4b:s5+s8], $0x80, s10, s8, $0xb8;
	[tilespmem:$0x1E880] =	vst v63  }
0x83: {  	v2, _, _ =	vpop (xrf0)  }
0x84: {  	s8 =	sadd.s32 @p3 $0x2, s31;
	_ =	swait.ge @p1 [sflag:s7], $0x4000  }
0x85: {  	(v2sf) =	vpush v2, $0xF;
	v2 =	vmov @p3 s8;
	[sflag:s7] =	ssyncset.done @p1 $0x0  }
0x86: {  	vm0 =	vlt.s32 @p3 v2, v1;
	v2 =	vimm.f32 @p3 $0.0e+00;
	[sflag:s7] =	ssyncadd.s32 @p1 $0xFFFFC000  }
0x87: {  	v2 =	vsel @p3 vm0, $0x3F800000, v2;
	[spmem:s3] =	stream.indirect.scatter.add.f32 @p1 [tilespmem:s0], [sflag:$0x4], $0x80, s21, s19, $0xb8;
	[tilespmem:$0x1E880] =	vst v63  }
0x88: {  	(xrf0) =	vmax.scan.msk.f32 @p3 $0xffff, v2  }
0x89: {  	p4 =	por p6, !p2;
	p1 =	por p2, p2  }
0x8a: {  	s0 =	simm.s32 @!p4 $0x4;
	s7 =	simm.s32 @p1 $0x1  }
0x8b: {  	s8 =	sshra.s32 @p1 s1, $0x2;
	s10 =	simm.s32 @p1 $0x80;
	_ =	swait.ge @!p4 [sflag:s0], $0x4000  }
0x8c: {  	s11 =	sadd.s32 @p1 $0x80, s8;
	[sflag:s0] =	ssyncset.done @!p4 $0x0;
	s9 =	spop @p0 (v2sf)  }
0x8d: {  	[sflag:s0] =	ssyncadd.s32 @!p4 $0xFFFFC000;
	s0 =	simm.s32 @p1 $0xE880;
	p0 =	sgt.f32 @p1 s9, $0.0e+00  }
0x8e: {  	[tilespmem:s0], [sflag:$0x2] =	stream.indirect.gather @p1 [hbm4b:s5+s10], $0x80, s11, s10, $0xb8;
	v2, _, _ =	vpop @p3 (xrf0);
	[tilespmem:$0x1E880] =	vst v63  }
0x8f: {  	p2 =	por p3, p3;
	_ =	swait.ge @p1 [sflag:s7], $0x4000  }
0x90: {  	s9 =	sadd.s32 @p1 $0x5400, s8;
	p4 =	por !p0, !p1;
	[sflag:s7] =	ssyncset.done @p1 $0x0  }
0x91: {  	s11 =	simm.s32 @!p4 $0x3;
	(v2sf) =	vpush @p2 v2, $0xF;
	[sflag:s7] =	ssyncadd.s32 @p1 $0xFFFFC000;
	s7 =	simm.s32 @p1 $0xA880  }
0x92: {  	[spmem:s3] =	stream.indirect.scatter.add.f32 @p1 [tilespmem:s7], [sflag:$0x3], $0x80, s9, s10, $0xb8;
	[tilespmem:$0x1E880] =	vst v63  }
0x93: {  	_ =	swait.ge @!p4 [sflag:s11], $0x4000  }
0x94: {  	s1 =	sshra.s32 @!p4 s1, $0x2;
	s22 =	spop (v2sf)  }
0x95: {  	s1 =	sadd.s32 @!p4 $0x100, s1;
	p0 =	sgt.f32 s22, $0.0e+00  }
0x96: {  	s7 =	simm.s32 @!p4 $0x80;
	s9 =	simm.s32 @!p4 $0xA880;
	[sflag:s11] =	ssyncset.done @!p4 $0x0  }
0x97: {  	[sflag:s11] =	ssyncadd.s32 @!p4 $0xFFFFC000;
	s11 =	simm.s32 @p1 $0x2;
	s19 =	sadd.s32 @p0 $0x2, s30  }
0x98: {  	[tilespmem:s9], [sflag:$0x1] =	stream.indirect.gather @!p4 [hbm4b:s5+s7], $0x80, s1, s7, $0xb8;
	v2 =	vmov @p0 s19;
	[tilespmem:$0x1E880] =	vst v63  }
0x99: {  	p4 =	seq.s32 @p2 s29, $0x0;
	_ =	swait.ge @p1 [sflag:s11], $0x4000;
	vm0 =	vlt.s32 @p0 v2, v1;
	v1 =	vimm.f32 @p0 $0.0e+00  }
0x9a: {  	p4 =	por p4, !p2;
	[sflag:s11] =	ssyncset.done @p1 $0x0;
	v1 =	vsel @p0 vm0, $0x3F800000, v1  }
0x9b: {  	s1 =	sadd.s32 @p1 $0x5480, s8;
	s7 =	simm.s32 @!p4 $0x4;
	[sflag:s11] =	ssyncadd.s32 @p1 $0xFFFFC000;
	(xrf0) =	vmax.scan.msk.f32 @p0 $0xffff, v1  }
0x9c: {  	[spmem:s3] =	stream.indirect.scatter.add.f32 @p1 [tilespmem:s0], [sflag:$0x4], $0x80, s1, s10, $0xb8;
	[tilespmem:$0x1E880] =	vst v63  }
0x9d: {  	p1 =	por p2, p2;
	_ =	swait.ge @!p4 [sflag:s7], $0x4000  }
0x9e: {  	s0 =	simm.s32 @p1 $0x1;
	[sflag:s7] =	ssyncset.done @!p4 $0x0  }
0x9f: {  	s1 =	simm.s32 @p1 $0xE880;
	[sflag:s7] =	ssyncadd.s32 @!p4 $0xFFFFC000;
	s7 =	sshra.s32 @p1 s29, $0x2  }
0xa0: {  	s8 =	simm.s32 @p1 $0x80;
	s9 =	spop @p3 (v2sf);
	s10 =	sadd.s32 @p1 $0x80, s7  }
0xa1: {  	[tilespmem:s1], [sflag:$0x2] =	stream.indirect.gather @p1 [hbm4b:s5+s8], $0x80, s10, s8, $0xb8;
	v1, _, _ =	vpop @p0 (xrf0);
	[tilespmem:$0x1E880] =	vst v63  }
0xa2: {  	p2 =	por p0, p0;
	p3 =	sgt.f32 @p1 s9, $0.0e+00;
	_ =	swait.ge @p1 [sflag:s0], $0x4000  }
0xa3: {  	(v2sf) =	vpush @p2 v1, $0xF  }
0xa4: {  	s9 =	sadd.s32 @p1 $0x5400, s7;
	p3 =	por !p3, !p1;
	[sflag:s0] =	ssyncset.done @p1 $0x0  }
0xa5: {  	s10 =	simm.s32 @!p3 $0x3;
	[sflag:s0] =	ssyncadd.s32 @p1 $0xFFFFC000;
	s0 =	simm.s32 @p1 $0xA880  }
0xa6: {  	[spmem:s3] =	stream.indirect.scatter.add.f32 @p1 [tilespmem:s0], [sflag:$0x3], $0x80, s9, s8, $0xb8;
	[tilespmem:$0x1E880] =	vst v63  }
0xa7: {  	s11 =	simm.s32 @!p3 $0xA880;
	_ =	swait.ge @!p3 [sflag:s10], $0x4000  }
0xa8: {  	s0 =	sshra.s32 @!p3 s29, $0x2;
	s9 =	simm.s32 @!p3 $0x80;
	[sflag:s10] =	ssyncset.done @!p3 $0x0  }
0xa9: {  	s0 =	sadd.s32 @!p3 $0x100, s0;
	[sflag:s10] =	ssyncadd.s32 @!p3 $0xFFFFC000;
	s10 =	simm.s32 @p1 $0x2  }
0xaa: {  	[tilespmem:s11], [sflag:$0x1] =	stream.indirect.gather @!p3 [hbm4b:s5+s9], $0x80, s0, s9, $0xb8;
	[tilespmem:$0x1E880] =	vst v63  }
0xab: {  	p3 =	seq.s32 @p2 s28, $0x0;
	_ =	swait.ge @p1 [sflag:s10], $0x4000  }
0xac: {  	p3 =	por p3, !p2;
	[sflag:s10] =	ssyncset.done @p1 $0x0  }
0xad: {  	s0 =	sadd.s32 @p1 $0x5480, s7;
	s7 =	simm.s32 @!p3 $0x4;
	[sflag:s10] =	ssyncadd.s32 @p1 $0xFFFFC000  }
0xae: {  	[spmem:s3] =	stream.indirect.scatter.add.f32 @p1 [tilespmem:s1], [sflag:$0x4], $0x80, s0, s8, $0xb8;
	[tilespmem:$0x1E880] =	vst v63  }
0xaf: {  	_ =	swait.ge @!p3 [sflag:s7], $0x4000  }
0xb0: {  	p1 =	por p2, p2;
	[sflag:s7] =	ssyncset.done @!p3 $0x0  }
0xb1: {  	s1 =	simm.s32 @p1 $0xE880;
	[sflag:s7] =	ssyncadd.s32 @!p3 $0xFFFFC000;
	s7 =	sshra.s32 @p1 s28, $0x2  }
0xb2: {  	s9 =	simm.s32 @p1 $0x80;
	s10 =	sadd.s32 @p1 $0x80, s7;
	s8 =	spop @p0 (v2sf)  }
0xb3: {  	[tilespmem:s1], [sflag:$0x2] =	stream.indirect.gather @p1 [hbm4b:s5+s9], $0x80, s10, s9, $0xb8;
	[tilespmem:$0x1E880] =	vst v63  }
0xb4: {  	s0 =	simm.s32 @p1 $0x1;
	p0 =	sgt.f32 @p1 s8, $0.0e+00  }
0xb5: {  	_ =	swait.ge @p1 [sflag:s0], $0x4000  }
0xb6: {  	s8 =	sadd.s32 @p1 $0x5400, s7;
	[sflag:s0] =	ssyncset.done @p1 $0x0;
	p0 =	por !p0, !p1  }
0xb7: {  	[sflag:s0] =	ssyncadd.s32 @p1 $0xFFFFC000;
	s0 =	simm.s32 @p1 $0xA880;
	s10 =	simm.s32 @!p0 $0x3  }
0xb8: {  	[spmem:s3] =	stream.indirect.scatter.add.f32 @p1 [tilespmem:s0], [sflag:$0x3], $0x80, s8, s9, $0xb8;
	[tilespmem:$0x1E880] =	vst v63  }
0xb9: {  	s0 =	sshra.s32 @!p0 s28, $0x2;
	_ =	swait.ge @!p0 [sflag:s10], $0x4000  }
0xba: {  	s8 =	simm.s32 @!p0 $0x80;
	s11 =	simm.s32 @!p0 $0xA880;
	[sflag:s10] =	ssyncset.done @!p0 $0x0  }
0xbb: {  	s0 =	sadd.s32 @!p0 $0x100, s0;
	[sflag:s10] =	ssyncadd.s32 @!p0 $0xFFFFC000;
	s10 =	simm.s32 @p1 $0x2  }
0xbc: {  	[tilespmem:s11], [sflag:$0x1] =	stream.indirect.gather @!p0 [hbm4b:s5+s8], $0x80, s0, s8, $0xb8;
	[tilespmem:$0x1E880] =	vst v63  }
0xbd: {  	_ =	swait.ge @p1 [sflag:s10], $0x4000  }
0xbe: {  	[sflag:s10] =	ssyncset.done @p1 $0x0  }
0xbf: {  	s0 =	sadd.s32 @p1 $0x5480, s7;
	[sflag:s10] =	ssyncadd.s32 @p1 $0xFFFFC000  }
0xc0: {  	[spmem:s3] =	stream.indirect.scatter.add.f32 @p1 [tilespmem:s1], [sflag:$0x4], $0x80, s0, s9, $0xb8;
	[tilespmem:$0x1E880] =	vst v63  }
0xc1: {  	_ =	swait.ge [sflag:s23], $0x4000  }
0xc2: {  	[sflag:s23] =	ssyncset.done $0x0  }
0xc3: {  	[sflag:s23] =	ssyncadd.s32 $0xFFFFC000  }
0xc4: {  	_ =	swait.ge [sflag:s24], $0x4000  }
0xc5: {  	[sflag:s24] =	ssyncset.done $0x0  }
0xc6: {  	[sflag:s24] =	ssyncadd.s32 $0xFFFFC000  }
0xc7: {  	[bflag:$0x0] =	sbarrier.arrive $0xFFFF  }
0xc8: {  	s30 =	rddreg [dreg:$0x7]  }
0xc9: {  	[hbm:s30], [sflag:s6] =	dma.local [spmem:s25], $0x1400  }
0xca: {  	_ =	swait.ge [sflag:s13], $0x1400  }
0xcb: {  	s26 =	sadd.s32 $0x1, s26;
	s31 =	rddreg [dreg:$0x8]  }
0xcc: {  	p0 =	sne.s32 s26, s31  }
.Ltmp1:
0xcd: {  	_ = 	snop;
	(pc) =	sbr.rel @p0 .LBB2_1-.Ltmp1, $3  }
0xce: {  	_ =	sdelay $0x1  }
0xcf: {  	[sflag:s13] =	ssyncset.done $0x0  }
0xd0: {  	[sflag:s13] =	ssyncadd.s32 $0xFFFFEC00  }
0xd1: {  	_ =	sfence.sel $0x180000  }
0xd2: {  	[bflag:$0x0] =	sbarrier.arrive $0xFFFF  }
0xd3: {  	_ =	strace $0x9000004D  }
0xd4: {  	s0 =	stileid.u32;
	[bflag:$0x2] =	sbarrier.arrive $0xFFFF  }
0xd5: {  	p0 =	sne.s32 s0, $0x0;
	s0 =	rddreg [dreg:$0x3]  }
0xd6: {  	s0 =	sadd.s32 @!p0 $0x100000, s0  }
0xd7: {  	[sflag:s0] =	ssyncadd.tile.s32 @!p0 $0x1;
	_ =	shalt  }
.Lfunc_end2:
_tile_overlayer_lowered:
.L_overlay_start_2:
0xd8: {  	(tag) =	ssettag $0x2  }
0xd9: {  	s0 =	rddreg [dreg:$0x0];
	s2 =	stileid.u32  }
0xda: {  	s1 =	rddreg [dreg:$0x1];
	p0 =	sne.s32 s2, $0x0  }
0xdb: {  	s3 =	rddreg [dreg:$0x2];
	[bflag:$0x3] =	sbarrier.arrive $0xFFFF;
	s2 =	simm.s32 @!p0 $0x1C05  }
0xdc: {  	[timem:s3], [sflag:s2] =	dma.local @!p0 [hbm:s0], s1  }
0xdd: {  	s0 =	simm.s32 @!p0 $0x5  }
0xde: {  	_ =	swait.ge @!p0 [sflag:s0], s1  }
0xdf: {  	s1 =	ssub.s32 @!p0 $0x0, s1;
	[sflag:s0] =	ssyncset.done @!p0 $0x0  }
0xe0: {  	[sflag:s0] =	ssyncadd.s32 @!p0 s1  }
0xe1: {  	[bflag:$0x3] =	sbarrier.arrive $0xFFFF  }
0xe2: {  	_ =	shalt  }

// kernel: kernel.19.cloned.1.call-start
scs
__scs_entry_jumppad:
0x0: {  	(pc) =	sbr.rel $0x88, $3  }
0x1: {  	(tag) =	ssettag $0x0;
	lr =	simm.s32 $0x1  }
0x2: {  	[smem:$0x3F91] =	sst lr;
	_ =	strace $0xD0000000  }
0x3: {  	_ = 	snop  }
0x4: {  	_ = 	snop  }
0x5: {  	_ = 	snop  }
0x6: {  	_ = 	snop  }
0x7: {  	_ = 	snop  }
__scs_overlays_trampoline_lowered:
0x8: {  	[smem:$0x3FA0] =	sst s0  }
0x9: {  	[smem:$0x3FA1] =	sst s1  }
0xa: {  	[smem:$0x3FA2] =	sst s2  }
0xb: {  	[smem:$0x3FA3] =	sst s3  }
0xc: {  	[smem:$0x3FA4] =	sst s4  }
0xd: {  	[smem:$0x3FA5] =	sst s5  }
0xe: {  	[smem:$0x3FA6] =	sst s6  }
0xf: {  	[smem:$0x3FA7] =	sst s7  }
0x10: {  	[smem:$0x3FA8] =	sst s8  }
0x11: {  	[smem:$0x3FA9] =	sst s9;
	s0 =	simm.s32 @!p0 $0x0  }
0x12: {  	s1 =	sld [smem:$0x3F8F];
	s0 =	simm.s32 @p0 $0x1  }
0x13: {  	[smem:$0x3FAA] =	sst s0;
	s0 =	simm.s32 @!p1 $0x0  }
0x14: {  	s2 =	sld [smem:$0x3F8E];
	s0 =	simm.s32 @p1 $0x1  }
0x15: {  	[smem:$0x3FAB] =	sst s0;
	s0 =	simm.s32 @!p2 $0x0  }
0x16: {  	s3 =	sld [smem:$0x3FDB];
	s0 =	simm.s32 @p2 $0x1  }
0x17: {  	s4 =	simm.s32 $0x1BF5;
	[smem:$0x3FAD] =	sst s0  }
0x18: {  	s0 =	sld [smem:$0x3F90];
	_ =	swait.ge [sflag:s4], $0x0  }
0x19: {  	s7 =	sld [smem:$0x3F91]  }
0x1a: {  	s8 =	sadd.s32 $0xFFFFE003, lr  }
0x1b: {  	s9 =	sadd.s32 $0xFFFFFEF7, lr;
	s5 =	simm.s32 $0xFFFFFFFF;
	p2 =	slt.u32 s8, $0xFFFFF086  }
0x1c: {  	p1 =	slt.u32 s9, $0xF7A;
	s5 =	simm.s32 @!p2 $0x0  }
0x1d: {  	s5 =	simm.s32 @p1 $0x1;
	p0 =	seq.s32 s7, s2  }
0x1e: {  	s7 =	smul.u32 @!p0 $0xF7A, s2;
	p2 =	seq.s32 @!p0 s5, $0x0  }
0x1f: {  	s9 =	smul.u32 $0xF7A, s1;
	s8 =	simm.s32 @!p0 $0x1BF5;
	p2 =	por !p2, p0  }
0x20: {  	[sflag:s8] =	ssyncset.s32 @!p0 $0xFFFFF086;
	s6 =	sadd.s32 @!p0 s3, s7;
	s7 =	simm.s32 @!p0 $0x108  }
0x21: {  	s3 =	sadd.s32 s3, s9;
	s6 =	sadd.s32 @!p0 $0x88, s6;
	s7 =	simm.s32 @p2 $0x1082  }
0x22: {  	[simem:s7], [sflag:s8] =	dma.local @!p0 [hbm:s6], $0xF7A  }
0x23: {  	s9 =	sor.u32 $0xD0000000, s2;
	s6 =	simm.s32 $0x108;
	_ =	swait.ge @!p0 [sflag:s8], $0x0  }
0x24: {  	s3 =	sadd.s32 $0x88, s3;
	s6 =	simm.s32 @!p1 $0x1082;
	[sflag:s4] =	ssyncset.s32 $0xFFFFF086  }
0x25: {  	[simem:s6], [sflag:s4] =	dma.local [hbm:s3], $0xF7A  }
0x26: {  	[smem:$0x3F91] =	sst s1;
	(tag) =	ssettag s2;
	_ =	strace s9  }
0x27: {  	s1 =	sld [smem:$0x3FA1]  }
0x28: {  	s2 =	sld [smem:$0x3FA2]  }
0x29: {  	s4 =	sld [smem:$0x3FA4]  }
0x2a: {  	p0 =	seq.s32 s5, $0x0;
	s5 =	sld [smem:$0x3FA5]  }
0x2b: {  	s6 =	sld [smem:$0x3FA6]  }
0x2c: {  	s7 =	sld [smem:$0x3FA7]  }
0x2d: {  	s3 =	simm.s32 $0x108;
	s8 =	sld [smem:$0x3FA8]  }
0x2e: {  	s3 =	simm.s32 @!p0 $0x1082;
	s9 =	sld [smem:$0x3FA9]  }
0x2f: {  	lr =	sadd.s32 s0, s3;
	s0 =	sld [smem:$0x3FA0]  }
0x30: {  	s3 =	sld [smem:$0x3FA3]  }
0x31: {  	[smem:$0x3FAC] =	sst s10  }
0x32: {  	s10 =	sld [smem:$0x3FAA];
	_ =	sdelay $0x3  }
0x33: {  	p0 =	seq.s32 s10, $0x1;
	s10 =	sld [smem:$0x3FAC];
	_ =	sdelay $0x3  }
0x34: {  	[smem:$0x3FAC] =	sst s10  }
0x35: {  	s10 =	sld [smem:$0x3FAB];
	_ =	sdelay $0x3  }
0x36: {  	p1 =	seq.s32 s10, $0x1;
	s10 =	sld [smem:$0x3FAC];
	_ =	sdelay $0x3  }
0x37: {  	[smem:$0x3FAC] =	sst s10  }
0x38: {  	s10 =	sld [smem:$0x3FAD]  }
0x39: {  	_ = 	snop;
	(pc) =	sbr.ind lr, $3  }
0x3a: {  	_ = 	snop  }
0x3b: {  	_ = 	snop  }
0x3c: {  	p2 =	seq.s32 s10, $0x1;
	s10 =	sld [smem:$0x3FAC]  }
0x3d: {  	_ =	shalt  }
0x3e: {  	_ =	shalt  }
0x3f: {  	_ =	shalt  }
0x40: {  	_ =	shalt  }
0x41: {  	_ =	shalt  }
0x42: {  	_ =	shalt  }
0x43: {  	_ =	shalt  }
0x44: {  	_ =	shalt  }
0x45: {  	_ =	shalt  }
0x46: {  	_ =	shalt  }
0x47: {  	_ =	shalt  }
0x48: {  	_ =	shalt  }
0x49: {  	_ =	shalt  }
0x4a: {  	_ =	shalt  }
0x4b: {  	_ =	shalt  }
0x4c: {  	_ =	shalt  }
0x4d: {  	_ =	shalt  }
0x4e: {  	_ =	shalt  }
0x4f: {  	_ =	shalt  }
0x50: {  	_ =	shalt  }
0x51: {  	_ =	shalt  }
0x52: {  	_ =	shalt  }
0x53: {  	_ =	shalt  }
0x54: {  	_ =	shalt  }
0x55: {  	_ =	shalt  }
0x56: {  	_ =	shalt  }
0x57: {  	_ =	shalt  }
0x58: {  	_ =	shalt  }
0x59: {  	_ =	shalt  }
0x5a: {  	_ =	shalt  }
0x5b: {  	_ =	shalt  }
0x5c: {  	_ =	shalt  }
0x5d: {  	_ =	shalt  }
0x5e: {  	_ =	shalt  }
0x5f: {  	_ =	shalt  }
0x60: {  	_ =	shalt  }
0x61: {  	_ =	shalt  }
0x62: {  	_ =	shalt  }
0x63: {  	_ =	shalt  }
0x64: {  	_ =	shalt  }
0x65: {  	_ =	shalt  }
0x66: {  	_ =	shalt  }
0x67: {  	_ =	shalt  }
0x68: {  	_ =	shalt  }
0x69: {  	_ =	shalt  }
0x6a: {  	_ =	shalt  }
0x6b: {  	_ =	shalt  }
0x6c: {  	_ =	shalt  }
0x6d: {  	_ =	shalt  }
0x6e: {  	_ =	shalt  }
0x6f: {  	_ =	shalt  }
0x70: {  	_ =	shalt  }
0x71: {  	_ =	shalt  }
0x72: {  	_ =	shalt  }
0x73: {  	_ =	shalt  }
0x74: {  	_ =	shalt  }
0x75: {  	_ =	shalt  }
0x76: {  	_ =	shalt  }
0x77: {  	_ =	shalt  }
0x78: {  	_ =	shalt  }
0x79: {  	_ =	shalt  }
0x7a: {  	_ =	shalt  }
0x7b: {  	_ =	shalt  }
0x7c: {  	_ =	shalt  }
0x7d: {  	_ =	shalt  }
0x7e: {  	_ =	shalt  }
0x7f: {  	_ =	shalt  }
0x80: {  	_ =	shalt  }
0x81: {  	_ =	shalt  }
0x82: {  	_ =	shalt  }
0x83: {  	_ =	shalt  }
0x84: {  	_ =	shalt  }
0x85: {  	_ =	shalt  }
0x86: {  	_ =	shalt  }
0x87: {  	_ =	shalt  }
.Lfunc_end0:
.L_simem_size_0:
called_computation.3_lowered:
.L_overlay_start_0:
0x88: {  	s2 =	sld [smem:$0x3FD9]  }
0x89: {  	s3 =	sld [smem:$0x3FFE];
	_ =	sdelay $0x1  }
0x8a: {  	s1 =	srdreg.scid  }
0x8b: {  	s0 =	sand.u32 $0x1, s1  }
0x8c: {  	s17 =	sshll.u32 s0, $0xA;
	s2 =	sadd.s32 s3, s2  }
0x8d: {  	s2 =	sadd.s32 s2, s17  }
0x8e: {  	[smem:$0x3FB8] =	sst s2  }
0x8f: {  	_ = 	snop  }
0x90: {  	s2 =	sld [smem:$0x3FD0];
	(tm) =	ssettm $0x1  }
0x91: {  	s18 =	sld [smem:$0x3FFB];
	_ =	sdelay $0x3  }
0x92: {  	_ =	strace s18  }
0x93: {  	s3 =	sld [smem:$0x3FFC];
	_ =	sdelay $0x3  }
0x94: {  	_ =	strace s3  }
0x95: {  	s3 =	sld [smem:$0x3FFD];
	_ =	sdelay $0x3  }
0x96: {  	_ =	strace s3  }
0x97: {  	_ =	strace $0x8FFFFFFF  }
0x98: {  	s19 =	sld [smem:$0x3FDB];
	_ =	sdelay $0x1  }
0x99: {  	s4 =	simm.s32 $_scs_section_size  }
0x9a: {  	s5 =	simm.s32 $_size__tile_overlayer_lowered;
	s6 =	simm.s32 $_tile_overlayer_lowered  }
0x9b: {  	s22 =	simm.s32 $0x1BFF;
	s21 =	sshll.u32 s6, $0x1;
	s3 =	sadd.s32 s4, s19  }
0x9c: {  	s7 =	simm.s32 $0x0;
	s20 =	sshll.u32 s5, $0x1;
	s5 =	sadd.s32 s21, s3  }
0x9d: {  	[timem:s7], [sflag:s22] =	dma.local [hbm:s5], s20  }
0x9e: {  	_ =	swait.ge [sflag:s22], s20  }
0x9f: {  	s4 =	ssub.s32 $0x0, s20;
	[sflag:s22] =	ssyncset.done $0x0  }
0xa0: {  	[sflag:s22] =	ssyncadd.s32 s4;
	_ =	sdelay $0x1  }
0xa1: {  	s23 =	simm.s32 $0x1B8B  }
0xa2: {  	_ =	swait.ge [sflag:s23], $0x1  }
0xa3: {  	[sflag:s23] =	ssyncset.done $0x0  }
0xa4: {  	s25 =	simm.s32 $0x1B8E;
	s24 =	sld [smem:$0x3FFE];
	[sflag:s23] =	ssyncadd.s32 $0xFFFFFFFF  }
0xa5: {  	s26 =	simm.s32 $execute0_lowered;
	[smem:$0x3FD2] =	sst s25  }
0xa6: {  	s5 =	sshll.u32 s26, $0x1;
	_ =	strace $0x8000004F;
	[dreg:$0x1] =	wrdreg $0xFFFFFFFF  }
0xa7: {  	s28 =	simm.s32 $_size_execute0_lowered;
	s3 =	sadd.s32 s3, s5;
	[dreg:$0x0] =	wrdreg $0x0  }
0xa8: {  	s5 =	sshll.u32 s28, $0x1;
	[dreg:$0x2] =	wrdreg s3  }
0xa9: {  	[dreg:$0x3] =	wrdreg s5  }
0xaa: {  	[dreg:$0x4] =	wrdreg $0xC0  }
0xab: {  	_ =	task [dreg:s7], $0x5FFFF  }
0xac: {  	[dreg:$0x1] =	wrdreg $0xFFFFFFFF  }
0xad: {  	[dreg:$0x0] =	wrdreg $0x60  }
0xae: {  	[dreg:$0x2] =	wrdreg s24  }
0xaf: {  	[dreg:$0x3] =	wrdreg s2  }
0xb0: {  	[dreg:$0x4] =	wrdreg $0x128800  }
0xb1: {  	[dreg:$0x5] =	wrdreg $0x9  }
0xb2: {  	_ =	task.clear_ibuf [dreg:s7], $0x6FFFF;
	_ =	strace $0x9000004F  }
0xb3: {  	s29 =	simm.s32 $0x9;
	_ =	strace $0x80000051  }
0xb4: {  	_ =	swait.ge [sflag:s29], $0x1  }
0xb5: {  	[sflag:s29] =	ssyncadd.s32 $0xFFFFFFFF  }
0xb6: {  	_ =	strace $0x90000051  }
0xb7: {  	_ =	sfence  }
0xb8: {  	s30 =	sld [smem:$0x0];
	_ =	sdelay $0x2  }
0xb9: {  	s31 =	sshll.u32 s1, $0xD;
	s1 =	sshrl.u32 s1, $0x2  }
0xba: {  	s3 =	sand.u32 $0x4000, s31;
	s1 =	sadd.s32 s1, s30  }
0xbb: {  	s0 =	sor.u32 s3, s0;
	s1 =	sshll.u32 s1, $0x11  }
0xbc: {  	s0 =	sor.u32 s1, s0  }
0xbd: {  	s0 =	sadd.s32 $0x8F2B, s0  }
0xbe: {  	[sflag:s0] =	ssyncadd.remote.s32 $0x1  }
0xbf: {  	_ =	sfence.sel $0xFFFF  }
0xc0: {  	[dreg:$0x0] =	wrdreg $0xFFFFFFFF;
	(pc) =	sbr.abs _section_cstart, $3  }
0xc1: {  	[dreg:$0x1] =	wrdreg $0xFFFFFFFF  }
0xc2: {  	_ =	task.clear_ibuf [dreg:s7], $0x2FFFF;
	_ =	strace $0x9FFFFFFF  }
0xc3: {  	(tm) =	ssettm $0x7FFFFFFF  }
tec
execute0_lowered:
.L_overlay_start_1:
0x0: {  	(tag) =	ssettag $0x1  }
0x1: {  	s0 =	rddreg [dreg:$0x0]  }
0x2: {  	s1 =	srdreg.scid;
	s13 =	stileid.u32  }
0x3: {  	s2 =	rddreg [dreg:$0x1];
	s6 =	smul.u32 $0x5400, s13  }
0x4: {  	s3 =	rddreg [dreg:$0x2];
	s8 =	smul.u32 $0xA000, s13  }
0x5: {  	s4 =	simm.s32 $0x0;
	s1 =	sand.u32 $0x1, s1;
	s10 =	smul.u32 $0x30000, s13  }
0x6: {  	[smem:$0x7FF] =	sst s4;
	s9 =	sshll.u32 s13, $0x4;
	s24 =	smul.u32 $0x28000, s13  }
0x7: {  	s23 =	sshll.u32 s13, $0x6;
	s13 =	simm.s32 $0x5;
	s5 =	smul.u32 $0x54000, s1  }
0x8: {  	s20 =	smul.u32 $0xA0000, s1;
	_ =	strace $0x80000050;
	s21 =	ssub.s32 $0x2, s1  }
0x9: {  	s9 =	sadd.s32 s9, s0;
	s1 =	sshll.u32 s1, $0x8;
	s11 =	sshrl.u32 s21, $0x1  }
0xa: {  	s22 =	sshrl.u32 s10, $0x2;
	s1 =	sadd.s32 s1, s9;
	s26 =	sshrl.u32 s24, $0x2  }
0xb: {  	s24 =	simm.s32 $0x4;
	s5 =	sadd.s32 s6, s5;
	s6 =	sadd.s32 s8, s20  }
0xc: {  	s11 =	ssub.s32 s21, s11;
	s12 =	sadd.s32 s22, s3;
	s1 =	sadd.s32 $0x93C00, s1  }
0xd: {  	s28 =	sadd.s32 s26, s3;
	s26 =	simm.s32 $0x0;
	s7 =	sshrl.u32 s5, $0x3  }
0xe: {  	s5 =	sadd.s32 $0x2DE00, s0;
	s6 =	sshrl.u32 s6, $0x3;
	[dreg:$0x6] =	wrdreg s1  }
0xf: {  	s29 =	smax.u32 s11, $0x1;
	s30 =	sadd.s32 $0x2000, s12;
	s31 =	sadd.s32 $0x4000, s12  }
0x10: {  	s16 =	sadd.s32 $0x6000, s12;
	s17 =	sadd.s32 $0x8000, s12;
	s18 =	sadd.s32 $0xA000, s12  }
0x11: {  	s12 =	sshrl.u32 s12, $0x3;
	s7 =	sadd.s32 s7, s0;
	s0 =	sadd.s32 s6, s0  }
0x12: {  	s6 =	sor.u32 $0x1C05, s23;
	[dreg:$0x8] =	wrdreg s29;
	s14 =	sshrl.u32 s30, $0x3  }
0x13: {  	s15 =	sshrl.u32 s31, $0x3;
	s16 =	sshrl.u32 s16, $0x3;
	s25 =	sadd.s32 $0x3E00, s7  }
0x14: {  	s17 =	sshrl.u32 s17, $0x3;
	s7 =	sadd.s32 $0x18E00, s7;
	[dreg:$0x4] =	wrdreg s25  }
0x15: {  	s18 =	sshrl.u32 s18, $0x3;
	s0 =	sadd.s32 $0x55E00, s0;
	[dreg:$0x5] =	wrdreg s7  }
0x16: {  	v0 =	vimm.f32 $0.0e+00;
	s23 =	simm.s32 $0x3;
	[dreg:$0x7] =	wrdreg s0;
	s25 =	sshrl.u32 s28, $0x3  }
.LBB2_1:
0x17: {  	[spmem:s12], [sflag:s6] =	dma.local [hbm:s2], $0x400  }
0x18: {  	_ =	swait.ge [sflag:s13], $0x400  }
0x19: {  	[sflag:s13] =	ssyncset.done $0x0  }
0x1a: {  	[sflag:s13] =	ssyncadd.s32 $0xFFFFFC00  }
0x1b: {  	[spmem:s14], [sflag:s6] =	dma.local [hbm:s2], $0x400  }
0x1c: {  	_ =	swait.ge [sflag:s13], $0x400  }
0x1d: {  	[sflag:s13] =	ssyncset.done $0x0  }
0x1e: {  	[sflag:s13] =	ssyncadd.s32 $0xFFFFFC00  }
0x1f: {  	[spmem:s15], [sflag:s6] =	dma.local [hbm:s2], $0x400  }
0x20: {  	_ =	swait.ge [sflag:s13], $0x400  }
0x21: {  	[sflag:s13] =	ssyncset.done $0x0  }
0x22: {  	[sflag:s13] =	ssyncadd.s32 $0xFFFFFC00  }
0x23: {  	[spmem:s16], [sflag:s6] =	dma.local [hbm:s2], $0x400  }
0x24: {  	_ =	swait.ge [sflag:s13], $0x400  }
0x25: {  	[sflag:s13] =	ssyncset.done $0x0  }
0x26: {  	[sflag:s13] =	ssyncadd.s32 $0xFFFFFC00  }
0x27: {  	[spmem:s17], [sflag:s6] =	dma.local [hbm:s2], $0x400  }
0x28: {  	_ =	swait.ge [sflag:s13], $0x400  }
0x29: {  	[sflag:s13] =	ssyncset.done $0x0  }
0x2a: {  	[sflag:s13] =	ssyncadd.s32 $0xFFFFFC00  }
0x2b: {  	[spmem:s18], [sflag:s6] =	dma.local [hbm:s2], $0x400  }
0x2c: {  	_ =	swait.ge [sflag:s13], $0x400  }
0x2d: {  	[sflag:s13] =	ssyncset.done $0x0  }
0x2e: {  	s0 =	rddreg [dreg:$0x4];
	[sflag:s13] =	ssyncadd.s32 $0xFFFFFC00  }
0x2f: {  	[tilespmem:s4], [sflag:$0x5] =	stream.linear.gather [hbm4b:s0+s4], $0x5100, $0x38;
	[tilespmem:$0x1E880] =	vst v63  }
0x30: {  	_ =	swait.ge [sflag:s13], $0x5100  }
0x31: {  	[sflag:s13] =	ssyncset.done $0x0  }
0x32: {  	s1 =	simm.s32 $0x5400;
	s7 =	rddreg [dreg:$0x5];
	[sflag:s13] =	ssyncadd.s32 $0xFFFFAF00  }
0x33: {  	[tilespmem:s1], [sflag:$0x5] =	stream.linear.gather [hbm4b:s7+s4], $0x5100, $0x38;
	[tilespmem:$0x1E880] =	vst v63  }
0x34: {  	_ =	swait.ge [sflag:s13], $0x5100  }
0x35: {  	[sflag:s13] =	ssyncset.done $0x0  }
0x36: {  	s9 =	simm.s32 $0xA800;
	s8 =	rddreg [dreg:$0x6];
	[sflag:s13] =	ssyncadd.s32 $0xFFFFAF00  }
0x37: {  	[tilespmem:s9], [sflag:$0x5] =	stream.linear.gather [hbm4b:s8+s4], $0x80, $0x38;
	[tilespmem:$0x1E880] =	vst v63  }
0x38: {  	_ =	swait.ge [sflag:s13], $0x80  }
0x39: {  	[sflag:s13] =	ssyncset.done $0x0  }
0x3a: {  	[sflag:s13] =	ssyncadd.s32 $0xFFFFFF80  }
0x3b: {  	v1 =	vld [tilespmem:$0xA800];
	_ =	sdelay $0x3  }
0x3c: {  	v2 =	vmov s4  }
0x3d: {  	vm0 =	vlt.s32 v2, v1  }
0x3e: {  	[bflag:$0x0] =	sbarrier.arrive $0xFFFF;
	v2 =	vsel vm0, $0x3F800000, v0  }
0x3f: {  	(xrf0) =	vmax.scan.msk.f32 $0xffff, v2;
	_ =	sdelay $0x5  }
0x40: {  	v2, _, _ =	vpop (xrf0)  }
0x41: {  	(v2sf) =	vpush v2, $0xF;
	_ =	sdelay $0x5  }
0x42: {  	s10 =	simm.s32 $0x2  }
0x43: {  	v2 =	vmov s10  }
0x44: {  	vm13 =	vlt.s32 v2, v1  }
0x45: {  	v2 =	vsel vm13, $0x3F800000, v0  }
0x46: {  	(xrf0) =	vmax.scan.msk.f32 $0xffff, v2;
	_ =	sdelay $0x4  }
0x47: {  	s11 =	spop (v2sf)  }
0x48: {  	v2, _, _ =	vpop (xrf0);
	p2 =	sgt.f32 s11, $0.0e+00  }
0x49: {  	(v2sf) =	vpush v2, $0xF  }
0x4a: {  	s0 =	simm.s32 @p2 $0x2  }
0x4b: {  	v2 =	vmov @p2 s0  }
0x4c: {  	vm0 =	vlt.s32 @p2 v2, v1;
	v2 =	vimm.f32 @p2 $0.0e+00  }
0x4d: {  	v2 =	vsel @p2 vm0, $0x3F800000, v2  }
0x4e: {  	(xrf0) =	vmax.scan.msk.f32 @p2 $0xffff, v2;
	_ =	sdelay $0x5  }
0x4f: {  	s31 =	simm.s32 $0x4;
	p1 =	por p2, p2;
	v2, _, _ =	vpop @p2 (xrf0)  }
0x50: {  	(v2sf) =	vpush @p1 v2, $0xF;
	v2 =	vmov s31  }
0x51: {  	vm14 =	vlt.s32 v2, v1  }
0x52: {  	v2 =	vsel vm14, $0x3F800000, v0  }
0x53: {  	s19 =	spop (v2sf);
	(xrf0) =	vmax.scan.msk.f32 $0xffff, v2  }
0x54: {  	p0 =	sgt.f32 s19, $0.0e+00;
	_ =	sdelay $0x1  }
0x55: {  	s20 =	simm.s32 $0x80;
	s21 =	simm.s32 $0xA880;
	s0 =	simm.s32 @p0 $0x4  }
0x56: {  	[tilespmem:s21], [sflag:$0x1] =	stream.indirect.gather [hbm4b:s5+s20], $0x80, s4, s20, $0xb8;
	v2 =	vmov @p0 s0;
	[tilespmem:$0x1E880] =	vst v63  }
0x57: {  	p3 =	por @p1 $0x1, $0x1;
	vm0 =	vlt.s32 @p0 v2, v1;
	v2 =	vimm.f32 @p0 $0.0e+00  }
0x58: {  	p3 =	por p3, !p1;
	v2 =	vsel @p0 vm0, $0x3F800000, v2;
	v3, _, _ =	vpop (xrf0)  }
0x59: {  	s0 =	simm.s32 @!p3 $0x4;
	(xrf0) =	vmax.scan.msk.f32 @p0 $0xffff, v2;
	(v2sf) =	vpush v3, $0xF  }
0x5a: {  	p1 =	por p1, p1;
	_ =	swait.ge @!p3 [sflag:s0], $0x4000  }
0x5b: {  	s19 =	simm.s32 @p1 $0x80;
	[sflag:s0] =	ssyncset.done @!p3 $0x0  }
0x5c: {  	s20 =	simm.s32 @p1 $0x80;
	[sflag:s0] =	ssyncadd.s32 @!p3 $0xFFFFC000;
	s0 =	simm.s32 @p1 $0xE880  }
0x5d: {  	[tilespmem:s0], [sflag:$0x2] =	stream.indirect.gather @p1 [hbm4b:s5+s19], $0x80, s20, s19, $0xb8;
	[tilespmem:$0x1E880] =	vst v63  }
0x5e: {  	s30 =	simm.s32 $0x6;
	s7 =	spop @p2 (v2sf)  }
0x5f: {  	s1 =	simm.s32 @p1 $0x1;
	v2 =	vmov s30;
	v3, _, _ =	vpop @p0 (xrf0);
	p3 =	sgt.f32 @p1 s7, $0.0e+00  }
0x60: {  	vm15 =	vlt.s32 v2, v1;
	p2 =	por p0, p0;
	_ =	swait.ge @p1 [sflag:s1], $0x4000  }
0x61: {  	v2 =	vsel vm15, $0x3F800000, v0;
	s7 =	simm.s32 @p1 $0x5400;
	[sflag:s1] =	ssyncset.done @p1 $0x0;
	p3 =	por !p3, !p1  }
0x62: {  	(xrf0) =	vmax.scan.msk.f32 $0xffff, v2;
	[sflag:s1] =	ssyncadd.s32 @p1 $0xFFFFC000;
	s1 =	simm.s32 @p1 $0xA880;
	s20 =	simm.s32 @!p3 $0x3  }
0x63: {  	(v2sf) =	vpush @p2 v3, $0xF;
	[spmem:s3] =	stream.indirect.scatter.add.f32 @p1 [tilespmem:s1], [sflag:$0x3], $0x80, s7, s19, $0xb8;
	[tilespmem:$0x1E880] =	vst v63  }
0x64: {  	_ =	swait.ge @!p3 [sflag:s20], $0x4000  }
0x65: {  	s7 =	simm.s32 @!p3 $0x100;
	[sflag:s20] =	ssyncset.done @!p3 $0x0  }
0x66: {  	s21 =	simm.s32 @!p3 $0x80;
	[sflag:s20] =	ssyncadd.s32 @!p3 $0xFFFFC000;
	s20 =	simm.s32 @!p3 $0xA880  }
0x67: {  	[tilespmem:s20], [sflag:$0x1] =	stream.indirect.gather @!p3 [hbm4b:s5+s21], $0x80, s7, s21, $0xb8;
	[tilespmem:$0x1E880] =	vst v63  }
0x68: {  	s29 =	simm.s32 $0x800;
	s28 =	simm.s32 $0xC00;
	s22 =	spop (v2sf)  }
0x69: {  	p6 =	por @p2 $0x0, $0x0;
	s1 =	simm.s32 $0x400;
	p3 =	sgt.f32 s22, $0.0e+00  }
0x6a: {  	s20 =	simm.s32 $0x1000;
	s21 =	simm.s32 @p1 $0x5480;
	s7 =	simm.s32 @p1 $0x2  }
.LBB2_2:
0x6b: {  	p5 =	por p0, p0;
	p0 =	por p3, p3  }
0x6c: {  	s8 =	sadd.s32 @p3 $0x2, s31;
	p3 =	por p6, !p2;
	v2, _, _ =	vpop (xrf0)  }
0x6d: {  	s22 =	smov.u32 s20;
	s31 =	smov.u32 s30;
	_ =	swait.ge @p1 [sflag:s7], $0x4000  }
0x6e: {  	s20 =	sadd.s32 $0x400, s20;
	(v2sf) =	vpush v2, $0xF;
	v2 =	vmov @p0 s8;
	s8 =	simm.s32 @!p3 $0x4;
	[sflag:s7] =	ssyncset.done @p1 $0x0  }
0x6f: {  	p4 =	sne.s32 s20, $0x14000;
	vm0 =	vlt.s32 @p0 v2, v1;
	v2 =	vimm.f32 @p0 $0.0e+00;
	[sflag:s7] =	ssyncadd.s32 @p1 $0xFFFFC000  }
0x70: {  	v2 =	vsel @p0 vm0, $0x3F800000, v2;
	[spmem:s3] =	stream.indirect.scatter.add.f32 @p1 [tilespmem:s0], [sflag:$0x4], $0x80, s21, s19, $0xb8;
	[tilespmem:$0x1E880] =	vst v63  }
0x71: {  	(xrf0) =	vmax.scan.msk.f32 @p0 $0xffff, v2  }
0x72: {  	p1 =	por p2, p2;
	p2 =	por p0, p0;
	_ =	swait.ge @!p3 [sflag:s8], $0x4000  }
0x73: {  	s7 =	simm.s32 @p1 $0x1;
	[sflag:s8] =	ssyncset.done @!p3 $0x0  }
0x74: {  	s30 =	sadd.s32 $0x2, s30;
	s0 =	simm.s32 @p1 $0xE880;
	[sflag:s8] =	ssyncadd.s32 @!p3 $0xFFFFC000  }
0x75: {  	s19 =	simm.s32 @p1 $0x80;
	s8 =	sshra.s32 @p1 s1, $0x2;
	s21 =	spop @p5 (v2sf)  }
0x76: {  	s9 =	sadd.s32 @p1 $0x80, s8;
	p3 =	sgt.f32 @p1 s21, $0.0e+00;
	s21 =	sadd.s32 @p1 $0x5480, s8  }
0x77: {  	[tilespmem:s0], [sflag:$0x2] =	stream.indirect.gather @p1 [hbm4b:s5+s19], $0x80, s9, s19, $0xb8;
	[tilespmem:$0x1E880] =	vst v63  }
0x78: {  	v3, _, _ =	vpop @p0 (xrf0)  }
0x79: {  	v2 =	vmov s30;
	s8 =	sadd.s32 @p1 $0x5400, s8;
	p5 =	por !p3, !p1;
	_ =	swait.ge @p1 [sflag:s7], $0x4000  }
0x7a: {  	vm0 =	vlt.s32 v2, v1;
	s9 =	simm.s32 @!p5 $0x3;
	s1 =	sshra.s32 @!p5 s1, $0x2;
	(v2sf) =	vpush @p2 v3, $0xF;
	[sflag:s7] =	ssyncset.done @p1 $0x0  }
0x7b: {  	v2 =	vsel vm0, $0x3F800000, v0;
	s10 =	sadd.s32 @!p5 $0x100, s1;
	[sflag:s7] =	ssyncadd.s32 @p1 $0xFFFFC000;
	s7 =	simm.s32 @p1 $0xA880  }
0x7c: {  	s11 =	simm.s32 @!p5 $0xA880;
	(xrf0) =	vmax.scan.msk.f32 $0xffff, v2  }
0x7d: {  	[spmem:s3] =	stream.indirect.scatter.add.f32 @p1 [tilespmem:s7], [sflag:$0x3], $0x80, s8, s19, $0xb8;
	[tilespmem:$0x1E880] =	vst v63  }
.Ltmp0:
0x7e: {  	s8 =	simm.s32 @!p5 $0x80;
	_ =	swait.ge @!p5 [sflag:s9], $0x4000;
	(pc) =	sbr.rel @p4 .LBB2_2-.Ltmp0, $4  }
0x7f: {  	s1 =	smov.u32 s29;
	s29 =	smov.u32 s28;
	[sflag:s9] =	ssyncset.done @!p5 $0x0  }
0x80: {  	s28 =	smov.u32 s22;
	s7 =	spop (v2sf);
	[sflag:s9] =	ssyncadd.s32 @!p5 $0xFFFFC000  }
0x81: {  	p6 =	seq.s32 @p2 s1, $0x0;
	p3 =	sgt.f32 s7, $0.0e+00;
	s7 =	simm.s32 @p1 $0x2  }
0x82: {  	[tilespmem:s11], [sflag:$0x1] =	stream.indirect.gather @!p5 [hbm4b:s5+s8], $0x80, s10, s8, $0xb8;
	[tilespmem:$0x1E880] =	vst v63  }
0x83: {  	v2, _, _ =	vpop (xrf0)  }
0x84: {  	s8 =	sadd.s32 @p3 $0x2, s31;
	_ =	swait.ge @p1 [sflag:s7], $0x4000  }
0x85: {  	(v2sf) =	vpush v2, $0xF;
	v2 =	vmov @p3 s8;
	[sflag:s7] =	ssyncset.done @p1 $0x0  }
0x86: {  	vm0 =	vlt.s32 @p3 v2, v1;
	v2 =	vimm.f32 @p3 $0.0e+00;
	[sflag:s7] =	ssyncadd.s32 @p1 $0xFFFFC000  }
0x87: {  	v2 =	vsel @p3 vm0, $0x3F800000, v2;
	[spmem:s3] =	stream.indirect.scatter.add.f32 @p1 [tilespmem:s0], [sflag:$0x4], $0x80, s21, s19, $0xb8;
	[tilespmem:$0x1E880] =	vst v63  }
0x88: {  	(xrf0) =	vmax.scan.msk.f32 @p3 $0xffff, v2  }
0x89: {  	p4 =	por p6, !p2;
	p1 =	por p2, p2  }
0x8a: {  	s0 =	simm.s32 @!p4 $0x4;
	s7 =	simm.s32 @p1 $0x1  }
0x8b: {  	s8 =	sshra.s32 @p1 s1, $0x2;
	s10 =	simm.s32 @p1 $0x80;
	_ =	swait.ge @!p4 [sflag:s0], $0x4000  }
0x8c: {  	s11 =	sadd.s32 @p1 $0x80, s8;
	[sflag:s0] =	ssyncset.done @!p4 $0x0;
	s9 =	spop @p0 (v2sf)  }
0x8d: {  	[sflag:s0] =	ssyncadd.s32 @!p4 $0xFFFFC000;
	s0 =	simm.s32 @p1 $0xE880;
	p0 =	sgt.f32 @p1 s9, $0.0e+00  }
0x8e: {  	[tilespmem:s0], [sflag:$0x2] =	stream.indirect.gather @p1 [hbm4b:s5+s10], $0x80, s11, s10, $0xb8;
	v2, _, _ =	vpop @p3 (xrf0);
	[tilespmem:$0x1E880] =	vst v63  }
0x8f: {  	p2 =	por p3, p3;
	_ =	swait.ge @p1 [sflag:s7], $0x4000  }
0x90: {  	s9 =	sadd.s32 @p1 $0x5400, s8;
	p4 =	por !p0, !p1;
	[sflag:s7] =	ssyncset.done @p1 $0x0  }
0x91: {  	s11 =	simm.s32 @!p4 $0x3;
	(v2sf) =	vpush @p2 v2, $0xF;
	[sflag:s7] =	ssyncadd.s32 @p1 $0xFFFFC000;
	s7 =	simm.s32 @p1 $0xA880  }
0x92: {  	[spmem:s3] =	stream.indirect.scatter.add.f32 @p1 [tilespmem:s7], [sflag:$0x3], $0x80, s9, s10, $0xb8;
	[tilespmem:$0x1E880] =	vst v63  }
0x93: {  	_ =	swait.ge @!p4 [sflag:s11], $0x4000  }
0x94: {  	s1 =	sshra.s32 @!p4 s1, $0x2;
	s22 =	spop (v2sf)  }
0x95: {  	s1 =	sadd.s32 @!p4 $0x100, s1;
	p0 =	sgt.f32 s22, $0.0e+00  }
0x96: {  	s7 =	simm.s32 @!p4 $0x80;
	s9 =	simm.s32 @!p4 $0xA880;
	[sflag:s11] =	ssyncset.done @!p4 $0x0  }
0x97: {  	[sflag:s11] =	ssyncadd.s32 @!p4 $0xFFFFC000;
	s11 =	simm.s32 @p1 $0x2;
	s19 =	sadd.s32 @p0 $0x2, s30  }
0x98: {  	[tilespmem:s9], [sflag:$0x1] =	stream.indirect.gather @!p4 [hbm4b:s5+s7], $0x80, s1, s7, $0xb8;
	v2 =	vmov @p0 s19;
	[tilespmem:$0x1E880] =	vst v63  }
0x99: {  	p4 =	seq.s32 @p2 s29, $0x0;
	_ =	swait.ge @p1 [sflag:s11], $0x4000;
	vm0 =	vlt.s32 @p0 v2, v1;
	v1 =	vimm.f32 @p0 $0.0e+00  }
0x9a: {  	p4 =	por p4, !p2;
	[sflag:s11] =	ssyncset.done @p1 $0x0;
	v1 =	vsel @p0 vm0, $0x3F800000, v1  }
0x9b: {  	s1 =	sadd.s32 @p1 $0x5480, s8;
	s7 =	simm.s32 @!p4 $0x4;
	[sflag:s11] =	ssyncadd.s32 @p1 $0xFFFFC000;
	(xrf0) =	vmax.scan.msk.f32 @p0 $0xffff, v1  }
0x9c: {  	[spmem:s3] =	stream.indirect.scatter.add.f32 @p1 [tilespmem:s0], [sflag:$0x4], $0x80, s1, s10, $0xb8;
	[tilespmem:$0x1E880] =	vst v63  }
0x9d: {  	p1 =	por p2, p2;
	_ =	swait.ge @!p4 [sflag:s7], $0x4000  }
0x9e: {  	s0 =	simm.s32 @p1 $0x1;
	[sflag:s7] =	ssyncset.done @!p4 $0x0  }
0x9f: {  	s1 =	simm.s32 @p1 $0xE880;
	[sflag:s7] =	ssyncadd.s32 @!p4 $0xFFFFC000;
	s7 =	sshra.s32 @p1 s29, $0x2  }
0xa0: {  	s8 =	simm.s32 @p1 $0x80;
	s9 =	spop @p3 (v2sf);
	s10 =	sadd.s32 @p1 $0x80, s7  }
0xa1: {  	[tilespmem:s1], [sflag:$0x2] =	stream.indirect.gather @p1 [hbm4b:s5+s8], $0x80, s10, s8, $0xb8;
	v1, _, _ =	vpop @p0 (xrf0);
	[tilespmem:$0x1E880] =	vst v63  }
0xa2: {  	p2 =	por p0, p0;
	p3 =	sgt.f32 @p1 s9, $0.0e+00;
	_ =	swait.ge @p1 [sflag:s0], $0x4000  }
0xa3: {  	(v2sf) =	vpush @p2 v1, $0xF  }
0xa4: {  	s9 =	sadd.s32 @p1 $0x5400, s7;
	p3 =	por !p3, !p1;
	[sflag:s0] =	ssyncset.done @p1 $0x0  }
0xa5: {  	s10 =	simm.s32 @!p3 $0x3;
	[sflag:s0] =	ssyncadd.s32 @p1 $0xFFFFC000;
	s0 =	simm.s32 @p1 $0xA880  }
0xa6: {  	[spmem:s3] =	stream.indirect.scatter.add.f32 @p1 [tilespmem:s0], [sflag:$0x3], $0x80, s9, s8, $0xb8;
	[tilespmem:$0x1E880] =	vst v63  }
0xa7: {  	s11 =	simm.s32 @!p3 $0xA880;
	_ =	swait.ge @!p3 [sflag:s10], $0x4000  }
0xa8: {  	s0 =	sshra.s32 @!p3 s29, $0x2;
	s9 =	simm.s32 @!p3 $0x80;
	[sflag:s10] =	ssyncset.done @!p3 $0x0  }
0xa9: {  	s0 =	sadd.s32 @!p3 $0x100, s0;
	[sflag:s10] =	ssyncadd.s32 @!p3 $0xFFFFC000;
	s10 =	simm.s32 @p1 $0x2  }
0xaa: {  	[tilespmem:s11], [sflag:$0x1] =	stream.indirect.gather @!p3 [hbm4b:s5+s9], $0x80, s0, s9, $0xb8;
	[tilespmem:$0x1E880] =	vst v63  }
0xab: {  	p3 =	seq.s32 @p2 s28, $0x0;
	_ =	swait.ge @p1 [sflag:s10], $0x4000  }
0xac: {  	p3 =	por p3, !p2;
	[sflag:s10] =	ssyncset.done @p1 $0x0  }
0xad: {  	s0 =	sadd.s32 @p1 $0x5480, s7;
	s7 =	simm.s32 @!p3 $0x4;
	[sflag:s10] =	ssyncadd.s32 @p1 $0xFFFFC000  }
0xae: {  	[spmem:s3] =	stream.indirect.scatter.add.f32 @p1 [tilespmem:s1], [sflag:$0x4], $0x80, s0, s8, $0xb8;
	[tilespmem:$0x1E880] =	vst v63  }
0xaf: {  	_ =	swait.ge @!p3 [sflag:s7], $0x4000  }
0xb0: {  	p1 =	por p2, p2;
	[sflag:s7] =	ssyncset.done @!p3 $0x0  }
0xb1: {  	s1 =	simm.s32 @p1 $0xE880;
	[sflag:s7] =	ssyncadd.s32 @!p3 $0xFFFFC000;
	s7 =	sshra.s32 @p1 s28, $0x2  }
0xb2: {  	s9 =	simm.s32 @p1 $0x80;
	s10 =	sadd.s32 @p1 $0x80, s7;
	s8 =	spop @p0 (v2sf)  }
0xb3: {  	[tilespmem:s1], [sflag:$0x2] =	stream.indirect.gather @p1 [hbm4b:s5+s9], $0x80, s10, s9, $0xb8;
	[tilespmem:$0x1E880] =	vst v63  }
0xb4: {  	s0 =	simm.s32 @p1 $0x1;
	p0 =	sgt.f32 @p1 s8, $0.0e+00  }
0xb5: {  	_ =	swait.ge @p1 [sflag:s0], $0x4000  }
0xb6: {  	s8 =	sadd.s32 @p1 $0x5400, s7;
	[sflag:s0] =	ssyncset.done @p1 $0x0;
	p0 =	por !p0, !p1  }
0xb7: {  	[sflag:s0] =	ssyncadd.s32 @p1 $0xFFFFC000;
	s0 =	simm.s32 @p1 $0xA880;
	s10 =	simm.s32 @!p0 $0x3  }
0xb8: {  	[spmem:s3] =	stream.indirect.scatter.add.f32 @p1 [tilespmem:s0], [sflag:$0x3], $0x80, s8, s9, $0xb8;
	[tilespmem:$0x1E880] =	vst v63  }
0xb9: {  	s0 =	sshra.s32 @!p0 s28, $0x2;
	_ =	swait.ge @!p0 [sflag:s10], $0x4000  }
0xba: {  	s8 =	simm.s32 @!p0 $0x80;
	s11 =	simm.s32 @!p0 $0xA880;
	[sflag:s10] =	ssyncset.done @!p0 $0x0  }
0xbb: {  	s0 =	sadd.s32 @!p0 $0x100, s0;
	[sflag:s10] =	ssyncadd.s32 @!p0 $0xFFFFC000;
	s10 =	simm.s32 @p1 $0x2  }
0xbc: {  	[tilespmem:s11], [sflag:$0x1] =	stream.indirect.gather @!p0 [hbm4b:s5+s8], $0x80, s0, s8, $0xb8;
	[tilespmem:$0x1E880] =	vst v63  }
0xbd: {  	_ =	swait.ge @p1 [sflag:s10], $0x4000  }
0xbe: {  	[sflag:s10] =	ssyncset.done @p1 $0x0  }
0xbf: {  	s0 =	sadd.s32 @p1 $0x5480, s7;
	[sflag:s10] =	ssyncadd.s32 @p1 $0xFFFFC000  }
0xc0: {  	[spmem:s3] =	stream.indirect.scatter.add.f32 @p1 [tilespmem:s1], [sflag:$0x4], $0x80, s0, s9, $0xb8;
	[tilespmem:$0x1E880] =	vst v63  }
0xc1: {  	_ =	swait.ge [sflag:s23], $0x4000  }
0xc2: {  	[sflag:s23] =	ssyncset.done $0x0  }
0xc3: {  	[sflag:s23] =	ssyncadd.s32 $0xFFFFC000  }
0xc4: {  	_ =	swait.ge [sflag:s24], $0x4000  }
0xc5: {  	[sflag:s24] =	ssyncset.done $0x0  }
0xc6: {  	[sflag:s24] =	ssyncadd.s32 $0xFFFFC000  }
0xc7: {  	[bflag:$0x0] =	sbarrier.arrive $0xFFFF  }
0xc8: {  	s30 =	rddreg [dreg:$0x7]  }
0xc9: {  	[hbm:s30], [sflag:s6] =	dma.local [spmem:s25], $0x1400  }
0xca: {  	_ =	swait.ge [sflag:s13], $0x1400  }
0xcb: {  	s26 =	sadd.s32 $0x1, s26;
	s31 =	rddreg [dreg:$0x8]  }
0xcc: {  	p0 =	sne.s32 s26, s31  }
.Ltmp1:
0xcd: {  	_ = 	snop;
	(pc) =	sbr.rel @p0 .LBB2_1-.Ltmp1, $3  }
0xce: {  	_ =	sdelay $0x1  }
0xcf: {  	[sflag:s13] =	ssyncset.done $0x0  }
0xd0: {  	[sflag:s13] =	ssyncadd.s32 $0xFFFFEC00  }
0xd1: {  	_ =	sfence.sel $0x180000  }
0xd2: {  	[bflag:$0x0] =	sbarrier.arrive $0xFFFF  }
0xd3: {  	_ =	strace $0x90000050  }
0xd4: {  	s0 =	stileid.u32;
	[bflag:$0x2] =	sbarrier.arrive $0xFFFF  }
0xd5: {  	p0 =	sne.s32 s0, $0x0;
	s0 =	rddreg [dreg:$0x3]  }
0xd6: {  	s0 =	sadd.s32 @!p0 $0x100000, s0  }
0xd7: {  	[sflag:s0] =	ssyncadd.tile.s32 @!p0 $0x1;
	_ =	shalt  }
.Lfunc_end2:
_tile_overlayer_lowered:
.L_overlay_start_2:
0xd8: {  	(tag) =	ssettag $0x2  }
0xd9: {  	s0 =	rddreg [dreg:$0x0];
	s2 =	stileid.u32  }
0xda: {  	s1 =	rddreg [dreg:$0x1];
	p0 =	sne.s32 s2, $0x0  }
0xdb: {  	s3 =	rddreg [dreg:$0x2];
	[bflag:$0x3] =	sbarrier.arrive $0xFFFF;
	s2 =	simm.s32 @!p0 $0x1C05  }
0xdc: {  	[timem:s3], [sflag:s2] =	dma.local @!p0 [hbm:s0], s1  }
0xdd: {  	s0 =	simm.s32 @!p0 $0x5  }
0xde: {  	_ =	swait.ge @!p0 [sflag:s0], s1  }
0xdf: {  	s1 =	ssub.s32 @!p0 $0x0, s1;
	[sflag:s0] =	ssyncset.done @!p0 $0x0  }
0xe0: {  	[sflag:s0] =	ssyncadd.s32 @!p0 s1  }
0xe1: {  	[bflag:$0x3] =	sbarrier.arrive $0xFFFF  }
0xe2: {  	_ =	shalt  }

</sc_bundles>
